<compile_context>
chip_gen: v7x
topology: tpu7x:2x2x1
jax: 0.10.2.dev20260603
libtpu: 0.0.44.dev20260713+nightly
codegen_flags: <defaults>
</compile_context>

<pallas_src>
import functools

import jax
import jax.numpy as jnp
from jax import lax
from jax.experimental import pallas as pl
from jax.experimental.pallas import tpu as pltpu
from jax.experimental.pallas import tpu_sc as plsc

EMB = 64
NC = 2
NS = 16
NW = NC * NS
LANES = 16
NBUF = 3
SPG = 2


def _sc_pool_sums(x_flat, table, B, S):
    b_per_w = B // NW
    idx_per_w = b_per_w * S
    n_chunks = EMB // LANES

    mesh = plsc.VectorSubcoreMesh(core_axis_name="c", subcore_axis_name="s")

    @functools.partial(
        pl.kernel,
        out_type=jax.ShapeDtypeStruct((B, EMB), jnp.float32),
        mesh=mesh,
        compiler_params=pltpu.CompilerParams(use_tc_tiling_on_sc=False),
        scratch_types=(
            [pltpu.VMEM((idx_per_w,), jnp.int32)]
            + [pltpu.VMEM((SPG * S, EMB), jnp.float32) for _ in range(NBUF)]
            + [pltpu.VMEM((b_per_w, EMB), jnp.float32)]
            + [pltpu.SemaphoreType.DMA for _ in range(NBUF)]
        ),
    )
    def k(x_hbm, table_hbm, out_hbm, idx_v, *rest):
        rows = rest[:NBUF]
        sums_v = rest[NBUF]
        sems = rest[NBUF + 1:]
        n_groups = b_per_w // SPG

        wid = lax.axis_index("s") * NC + lax.axis_index("c")
        base = wid * idx_per_w
        pltpu.sync_copy(x_hbm.at[pl.ds(base, idx_per_w)], idx_v)

        def gather(g, bq):
            return pltpu.make_async_copy(
                table_hbm.at[idx_v.at[pl.ds(g * SPG * S, SPG * S)]],
                rows[bq], sems[bq],
            )

        for bq in range(NBUF):
            gather(bq, bq).start()

        def accumulate(buf_ref, g):
            for u in range(SPG):
                def acc_body(j, carry):
                    return tuple(
                        carry[c] + buf_ref[u * S + j, pl.ds(c * LANES, LANES)]
                        for c in range(n_chunks)
                    )

                acc = lax.fori_loop(
                    0, S, acc_body,
                    tuple(jnp.zeros((LANES,), jnp.float32)
                          for _ in range(n_chunks)),
                    unroll=8,
                )
                for c in range(n_chunks):
                    sums_v[g * SPG + u, pl.ds(c * LANES, LANES)] = acc[c]

        n_outer = n_groups // NBUF

        def outer(gg, _):
            for bq in range(NBUF):
                g = gg * NBUF + bq
                gather(g, bq).wait()
                accumulate(rows[bq], g)
                nxt = g + NBUF

                @pl.when(nxt < n_groups)
                def _start_next():
                    gather(nxt, bq).start()

            return _

        lax.fori_loop(0, n_outer, outer, 0)
        for bq in range(n_groups % NBUF):
            g = n_outer * NBUF + bq
            gather(g, bq).wait()
            accumulate(rows[bq], g)
        pltpu.sync_copy(sums_v, out_hbm.at[pl.ds(wid * b_per_w, b_per_w)])

    return k(x_flat, table)


def _tc_epilogue(sums, lens_col, Wt, bp, B):
    OUTP = Wt.shape[1]

    def body(s_ref, l_ref, w_ref, b_ref, o_ref):
        means = s_ref[...] / l_ref[...]
        rep = jnp.tanh(means)
        o_ref[...] = (
            jnp.dot(rep, w_ref[...], preferred_element_type=jnp.float32)
            + b_ref[...]
        )

    return pl.pallas_call(
        body,
        out_shape=jax.ShapeDtypeStruct((B, OUTP), jnp.float32),
    )(sums, lens_col, Wt, bp)


def kernel(x, lengths, table, W, b):
    B, S = x.shape
    OUT = W.shape[0]
    OUTP = 8

    x_flat = x.reshape(-1)
    sums = _sc_pool_sums(x_flat, table, B, S)

    lens_col = lengths[1].reshape(B, 1).astype(jnp.float32)
    Wt = jnp.zeros((EMB, OUTP), W.dtype).at[:, :OUT].set(W.T)
    bp = jnp.zeros((1, OUTP), b.dtype).at[0, :OUT].set(b)
    logits = _tc_epilogue(sums, lens_col, Wt, bp, B)
    return logits[:, :OUT]

# --- scband reference (transcript-rebuilt; emitter-appended) ---
"""Pipeline reference for scband-pre-lab-baseline-dnn-61795989455604 (READ-ONLY COPY).

The authoritative reference and input builder live on the scoring server;
editing this copy changes nothing except your own understanding.
"""

import jax, jax.numpy as jnp
import numpy as np

VOCAB = 100000
EMB_DIM = 64
BATCH = 4096
SEQ = 200
OUT = 5

def setup_inputs(seed: int = 0) -> dict:
    key = jax.random.key(seed)
    k1, k2, k3, k4 = jax.random.split(key, 4)
    x = jax.random.randint(k1, (BATCH, SEQ), 0, VOCAB, dtype=jnp.int64 if jax.config.jax_enable_x64 else jnp.int32).astype(jnp.int32)
    lengths = jnp.arange(2 * BATCH).reshape(2, BATCH).astype(jnp.int32)
    table = jax.random.normal(k2, (VOCAB, EMB_DIM), dtype=jnp.float32)
    W = jax.random.normal(k3, (OUT, EMB_DIM), dtype=jnp.float32) * 0.05
    b = jax.random.normal(k4, (OUT,), dtype=jnp.float32) * 0.01
    return {"x": x, "lengths": lengths, "table": table, "W": W, "b": b}

def reference(x, lengths, table, W, b):
    # embedding lookup (gather)
    emb = jnp.take(table, x, axis=0)            # [B, S, D]
    # mean pooling by provided lengths (lengths[1] holds per-sample lens)
    sums = jnp.sum(emb, axis=1).astype(jnp.float32)   # [B, D]
    lens = lengths[1].reshape(-1, 1).astype(jnp.float32)  # [B, 1]
    means = sums / lens
    rep = jnp.tanh(means)
    logits = rep @ W.T + b
    return logits

if __name__ == "__main__":
    import jax
    _d = setup_inputs()
    print(jax.jit(kernel)(*tuple(_d.values())))

</pallas_src>

<mosaic_0001>
#map = affine_map<(d0, d1) -> (0)>
#map1 = affine_map<(d0, d1) -> (0, 0)>
module attributes {stable_mosaic.version = 14 : i64} {
  func.func @k(%arg0: i32, %arg1: i32, %arg2: memref<819200xi32, #tpu.memory_space<hbm>>, %arg3: memref<100000x64xf32, #tpu.memory_space<hbm>>, %arg4: memref<4096x64xf32, #tpu.memory_space<hbm>>, %arg5: memref<25600xi32, #tpu.memory_space<vmem>>, %arg6: memref<400x64xf32, #tpu.memory_space<vmem>>, %arg7: memref<400x64xf32, #tpu.memory_space<vmem>>, %arg8: memref<400x64xf32, #tpu.memory_space<vmem>>, %arg9: memref<128x64xf32, #tpu.memory_space<vmem>>, %arg10: memref<!tpu.dma_semaphore, #tpu.memory_space<semaphore_mem>>, %arg11: memref<!tpu.dma_semaphore, #tpu.memory_space<semaphore_mem>>, %arg12: memref<!tpu.dma_semaphore, #tpu.memory_space<semaphore_mem>>) attributes {dimension_semantics = [#tpu.dimension_semantics<core_parallel>, #tpu.dimension_semantics<subcore_parallel>], iteration_bounds = array<i64: 2, 16>, scalar_prefetch = 0 : i64, scratch_operands = 8 : i64, tpu.core_type = #tpu.core_type<sc_vector_subcore>, window_params = [{transform_indices = #map}, {transform_indices = #map1}, {transform_indices = #map1}]} {
    %mul3A = arith.constant 2 : i32
    %mul3A_0 = arith.muli %arg1, %mul3A : i32
    %add3A = arith.addi %mul3A_0, %arg0 : i32
    %mul3A_1 = arith.constant 25600 : i32
    %mul3A_2 = arith.muli %add3A, %mul3A_1 : i32
    "tpu.region"() ({
      %run_scoped3A = tpu.sem_alloc : memref<!tpu.dma_semaphore, #tpu.memory_space<semaphore_mem>>
      %dma_start3A_102 = tpu.memref_slice %arg2[%mul3A_2] : memref<819200xi32, #tpu.memory_space<hbm>> -> memref<25600xi32, #tpu.memory_space<hbm>>
      %dma_start3A_103 = tpu.memref_slice %arg2[%mul3A_2] : memref<819200xi32, #tpu.memory_space<hbm>> -> memref<25600xi32, #tpu.memory_space<hbm>>
      tpu.enqueue_dma source(%dma_start3A_103 : memref<25600xi32, #tpu.memory_space<hbm>>) target(%arg5 : memref<25600xi32, #tpu.memory_space<vmem>>) target_semaphore(%run_scoped3A : memref<!tpu.dma_semaphore, #tpu.memory_space<semaphore_mem>>)
      %dma_wait3A_104 = tpu.memref_slice %arg2[%mul3A_2] : memref<819200xi32, #tpu.memory_space<hbm>> -> memref<25600xi32, #tpu.memory_space<hbm>>
      %dma_wait3A_105 = tpu.memref_slice %arg2[%mul3A_2] : memref<819200xi32, #tpu.memory_space<hbm>> -> memref<25600xi32, #tpu.memory_space<hbm>>
      tpu.wait_dma2 semaphore(%run_scoped3A : memref<!tpu.dma_semaphore, #tpu.memory_space<semaphore_mem>>) src(%dma_wait3A_105 : memref<25600xi32, #tpu.memory_space<hbm>>) dst(%arg5 : memref<25600xi32, #tpu.memory_space<vmem>>)
      tpu.yield
    }) : () -> ()
    %dma_start3A = arith.constant 0 : i32
    %dma_start3A_3 = tpu.memref_slice %arg5[%dma_start3A] : memref<25600xi32, #tpu.memory_space<vmem>> -> memref<400xi32, #tpu.memory_space<vmem>>
    %dma_start3A_4 = arith.constant 0 : i32
    %dma_start3A_5 = arith.constant 0 : i32
    %dma_start3A_6 = tpu.memref_slice %arg3[%dma_start3A_4, %dma_start3A_5] : memref<100000x64xf32, #tpu.memory_space<hbm>> -> memref<100000x64xf32, #tpu.memory_space<hbm>>
    tpu.enqueue_indirect_dma source(%dma_start3A_6 : memref<100000x64xf32, #tpu.memory_space<hbm>>) target(%arg6 : memref<400x64xf32, #tpu.memory_space<vmem>>) offsets(%dma_start3A_3 : memref<400xi32, #tpu.memory_space<vmem>>) semaphore(%arg10 : memref<!tpu.dma_semaphore, #tpu.memory_space<semaphore_mem>>)
    %dma_start3A_7 = arith.constant 400 : i32
    %dma_start3A_8 = tpu.memref_slice %arg5[%dma_start3A_7] : memref<25600xi32, #tpu.memory_space<vmem>> -> memref<400xi32, #tpu.memory_space<vmem>>
    %dma_start3A_9 = arith.constant 0 : i32
    %dma_start3A_10 = arith.constant 0 : i32
    %dma_start3A_11 = tpu.memref_slice %arg3[%dma_start3A_9, %dma_start3A_10] : memref<100000x64xf32, #tpu.memory_space<hbm>> -> memref<100000x64xf32, #tpu.memory_space<hbm>>
    tpu.enqueue_indirect_dma source(%dma_start3A_11 : memref<100000x64xf32, #tpu.memory_space<hbm>>) target(%arg7 : memref<400x64xf32, #tpu.memory_space<vmem>>) offsets(%dma_start3A_8 : memref<400xi32, #tpu.memory_space<vmem>>) semaphore(%arg11 : memref<!tpu.dma_semaphore, #tpu.memory_space<semaphore_mem>>)
    %dma_start3A_12 = arith.constant 800 : i32
    %dma_start3A_13 = tpu.memref_slice %arg5[%dma_start3A_12] : memref<25600xi32, #tpu.memory_space<vmem>> -> memref<400xi32, #tpu.memory_space<vmem>>
    %dma_start3A_14 = arith.constant 0 : i32
    %dma_start3A_15 = arith.constant 0 : i32
    %dma_start3A_16 = tpu.memref_slice %arg3[%dma_start3A_14, %dma_start3A_15] : memref<100000x64xf32, #tpu.memory_space<hbm>> -> memref<100000x64xf32, #tpu.memory_space<hbm>>
    tpu.enqueue_indirect_dma source(%dma_start3A_16 : memref<100000x64xf32, #tpu.memory_space<hbm>>) target(%arg8 : memref<400x64xf32, #tpu.memory_space<vmem>>) offsets(%dma_start3A_13 : memref<400xi32, #tpu.memory_space<vmem>>) semaphore(%arg12 : memref<!tpu.dma_semaphore, #tpu.memory_space<semaphore_mem>>)
    %scan3A = arith.constant 0 : i32
    %scan3A_17 = arith.constant 0 : i32
    %scan3A_18 = arith.constant 21 : i32
    %scan3A_19 = arith.addi %scan3A_17, %scan3A_18 : i32
    %scan3A_20 = arith.constant 1 : i32
    scf.for %scan3A_102 = %scan3A_17 to %scan3A_19 step %scan3A_20  : i32 {
      %mul3A_103 = arith.constant 3 : i32
      %mul3A_104 = arith.muli %scan3A_102, %mul3A_103 : i32
      %add3A_105 = arith.constant 0 : i32
      %add3A_106 = arith.addi %mul3A_104, %add3A_105 : i32
      %mul3A_107 = arith.constant 2 : i32
      %mul3A_108 = arith.muli %add3A_106, %mul3A_107 : i32
      %mul3A_109 = arith.constant 200 : i32
      %mul3A_110 = arith.muli %mul3A_108, %mul3A_109 : i32
      %dma_wait3A_111 = tpu.memref_slice %arg5[%mul3A_110] : memref<25600xi32, #tpu.memory_space<vmem>> -> memref<400xi32, #tpu.memory_space<vmem>>
      %dma_wait3A_112 = arith.constant 0 : i32
      %dma_wait3A_113 = arith.constant 0 : i32
      %dma_wait3A_114 = tpu.memref_slice %arg3[%dma_wait3A_112, %dma_wait3A_113] : memref<100000x64xf32, #tpu.memory_space<hbm>> -> memref<100000x64xf32, #tpu.memory_space<hbm>>
      tpu.wait_indirect_dma semaphore(%arg10 : memref<!tpu.dma_semaphore, #tpu.memory_space<semaphore_mem>>) src(%dma_wait3A_114 : memref<100000x64xf32, #tpu.memory_space<hbm>>) dst(%arg6 : memref<400x64xf32, #tpu.memory_space<vmem>>)
      %broadcast_in_dim3A_115 = arith.constant 0.000000e+00 : f32
      %broadcast_in_dim3A_116 = vector.broadcast %broadcast_in_dim3A_115 : f32 to vector<16xf32>
      %broadcast_in_dim3A_117 = arith.constant 0.000000e+00 : f32
      %broadcast_in_dim3A_118 = vector.broadcast %broadcast_in_dim3A_117 : f32 to vector<16xf32>
      %broadcast_in_dim3A_119 = arith.constant 0.000000e+00 : f32
      %broadcast_in_dim3A_120 = vector.broadcast %broadcast_in_dim3A_119 : f32 to vector<16xf32>
      %broadcast_in_dim3A_121 = arith.constant 0.000000e+00 : f32
      %broadcast_in_dim3A_122 = vector.broadcast %broadcast_in_dim3A_121 : f32 to vector<16xf32>
      %scan3A_123 = arith.constant 0 : i32
      %scan3A_124 = arith.constant 200 : i32
      %scan3A_125 = arith.addi %scan3A_123, %scan3A_124 : i32
      %scan3A_126 = arith.constant 8 : i32
      %scan3A_127:4 = scf.for %scan3A_457 = %scan3A_123 to %scan3A_125 step %scan3A_126 iter_args(%scan3A_458 = %broadcast_in_dim3A_116, %scan3A_459 = %broadcast_in_dim3A_118, %scan3A_460 = %broadcast_in_dim3A_120, %scan3A_461 = %broadcast_in_dim3A_122) -> (vector<16xf32>, vector<16xf32>, vector<16xf32>, vector<16xf32>)  : i32 {
        %add3A_462 = arith.constant 0 : i32
        %add3A_463 = arith.addi %add3A_462, %scan3A_457 : i32
        %get3A = arith.index_cast %add3A_463 : i32 to index
        %get3A_464 = arith.constant 0 : index
        %get3A_465 = tpu.vector_load %arg6[%get3A, %get3A_464] {strides = array<i32>} : memref<400x64xf32, #tpu.memory_space<vmem>>, vector<1x16xf32>,
        %get3A_466 = vector.shape_cast %get3A_465 : vector<1x16xf32> to vector<16xf32>
        %add3A_467 = arith.addf %scan3A_458, %get3A_466 : vector<16xf32>
        %add3A_468 = arith.constant 0 : i32
        %add3A_469 = arith.addi %add3A_468, %scan3A_457 : i32
        %get3A_470 = arith.index_cast %add3A_469 : i32 to index
        %get3A_471 = arith.constant 16 : index
        %get3A_472 = tpu.vector_load %arg6[%get3A_470, %get3A_471] {strides = array<i32>} : memref<400x64xf32, #tpu.memory_space<vmem>>, vector<1x16xf32>,
        %get3A_473 = vector.shape_cast %get3A_472 : vector<1x16xf32> to vector<16xf32>
        %add3A_474 = arith.addf %scan3A_459, %get3A_473 : vector<16xf32>
        %add3A_475 = arith.constant 0 : i32
        %add3A_476 = arith.addi %add3A_475, %scan3A_457 : i32
        %get3A_477 = arith.index_cast %add3A_476 : i32 to index
        %get3A_478 = arith.constant 32 : index
        %get3A_479 = tpu.vector_load %arg6[%get3A_477, %get3A_478] {strides = array<i32>} : memref<400x64xf32, #tpu.memory_space<vmem>>, vector<1x16xf32>,
        %get3A_480 = vector.shape_cast %get3A_479 : vector<1x16xf32> to vector<16xf32>
        %add3A_481 = arith.addf %scan3A_460, %get3A_480 : vector<16xf32>
        %add3A_482 = arith.constant 0 : i32
        %add3A_483 = arith.addi %add3A_482, %scan3A_457 : i32
        %get3A_484 = arith.index_cast %add3A_483 : i32 to index
        %get3A_485 = arith.constant 48 : index
        %get3A_486 = tpu.vector_load %arg6[%get3A_484, %get3A_485] {strides = array<i32>} : memref<400x64xf32, #tpu.memory_space<vmem>>, vector<1x16xf32>,
        %get3A_487 = vector.shape_cast %get3A_486 : vector<1x16xf32> to vector<16xf32>
        %add3A_488 = arith.addf %scan3A_461, %get3A_487 : vector<16xf32>
        %scan3A_489 = arith.constant 1 : i32
        %scan3A_490 = arith.addi %scan3A_457, %scan3A_489 : i32
        %add3A_491 = arith.constant 0 : i32
        %add3A_492 = arith.addi %add3A_491, %scan3A_490 : i32
        %get3A_493 = arith.index_cast %add3A_492 : i32 to index
        %get3A_494 = arith.constant 0 : index
        %get3A_495 = tpu.vector_load %arg6[%get3A_493, %get3A_494] {strides = array<i32>} : memref<400x64xf32, #tpu.memory_space<vmem>>, vector<1x16xf32>,
        %get3A_496 = vector.shape_cast %get3A_495 : vector<1x16xf32> to vector<16xf32>
        %add3A_497 = arith.addf %add3A_467, %get3A_496 : vector<16xf32>
        %add3A_498 = arith.constant 0 : i32
        %add3A_499 = arith.addi %add3A_498, %scan3A_490 : i32
        %get3A_500 = arith.index_cast %add3A_499 : i32 to index
        %get3A_501 = arith.constant 16 : index
        %get3A_502 = tpu.vector_load %arg6[%get3A_500, %get3A_501] {strides = array<i32>} : memref<400x64xf32, #tpu.memory_space<vmem>>, vector<1x16xf32>,
        %get3A_503 = vector.shape_cast %get3A_502 : vector<1x16xf32> to vector<16xf32>
        %add3A_504 = arith.addf %add3A_474, %get3A_503 : vector<16xf32>
        %add3A_505 = arith.constant 0 : i32
        %add3A_506 = arith.addi %add3A_505, %scan3A_490 : i32
        %get3A_507 = arith.index_cast %add3A_506 : i32 to index
        %get3A_508 = arith.constant 32 : index
        %get3A_509 = tpu.vector_load %arg6[%get3A_507, %get3A_508] {strides = array<i32>} : memref<400x64xf32, #tpu.memory_space<vmem>>, vector<1x16xf32>,
        %get3A_510 = vector.shape_cast %get3A_509 : vector<1x16xf32> to vector<16xf32>
        %add3A_511 = arith.addf %add3A_481, %get3A_510 : vector<16xf32>
        %add3A_512 = arith.constant 0 : i32
        %add3A_513 = arith.addi %add3A_512, %scan3A_490 : i32
        %get3A_514 = arith.index_cast %add3A_513 : i32 to index
        %get3A_515 = arith.constant 48 : index
        %get3A_516 = tpu.vector_load %arg6[%get3A_514, %get3A_515] {strides = array<i32>} : memref<400x64xf32, #tpu.memory_space<vmem>>, vector<1x16xf32>,
        %get3A_517 = vector.shape_cast %get3A_516 : vector<1x16xf32> to vector<16xf32>
        %add3A_518 = arith.addf %add3A_488, %get3A_517 : vector<16xf32>
        %scan3A_519 = arith.constant 2 : i32
        %scan3A_520 = arith.addi %scan3A_457, %scan3A_519 : i32
        %add3A_521 = arith.constant 0 : i32
        %add3A_522 = arith.addi %add3A_521, %scan3A_520 : i32
        %get3A_523 = arith.index_cast %add3A_522 : i32 to index
        %get3A_524 = arith.constant 0 : index
        %get3A_525 = tpu.vector_load %arg6[%get3A_523, %get3A_524] {strides = array<i32>} : memref<400x64xf32, #tpu.memory_space<vmem>>, vector<1x16xf32>,
        %get3A_526 = vector.shape_cast %get3A_525 : vector<1x16xf32> to vector<16xf32>
        %add3A_527 = arith.addf %add3A_497, %get3A_526 : vector<16xf32>
        %add3A_528 = arith.constant 0 : i32
        %add3A_529 = arith.addi %add3A_528, %scan3A_520 : i32
        %get3A_530 = arith.index_cast %add3A_529 : i32 to index
        %get3A_531 = arith.constant 16 : index
        %get3A_532 = tpu.vector_load %arg6[%get3A_530, %get3A_531] {strides = array<i32>} : memref<400x64xf32, #tpu.memory_space<vmem>>, vector<1x16xf32>,
        %get3A_533 = vector.shape_cast %get3A_532 : vector<1x16xf32> to vector<16xf32>
        %add3A_534 = arith.addf %add3A_504, %get3A_533 : vector<16xf32>
        %add3A_535 = arith.constant 0 : i32
        %add3A_536 = arith.addi %add3A_535, %scan3A_520 : i32
        %get3A_537 = arith.index_cast %add3A_536 : i32 to index
        %get3A_538 = arith.constant 32 : index
        %get3A_539 = tpu.vector_load %arg6[%get3A_537, %get3A_538] {strides = array<i32>} : memref<400x64xf32, #tpu.memory_space<vmem>>, vector<1x16xf32>,
        %get3A_540 = vector.shape_cast %get3A_539 : vector<1x16xf32> to vector<16xf32>
        %add3A_541 = arith.addf %add3A_511, %get3A_540 : vector<16xf32>
        %add3A_542 = arith.constant 0 : i32
        %add3A_543 = arith.addi %add3A_542, %scan3A_520 : i32
        %get3A_544 = arith.index_cast %add3A_543 : i32 to index
        %get3A_545 = arith.constant 48 : index
        %get3A_546 = tpu.vector_load %arg6[%get3A_544, %get3A_545] {strides = array<i32>} : memref<400x64xf32, #tpu.memory_space<vmem>>, vector<1x16xf32>,
        %get3A_547 = vector.shape_cast %get3A_546 : vector<1x16xf32> to vector<16xf32>
        %add3A_548 = arith.addf %add3A_518, %get3A_547 : vector<16xf32>
        %scan3A_549 = arith.constant 3 : i32
        %scan3A_550 = arith.addi %scan3A_457, %scan3A_549 : i32
        %add3A_551 = arith.constant 0 : i32
        %add3A_552 = arith.addi %add3A_551, %scan3A_550 : i32
        %get3A_553 = arith.index_cast %add3A_552 : i32 to index
        %get3A_554 = arith.constant 0 : index
        %get3A_555 = tpu.vector_load %arg6[%get3A_553, %get3A_554] {strides = array<i32>} : memref<400x64xf32, #tpu.memory_space<vmem>>, vector<1x16xf32>,
        %get3A_556 = vector.shape_cast %get3A_555 : vector<1x16xf32> to vector<16xf32>
        %add3A_557 = arith.addf %add3A_527, %get3A_556 : vector<16xf32>
        %add3A_558 = arith.constant 0 : i32
        %add3A_559 = arith.addi %add3A_558, %scan3A_550 : i32
        %get3A_560 = arith.index_cast %add3A_559 : i32 to index
        %get3A_561 = arith.constant 16 : index
        %get3A_562 = tpu.vector_load %arg6[%get3A_560, %get3A_561] {strides = array<i32>} : memref<400x64xf32, #tpu.memory_space<vmem>>, vector<1x16xf32>,
        %get3A_563 = vector.shape_cast %get3A_562 : vector<1x16xf32> to vector<16xf32>
        %add3A_564 = arith.addf %add3A_534, %get3A_563 : vector<16xf32>
        %add3A_565 = arith.constant 0 : i32
        %add3A_566 = arith.addi %add3A_565, %scan3A_550 : i32
        %get3A_567 = arith.index_cast %add3A_566 : i32 to index
        %get3A_568 = arith.constant 32 : index
        %get3A_569 = tpu.vector_load %arg6[%get3A_567, %get3A_568] {strides = array<i32>} : memref<400x64xf32, #tpu.memory_space<vmem>>, vector<1x16xf32>,
        %get3A_570 = vector.shape_cast %get3A_569 : vector<1x16xf32> to vector<16xf32>
        %add3A_571 = arith.addf %add3A_541, %get3A_570 : vector<16xf32>
        %add3A_572 = arith.constant 0 : i32
        %add3A_573 = arith.addi %add3A_572, %scan3A_550 : i32
        %get3A_574 = arith.index_cast %add3A_573 : i32 to index
        %get3A_575 = arith.constant 48 : index
        %get3A_576 = tpu.vector_load %arg6[%get3A_574, %get3A_575] {strides = array<i32>} : memref<400x64xf32, #tpu.memory_space<vmem>>, vector<1x16xf32>,
        %get3A_577 = vector.shape_cast %get3A_576 : vector<1x16xf32> to vector<16xf32>
        %add3A_578 = arith.addf %add3A_548, %get3A_577 : vector<16xf32>
        %scan3A_579 = arith.constant 4 : i32
        %scan3A_580 = arith.addi %scan3A_457, %scan3A_579 : i32
        %add3A_581 = arith.constant 0 : i32
        %add3A_582 = arith.addi %add3A_581, %scan3A_580 : i32
        %get3A_583 = arith.index_cast %add3A_582 : i32 to index
        %get3A_584 = arith.constant 0 : index
        %get3A_585 = tpu.vector_load %arg6[%get3A_583, %get3A_584] {strides = array<i32>} : memref<400x64xf32, #tpu.memory_space<vmem>>, vector<1x16xf32>,
        %get3A_586 = vector.shape_cast %get3A_585 : vector<1x16xf32> to vector<16xf32>
        %add3A_587 = arith.addf %add3A_557, %get3A_586 : vector<16xf32>
        %add3A_588 = arith.constant 0 : i32
        %add3A_589 = arith.addi %add3A_588, %scan3A_580 : i32
        %get3A_590 = arith.index_cast %add3A_589 : i32 to index
        %get3A_591 = arith.constant 16 : index
        %get3A_592 = tpu.vector_load %arg6[%get3A_590, %get3A_591] {strides = array<i32>} : memref<400x64xf32, #tpu.memory_space<vmem>>, vector<1x16xf32>,
        %get3A_593 = vector.shape_cast %get3A_592 : vector<1x16xf32> to vector<16xf32>
        %add3A_594 = arith.addf %add3A_564, %get3A_593 : vector<16xf32>
        %add3A_595 = arith.constant 0 : i32
        %add3A_596 = arith.addi %add3A_595, %scan3A_580 : i32
        %get3A_597 = arith.index_cast %add3A_596 : i32 to index
        %get3A_598 = arith.constant 32 : index
        %get3A_599 = tpu.vector_load %arg6[%get3A_597, %get3A_598] {strides = array<i32>} : memref<400x64xf32, #tpu.memory_space<vmem>>, vector<1x16xf32>,
        %get3A_600 = vector.shape_cast %get3A_599 : vector<1x16xf32> to vector<16xf32>
        %add3A_601 = arith.addf %add3A_571, %get3A_600 : vector<16xf32>
        %add3A_602 = arith.constant 0 : i32
        %add3A_603 = arith.addi %add3A_602, %scan3A_580 : i32
        %get3A_604 = arith.index_cast %add3A_603 : i32 to index
        %get3A_605 = arith.constant 48 : index
        %get3A_606 = tpu.vector_load %arg6[%get3A_604, %get3A_605] {strides = array<i32>} : memref<400x64xf32, #tpu.memory_space<vmem>>, vector<1x16xf32>,
        %get3A_607 = vector.shape_cast %get3A_606 : vector<1x16xf32> to vector<16xf32>
        %add3A_608 = arith.addf %add3A_578, %get3A_607 : vector<16xf32>
        %scan3A_609 = arith.constant 5 : i32
        %scan3A_610 = arith.addi %scan3A_457, %scan3A_609 : i32
        %add3A_611 = arith.constant 0 : i32
        %add3A_612 = arith.addi %add3A_611, %scan3A_610 : i32
        %get3A_613 = arith.index_cast %add3A_612 : i32 to index
        %get3A_614 = arith.constant 0 : index
        %get3A_615 = tpu.vector_load %arg6[%get3A_613, %get3A_614] {strides = array<i32>} : memref<400x64xf32, #tpu.memory_space<vmem>>, vector<1x16xf32>,
        %get3A_616 = vector.shape_cast %get3A_615 : vector<1x16xf32> to vector<16xf32>
        %add3A_617 = arith.addf %add3A_587, %get3A_616 : vector<16xf32>
        %add3A_618 = arith.constant 0 : i32
        %add3A_619 = arith.addi %add3A_618, %scan3A_610 : i32
        %get3A_620 = arith.index_cast %add3A_619 : i32 to index
        %get3A_621 = arith.constant 16 : index
        %get3A_622 = tpu.vector_load %arg6[%get3A_620, %get3A_621] {strides = array<i32>} : memref<400x64xf32, #tpu.memory_space<vmem>>, vector<1x16xf32>,
        %get3A_623 = vector.shape_cast %get3A_622 : vector<1x16xf32> to vector<16xf32>
        %add3A_624 = arith.addf %add3A_594, %get3A_623 : vector<16xf32>
        %add3A_625 = arith.constant 0 : i32
        %add3A_626 = arith.addi %add3A_625, %scan3A_610 : i32
        %get3A_627 = arith.index_cast %add3A_626 : i32 to index
        %get3A_628 = arith.constant 32 : index
        %get3A_629 = tpu.vector_load %arg6[%get3A_627, %get3A_628] {strides = array<i32>} : memref<400x64xf32, #tpu.memory_space<vmem>>, vector<1x16xf32>,
        %get3A_630 = vector.shape_cast %get3A_629 : vector<1x16xf32> to vector<16xf32>
        %add3A_631 = arith.addf %add3A_601, %get3A_630 : vector<16xf32>
        %add3A_632 = arith.constant 0 : i32
        %add3A_633 = arith.addi %add3A_632, %scan3A_610 : i32
        %get3A_634 = arith.index_cast %add3A_633 : i32 to index
        %get3A_635 = arith.constant 48 : index
        %get3A_636 = tpu.vector_load %arg6[%get3A_634, %get3A_635] {strides = array<i32>} : memref<400x64xf32, #tpu.memory_space<vmem>>, vector<1x16xf32>,
        %get3A_637 = vector.shape_cast %get3A_636 : vector<1x16xf32> to vector<16xf32>
        %add3A_638 = arith.addf %add3A_608, %get3A_637 : vector<16xf32>
        %scan3A_639 = arith.constant 6 : i32
        %scan3A_640 = arith.addi %scan3A_457, %scan3A_639 : i32
        %add3A_641 = arith.constant 0 : i32
        %add3A_642 = arith.addi %add3A_641, %scan3A_640 : i32
        %get3A_643 = arith.index_cast %add3A_642 : i32 to index
        %get3A_644 = arith.constant 0 : index
        %get3A_645 = tpu.vector_load %arg6[%get3A_643, %get3A_644] {strides = array<i32>} : memref<400x64xf32, #tpu.memory_space<vmem>>, vector<1x16xf32>,
        %get3A_646 = vector.shape_cast %get3A_645 : vector<1x16xf32> to vector<16xf32>
        %add3A_647 = arith.addf %add3A_617, %get3A_646 : vector<16xf32>
        %add3A_648 = arith.constant 0 : i32
        %add3A_649 = arith.addi %add3A_648, %scan3A_640 : i32
        %get3A_650 = arith.index_cast %add3A_649 : i32 to index
        %get3A_651 = arith.constant 16 : index
        %get3A_652 = tpu.vector_load %arg6[%get3A_650, %get3A_651] {strides = array<i32>} : memref<400x64xf32, #tpu.memory_space<vmem>>, vector<1x16xf32>,
        %get3A_653 = vector.shape_cast %get3A_652 : vector<1x16xf32> to vector<16xf32>
        %add3A_654 = arith.addf %add3A_624, %get3A_653 : vector<16xf32>
        %add3A_655 = arith.constant 0 : i32
        %add3A_656 = arith.addi %add3A_655, %scan3A_640 : i32
        %get3A_657 = arith.index_cast %add3A_656 : i32 to index
        %get3A_658 = arith.constant 32 : index
        %get3A_659 = tpu.vector_load %arg6[%get3A_657, %get3A_658] {strides = array<i32>} : memref<400x64xf32, #tpu.memory_space<vmem>>, vector<1x16xf32>,
        %get3A_660 = vector.shape_cast %get3A_659 : vector<1x16xf32> to vector<16xf32>
        %add3A_661 = arith.addf %add3A_631, %get3A_660 : vector<16xf32>
        %add3A_662 = arith.constant 0 : i32
        %add3A_663 = arith.addi %add3A_662, %scan3A_640 : i32
        %get3A_664 = arith.index_cast %add3A_663 : i32 to index
        %get3A_665 = arith.constant 48 : index
        %get3A_666 = tpu.vector_load %arg6[%get3A_664, %get3A_665] {strides = array<i32>} : memref<400x64xf32, #tpu.memory_space<vmem>>, vector<1x16xf32>,
        %get3A_667 = vector.shape_cast %get3A_666 : vector<1x16xf32> to vector<16xf32>
        %add3A_668 = arith.addf %add3A_638, %get3A_667 : vector<16xf32>
        %scan3A_669 = arith.constant 7 : i32
        %scan3A_670 = arith.addi %scan3A_457, %scan3A_669 : i32
        %add3A_671 = arith.constant 0 : i32
        %add3A_672 = arith.addi %add3A_671, %scan3A_670 : i32
        %get3A_673 = arith.index_cast %add3A_672 : i32 to index
        %get3A_674 = arith.constant 0 : index
        %get3A_675 = tpu.vector_load %arg6[%get3A_673, %get3A_674] {strides = array<i32>} : memref<400x64xf32, #tpu.memory_space<vmem>>, vector<1x16xf32>,
        %get3A_676 = vector.shape_cast %get3A_675 : vector<1x16xf32> to vector<16xf32>
        %add3A_677 = arith.addf %add3A_647, %get3A_676 : vector<16xf32>
        %add3A_678 = arith.constant 0 : i32
        %add3A_679 = arith.addi %add3A_678, %scan3A_670 : i32
        %get3A_680 = arith.index_cast %add3A_679 : i32 to index
        %get3A_681 = arith.constant 16 : index
        %get3A_682 = tpu.vector_load %arg6[%get3A_680, %get3A_681] {strides = array<i32>} : memref<400x64xf32, #tpu.memory_space<vmem>>, vector<1x16xf32>,
        %get3A_683 = vector.shape_cast %get3A_682 : vector<1x16xf32> to vector<16xf32>
        %add3A_684 = arith.addf %add3A_654, %get3A_683 : vector<16xf32>
        %add3A_685 = arith.constant 0 : i32
        %add3A_686 = arith.addi %add3A_685, %scan3A_670 : i32
        %get3A_687 = arith.index_cast %add3A_686 : i32 to index
        %get3A_688 = arith.constant 32 : index
        %get3A_689 = tpu.vector_load %arg6[%get3A_687, %get3A_688] {strides = array<i32>} : memref<400x64xf32, #tpu.memory_space<vmem>>, vector<1x16xf32>,
        %get3A_690 = vector.shape_cast %get3A_689 : vector<1x16xf32> to vector<16xf32>
        %add3A_691 = arith.addf %add3A_661, %get3A_690 : vector<16xf32>
        %add3A_692 = arith.constant 0 : i32
        %add3A_693 = arith.addi %add3A_692, %scan3A_670 : i32
        %get3A_694 = arith.index_cast %add3A_693 : i32 to index
        %get3A_695 = arith.constant 48 : index
        %get3A_696 = tpu.vector_load %arg6[%get3A_694, %get3A_695] {strides = array<i32>} : memref<400x64xf32, #tpu.memory_space<vmem>>, vector<1x16xf32>,
        %get3A_697 = vector.shape_cast %get3A_696 : vector<1x16xf32> to vector<16xf32>
        %add3A_698 = arith.addf %add3A_668, %get3A_697 : vector<16xf32>
        scf.yield %add3A_677, %add3A_684, %add3A_691, %add3A_698 : vector<16xf32>, vector<16xf32>, vector<16xf32>, vector<16xf32>
      }
      %scan3A_128 = arith.constant 200 : i32
      %mul3A_129 = arith.constant 2 : i32
      %mul3A_130 = arith.muli %add3A_106, %mul3A_129 : i32
      %add3A_131 = arith.constant 0 : i32
      %add3A_132 = arith.addi %mul3A_130, %add3A_131 : i32
      %swap3A_133 = arith.index_cast %add3A_132 : i32 to index
      %swap3A_134 = arith.constant 0 : index
      %swap3A_135 = tpu.vector_load %arg9[%swap3A_133, %swap3A_134] {strides = array<i32>} : memref<128x64xf32, #tpu.memory_space<vmem>>, vector<1x16xf32>,
      %swap3A_136 = vector.shape_cast %swap3A_135 : vector<1x16xf32> to vector<16xf32>
      %swap3A_137 = vector.shape_cast %scan3A_127#0 : vector<16xf32> to vector<1x16xf32>
      tpu.vector_store %arg9[%swap3A_133, %swap3A_134], %swap3A_137 {strides = array<i32>} : memref<128x64xf32, #tpu.memory_space<vmem>>, vector<1x16xf32>,
      %mul3A_138 = arith.constant 2 : i32
      %mul3A_139 = arith.muli %add3A_106, %mul3A_138 : i32
      %add3A_140 = arith.constant 0 : i32
      %add3A_141 = arith.addi %mul3A_139, %add3A_140 : i32
      %swap3A_142 = arith.index_cast %add3A_141 : i32 to index
      %swap3A_143 = arith.constant 16 : index
      %swap3A_144 = tpu.vector_load %arg9[%swap3A_142, %swap3A_143] {strides = array<i32>} : memref<128x64xf32, #tpu.memory_space<vmem>>, vector<1x16xf32>,
      %swap3A_145 = vector.shape_cast %swap3A_144 : vector<1x16xf32> to vector<16xf32>
      %swap3A_146 = vector.shape_cast %scan3A_127#1 : vector<16xf32> to vector<1x16xf32>
      tpu.vector_store %arg9[%swap3A_142, %swap3A_143], %swap3A_146 {strides = array<i32>} : memref<128x64xf32, #tpu.memory_space<vmem>>, vector<1x16xf32>,
      %mul3A_147 = arith.constant 2 : i32
      %mul3A_148 = arith.muli %add3A_106, %mul3A_147 : i32
      %add3A_149 = arith.constant 0 : i32
      %add3A_150 = arith.addi %mul3A_148, %add3A_149 : i32
      %swap3A_151 = arith.index_cast %add3A_150 : i32 to index
      %swap3A_152 = arith.constant 32 : index
      %swap3A_153 = tpu.vector_load %arg9[%swap3A_151, %swap3A_152] {strides = array<i32>} : memref<128x64xf32, #tpu.memory_space<vmem>>, vector<1x16xf32>,
      %swap3A_154 = vector.shape_cast %swap3A_153 : vector<1x16xf32> to vector<16xf32>
      %swap3A_155 = vector.shape_cast %scan3A_127#2 : vector<16xf32> to vector<1x16xf32>
      tpu.vector_store %arg9[%swap3A_151, %swap3A_152], %swap3A_155 {strides = array<i32>} : memref<128x64xf32, #tpu.memory_space<vmem>>, vector<1x16xf32>,
      %mul3A_156 = arith.constant 2 : i32
      %mul3A_157 = arith.muli %add3A_106, %mul3A_156 : i32
      %add3A_158 = arith.constant 0 : i32
      %add3A_159 = arith.addi %mul3A_157, %add3A_158 : i32
      %swap3A_160 = arith.index_cast %add3A_159 : i32 to index
      %swap3A_161 = arith.constant 48 : index
      %swap3A_162 = tpu.vector_load %arg9[%swap3A_160, %swap3A_161] {strides = array<i32>} : memref<128x64xf32, #tpu.memory_space<vmem>>, vector<1x16xf32>,
      %swap3A_163 = vector.shape_cast %swap3A_162 : vector<1x16xf32> to vector<16xf32>
      %swap3A_164 = vector.shape_cast %scan3A_127#3 : vector<16xf32> to vector<1x16xf32>
      tpu.vector_store %arg9[%swap3A_160, %swap3A_161], %swap3A_164 {strides = array<i32>} : memref<128x64xf32, #tpu.memory_space<vmem>>, vector<1x16xf32>,
      %broadcast_in_dim3A_165 = arith.constant 0.000000e+00 : f32
      %broadcast_in_dim3A_166 = vector.broadcast %broadcast_in_dim3A_165 : f32 to vector<16xf32>
      %broadcast_in_dim3A_167 = arith.constant 0.000000e+00 : f32
      %broadcast_in_dim3A_168 = vector.broadcast %broadcast_in_dim3A_167 : f32 to vector<16xf32>
      %broadcast_in_dim3A_169 = arith.constant 0.000000e+00 : f32
      %broadcast_in_dim3A_170 = vector.broadcast %broadcast_in_dim3A_169 : f32 to vector<16xf32>
      %broadcast_in_dim3A_171 = arith.constant 0.000000e+00 : f32
      %broadcast_in_dim3A_172 = vector.broadcast %broadcast_in_dim3A_171 : f32 to vector<16xf32>
      %scan3A_173 = arith.constant 0 : i32
      %scan3A_174 = arith.constant 200 : i32
      %scan3A_175 = arith.addi %scan3A_173, %scan3A_174 : i32
      %scan3A_176 = arith.constant 8 : i32
      %scan3A_177:4 = scf.for %scan3A_457 = %scan3A_173 to %scan3A_175 step %scan3A_176 iter_args(%scan3A_458 = %broadcast_in_dim3A_166, %scan3A_459 = %broadcast_in_dim3A_168, %scan3A_460 = %broadcast_in_dim3A_170, %scan3A_461 = %broadcast_in_dim3A_172) -> (vector<16xf32>, vector<16xf32>, vector<16xf32>, vector<16xf32>)  : i32 {
        %add3A_462 = arith.constant 200 : i32
        %add3A_463 = arith.addi %add3A_462, %scan3A_457 : i32
        %get3A = arith.index_cast %add3A_463 : i32 to index
        %get3A_464 = arith.constant 0 : index
        %get3A_465 = tpu.vector_load %arg6[%get3A, %get3A_464] {strides = array<i32>} : memref<400x64xf32, #tpu.memory_space<vmem>>, vector<1x16xf32>,
        %get3A_466 = vector.shape_cast %get3A_465 : vector<1x16xf32> to vector<16xf32>
        %add3A_467 = arith.addf %scan3A_458, %get3A_466 : vector<16xf32>
        %add3A_468 = arith.constant 200 : i32
        %add3A_469 = arith.addi %add3A_468, %scan3A_457 : i32
        %get3A_470 = arith.index_cast %add3A_469 : i32 to index
        %get3A_471 = arith.constant 16 : index
        %get3A_472 = tpu.vector_load %arg6[%get3A_470, %get3A_471] {strides = array<i32>} : memref<400x64xf32, #tpu.memory_space<vmem>>, vector<1x16xf32>,
        %get3A_473 = vector.shape_cast %get3A_472 : vector<1x16xf32> to vector<16xf32>
        %add3A_474 = arith.addf %scan3A_459, %get3A_473 : vector<16xf32>
        %add3A_475 = arith.constant 200 : i32
        %add3A_476 = arith.addi %add3A_475, %scan3A_457 : i32
        %get3A_477 = arith.index_cast %add3A_476 : i32 to index
        %get3A_478 = arith.constant 32 : index
        %get3A_479 = tpu.vector_load %arg6[%get3A_477, %get3A_478] {strides = array<i32>} : memref<400x64xf32, #tpu.memory_space<vmem>>, vector<1x16xf32>,
        %get3A_480 = vector.shape_cast %get3A_479 : vector<1x16xf32> to vector<16xf32>
        %add3A_481 = arith.addf %scan3A_460, %get3A_480 : vector<16xf32>
        %add3A_482 = arith.constant 200 : i32
        %add3A_483 = arith.addi %add3A_482, %scan3A_457 : i32
        %get3A_484 = arith.index_cast %add3A_483 : i32 to index
        %get3A_485 = arith.constant 48 : index
        %get3A_486 = tpu.vector_load %arg6[%get3A_484, %get3A_485] {strides = array<i32>} : memref<400x64xf32, #tpu.memory_space<vmem>>, vector<1x16xf32>,
        %get3A_487 = vector.shape_cast %get3A_486 : vector<1x16xf32> to vector<16xf32>
        %add3A_488 = arith.addf %scan3A_461, %get3A_487 : vector<16xf32>
        %scan3A_489 = arith.constant 1 : i32
        %scan3A_490 = arith.addi %scan3A_457, %scan3A_489 : i32
        %add3A_491 = arith.constant 200 : i32
        %add3A_492 = arith.addi %add3A_491, %scan3A_490 : i32
        %get3A_493 = arith.index_cast %add3A_492 : i32 to index
        %get3A_494 = arith.constant 0 : index
        %get3A_495 = tpu.vector_load %arg6[%get3A_493, %get3A_494] {strides = array<i32>} : memref<400x64xf32, #tpu.memory_space<vmem>>, vector<1x16xf32>,
        %get3A_496 = vector.shape_cast %get3A_495 : vector<1x16xf32> to vector<16xf32>
        %add3A_497 = arith.addf %add3A_467, %get3A_496 : vector<16xf32>
        %add3A_498 = arith.constant 200 : i32
        %add3A_499 = arith.addi %add3A_498, %scan3A_490 : i32
        %get3A_500 = arith.index_cast %add3A_499 : i32 to index
        %get3A_501 = arith.constant 16 : index
        %get3A_502 = tpu.vector_load %arg6[%get3A_500, %get3A_501] {strides = array<i32>} : memref<400x64xf32, #tpu.memory_space<vmem>>, vector<1x16xf32>,
        %get3A_503 = vector.shape_cast %get3A_502 : vector<1x16xf32> to vector<16xf32>
        %add3A_504 = arith.addf %add3A_474, %get3A_503 : vector<16xf32>
        %add3A_505 = arith.constant 200 : i32
        %add3A_506 = arith.addi %add3A_505, %scan3A_490 : i32
        %get3A_507 = arith.index_cast %add3A_506 : i32 to index
        %get3A_508 = arith.constant 32 : index
        %get3A_509 = tpu.vector_load %arg6[%get3A_507, %get3A_508] {strides = array<i32>} : memref<400x64xf32, #tpu.memory_space<vmem>>, vector<1x16xf32>,
        %get3A_510 = vector.shape_cast %get3A_509 : vector<1x16xf32> to vector<16xf32>
        %add3A_511 = arith.addf %add3A_481, %get3A_510 : vector<16xf32>
        %add3A_512 = arith.constant 200 : i32
        %add3A_513 = arith.addi %add3A_512, %scan3A_490 : i32
        %get3A_514 = arith.index_cast %add3A_513 : i32 to index
        %get3A_515 = arith.constant 48 : index
        %get3A_516 = tpu.vector_load %arg6[%get3A_514, %get3A_515] {strides = array<i32>} : memref<400x64xf32, #tpu.memory_space<vmem>>, vector<1x16xf32>,
        %get3A_517 = vector.shape_cast %get3A_516 : vector<1x16xf32> to vector<16xf32>
        %add3A_518 = arith.addf %add3A_488, %get3A_517 : vector<16xf32>
        %scan3A_519 = arith.constant 2 : i32
        %scan3A_520 = arith.addi %scan3A_457, %scan3A_519 : i32
        %add3A_521 = arith.constant 200 : i32
        %add3A_522 = arith.addi %add3A_521, %scan3A_520 : i32
        %get3A_523 = arith.index_cast %add3A_522 : i32 to index
        %get3A_524 = arith.constant 0 : index
        %get3A_525 = tpu.vector_load %arg6[%get3A_523, %get3A_524] {strides = array<i32>} : memref<400x64xf32, #tpu.memory_space<vmem>>, vector<1x16xf32>,
        %get3A_526 = vector.shape_cast %get3A_525 : vector<1x16xf32> to vector<16xf32>
        %add3A_527 = arith.addf %add3A_497, %get3A_526 : vector<16xf32>
        %add3A_528 = arith.constant 200 : i32
        %add3A_529 = arith.addi %add3A_528, %scan3A_520 : i32
        %get3A_530 = arith.index_cast %add3A_529 : i32 to index
        %get3A_531 = arith.constant 16 : index
        %get3A_532 = tpu.vector_load %arg6[%get3A_530, %get3A_531] {strides = array<i32>} : memref<400x64xf32, #tpu.memory_space<vmem>>, vector<1x16xf32>,
        %get3A_533 = vector.shape_cast %get3A_532 : vector<1x16xf32> to vector<16xf32>
        %add3A_534 = arith.addf %add3A_504, %get3A_533 : vector<16xf32>
        %add3A_535 = arith.constant 200 : i32
        %add3A_536 = arith.addi %add3A_535, %scan3A_520 : i32
        %get3A_537 = arith.index_cast %add3A_536 : i32 to index
        %get3A_538 = arith.constant 32 : index
        %get3A_539 = tpu.vector_load %arg6[%get3A_537, %get3A_538] {strides = array<i32>} : memref<400x64xf32, #tpu.memory_space<vmem>>, vector<1x16xf32>,
        %get3A_540 = vector.shape_cast %get3A_539 : vector<1x16xf32> to vector<16xf32>
        %add3A_541 = arith.addf %add3A_511, %get3A_540 : vector<16xf32>
        %add3A_542 = arith.constant 200 : i32
        %add3A_543 = arith.addi %add3A_542, %scan3A_520 : i32
        %get3A_544 = arith.index_cast %add3A_543 : i32 to index
        %get3A_545 = arith.constant 48 : index
        %get3A_546 = tpu.vector_load %arg6[%get3A_544, %get3A_545] {strides = array<i32>} : memref<400x64xf32, #tpu.memory_space<vmem>>, vector<1x16xf32>,
        %get3A_547 = vector.shape_cast %get3A_546 : vector<1x16xf32> to vector<16xf32>
        %add3A_548 = arith.addf %add3A_518, %get3A_547 : vector<16xf32>
        %scan3A_549 = arith.constant 3 : i32
        %scan3A_550 = arith.addi %scan3A_457, %scan3A_549 : i32
        %add3A_551 = arith.constant 200 : i32
        %add3A_552 = arith.addi %add3A_551, %scan3A_550 : i32
        %get3A_553 = arith.index_cast %add3A_552 : i32 to index
        %get3A_554 = arith.constant 0 : index
        %get3A_555 = tpu.vector_load %arg6[%get3A_553, %get3A_554] {strides = array<i32>} : memref<400x64xf32, #tpu.memory_space<vmem>>, vector<1x16xf32>,
        %get3A_556 = vector.shape_cast %get3A_555 : vector<1x16xf32> to vector<16xf32>
        %add3A_557 = arith.addf %add3A_527, %get3A_556 : vector<16xf32>
        %add3A_558 = arith.constant 200 : i32
        %add3A_559 = arith.addi %add3A_558, %scan3A_550 : i32
        %get3A_560 = arith.index_cast %add3A_559 : i32 to index
        %get3A_561 = arith.constant 16 : index
        %get3A_562 = tpu.vector_load %arg6[%get3A_560, %get3A_561] {strides = array<i32>} : memref<400x64xf32, #tpu.memory_space<vmem>>, vector<1x16xf32>,
        %get3A_563 = vector.shape_cast %get3A_562 : vector<1x16xf32> to vector<16xf32>
        %add3A_564 = arith.addf %add3A_534, %get3A_563 : vector<16xf32>
        %add3A_565 = arith.constant 200 : i32
        %add3A_566 = arith.addi %add3A_565, %scan3A_550 : i32
        %get3A_567 = arith.index_cast %add3A_566 : i32 to index
        %get3A_568 = arith.constant 32 : index
        %get3A_569 = tpu.vector_load %arg6[%get3A_567, %get3A_568] {strides = array<i32>} : memref<400x64xf32, #tpu.memory_space<vmem>>, vector<1x16xf32>,
        %get3A_570 = vector.shape_cast %get3A_569 : vector<1x16xf32> to vector<16xf32>
        %add3A_571 = arith.addf %add3A_541, %get3A_570 : vector<16xf32>
        %add3A_572 = arith.constant 200 : i32
        %add3A_573 = arith.addi %add3A_572, %scan3A_550 : i32
        %get3A_574 = arith.index_cast %add3A_573 : i32 to index
        %get3A_575 = arith.constant 48 : index
        %get3A_576 = tpu.vector_load %arg6[%get3A_574, %get3A_575] {strides = array<i32>} : memref<400x64xf32, #tpu.memory_space<vmem>>, vector<1x16xf32>,
        %get3A_577 = vector.shape_cast %get3A_576 : vector<1x16xf32> to vector<16xf32>
        %add3A_578 = arith.addf %add3A_548, %get3A_577 : vector<16xf32>
        %scan3A_579 = arith.constant 4 : i32
        %scan3A_580 = arith.addi %scan3A_457, %scan3A_579 : i32
        %add3A_581 = arith.constant 200 : i32
        %add3A_582 = arith.addi %add3A_581, %scan3A_580 : i32
        %get3A_583 = arith.index_cast %add3A_582 : i32 to index
        %get3A_584 = arith.constant 0 : index
        %get3A_585 = tpu.vector_load %arg6[%get3A_583, %get3A_584] {strides = array<i32>} : memref<400x64xf32, #tpu.memory_space<vmem>>, vector<1x16xf32>,
        %get3A_586 = vector.shape_cast %get3A_585 : vector<1x16xf32> to vector<16xf32>
        %add3A_587 = arith.addf %add3A_557, %get3A_586 : vector<16xf32>
        %add3A_588 = arith.constant 200 : i32
        %add3A_589 = arith.addi %add3A_588, %scan3A_580 : i32
        %get3A_590 = arith.index_cast %add3A_589 : i32 to index
        %get3A_591 = arith.constant 16 : index
        %get3A_592 = tpu.vector_load %arg6[%get3A_590, %get3A_591] {strides = array<i32>} : memref<400x64xf32, #tpu.memory_space<vmem>>, vector<1x16xf32>,
        %get3A_593 = vector.shape_cast %get3A_592 : vector<1x16xf32> to vector<16xf32>
        %add3A_594 = arith.addf %add3A_564, %get3A_593 : vector<16xf32>
        %add3A_595 = arith.constant 200 : i32
        %add3A_596 = arith.addi %add3A_595, %scan3A_580 : i32
        %get3A_597 = arith.index_cast %add3A_596 : i32 to index
        %get3A_598 = arith.constant 32 : index
        %get3A_599 = tpu.vector_load %arg6[%get3A_597, %get3A_598] {strides = array<i32>} : memref<400x64xf32, #tpu.memory_space<vmem>>, vector<1x16xf32>,
        %get3A_600 = vector.shape_cast %get3A_599 : vector<1x16xf32> to vector<16xf32>
        %add3A_601 = arith.addf %add3A_571, %get3A_600 : vector<16xf32>
        %add3A_602 = arith.constant 200 : i32
        %add3A_603 = arith.addi %add3A_602, %scan3A_580 : i32
        %get3A_604 = arith.index_cast %add3A_603 : i32 to index
        %get3A_605 = arith.constant 48 : index
        %get3A_606 = tpu.vector_load %arg6[%get3A_604, %get3A_605] {strides = array<i32>} : memref<400x64xf32, #tpu.memory_space<vmem>>, vector<1x16xf32>,
        %get3A_607 = vector.shape_cast %get3A_606 : vector<1x16xf32> to vector<16xf32>
        %add3A_608 = arith.addf %add3A_578, %get3A_607 : vector<16xf32>
        %scan3A_609 = arith.constant 5 : i32
        %scan3A_610 = arith.addi %scan3A_457, %scan3A_609 : i32
        %add3A_611 = arith.constant 200 : i32
        %add3A_612 = arith.addi %add3A_611, %scan3A_610 : i32
        %get3A_613 = arith.index_cast %add3A_612 : i32 to index
        %get3A_614 = arith.constant 0 : index
        %get3A_615 = tpu.vector_load %arg6[%get3A_613, %get3A_614] {strides = array<i32>} : memref<400x64xf32, #tpu.memory_space<vmem>>, vector<1x16xf32>,
        %get3A_616 = vector.shape_cast %get3A_615 : vector<1x16xf32> to vector<16xf32>
        %add3A_617 = arith.addf %add3A_587, %get3A_616 : vector<16xf32>
        %add3A_618 = arith.constant 200 : i32
        %add3A_619 = arith.addi %add3A_618, %scan3A_610 : i32
        %get3A_620 = arith.index_cast %add3A_619 : i32 to index
        %get3A_621 = arith.constant 16 : index
        %get3A_622 = tpu.vector_load %arg6[%get3A_620, %get3A_621] {strides = array<i32>} : memref<400x64xf32, #tpu.memory_space<vmem>>, vector<1x16xf32>,
        %get3A_623 = vector.shape_cast %get3A_622 : vector<1x16xf32> to vector<16xf32>
        %add3A_624 = arith.addf %add3A_594, %get3A_623 : vector<16xf32>
        %add3A_625 = arith.constant 200 : i32
        %add3A_626 = arith.addi %add3A_625, %scan3A_610 : i32
        %get3A_627 = arith.index_cast %add3A_626 : i32 to index
        %get3A_628 = arith.constant 32 : index
        %get3A_629 = tpu.vector_load %arg6[%get3A_627, %get3A_628] {strides = array<i32>} : memref<400x64xf32, #tpu.memory_space<vmem>>, vector<1x16xf32>,
        %get3A_630 = vector.shape_cast %get3A_629 : vector<1x16xf32> to vector<16xf32>
        %add3A_631 = arith.addf %add3A_601, %get3A_630 : vector<16xf32>
        %add3A_632 = arith.constant 200 : i32
        %add3A_633 = arith.addi %add3A_632, %scan3A_610 : i32
        %get3A_634 = arith.index_cast %add3A_633 : i32 to index
        %get3A_635 = arith.constant 48 : index
        %get3A_636 = tpu.vector_load %arg6[%get3A_634, %get3A_635] {strides = array<i32>} : memref<400x64xf32, #tpu.memory_space<vmem>>, vector<1x16xf32>,
        %get3A_637 = vector.shape_cast %get3A_636 : vector<1x16xf32> to vector<16xf32>
        %add3A_638 = arith.addf %add3A_608, %get3A_637 : vector<16xf32>
        %scan3A_639 = arith.constant 6 : i32
        %scan3A_640 = arith.addi %scan3A_457, %scan3A_639 : i32
        %add3A_641 = arith.constant 200 : i32
        %add3A_642 = arith.addi %add3A_641, %scan3A_640 : i32
        %get3A_643 = arith.index_cast %add3A_642 : i32 to index
        %get3A_644 = arith.constant 0 : index
        %get3A_645 = tpu.vector_load %arg6[%get3A_643, %get3A_644] {strides = array<i32>} : memref<400x64xf32, #tpu.memory_space<vmem>>, vector<1x16xf32>,
        %get3A_646 = vector.shape_cast %get3A_645 : vector<1x16xf32> to vector<16xf32>
        %add3A_647 = arith.addf %add3A_617, %get3A_646 : vector<16xf32>
        %add3A_648 = arith.constant 200 : i32
        %add3A_649 = arith.addi %add3A_648, %scan3A_640 : i32
        %get3A_650 = arith.index_cast %add3A_649 : i32 to index
        %get3A_651 = arith.constant 16 : index
        %get3A_652 = tpu.vector_load %arg6[%get3A_650, %get3A_651] {strides = array<i32>} : memref<400x64xf32, #tpu.memory_space<vmem>>, vector<1x16xf32>,
        %get3A_653 = vector.shape_cast %get3A_652 : vector<1x16xf32> to vector<16xf32>
        %add3A_654 = arith.addf %add3A_624, %get3A_653 : vector<16xf32>
        %add3A_655 = arith.constant 200 : i32
        %add3A_656 = arith.addi %add3A_655, %scan3A_640 : i32
        %get3A_657 = arith.index_cast %add3A_656 : i32 to index
        %get3A_658 = arith.constant 32 : index
        %get3A_659 = tpu.vector_load %arg6[%get3A_657, %get3A_658] {strides = array<i32>} : memref<400x64xf32, #tpu.memory_space<vmem>>, vector<1x16xf32>,
        %get3A_660 = vector.shape_cast %get3A_659 : vector<1x16xf32> to vector<16xf32>
        %add3A_661 = arith.addf %add3A_631, %get3A_660 : vector<16xf32>
        %add3A_662 = arith.constant 200 : i32
        %add3A_663 = arith.addi %add3A_662, %scan3A_640 : i32
        %get3A_664 = arith.index_cast %add3A_663 : i32 to index
        %get3A_665 = arith.constant 48 : index
        %get3A_666 = tpu.vector_load %arg6[%get3A_664, %get3A_665] {strides = array<i32>} : memref<400x64xf32, #tpu.memory_space<vmem>>, vector<1x16xf32>,
        %get3A_667 = vector.shape_cast %get3A_666 : vector<1x16xf32> to vector<16xf32>
        %add3A_668 = arith.addf %add3A_638, %get3A_667 : vector<16xf32>
        %scan3A_669 = arith.constant 7 : i32
        %scan3A_670 = arith.addi %scan3A_457, %scan3A_669 : i32
        %add3A_671 = arith.constant 200 : i32
        %add3A_672 = arith.addi %add3A_671, %scan3A_670 : i32
        %get3A_673 = arith.index_cast %add3A_672 : i32 to index
        %get3A_674 = arith.constant 0 : index
        %get3A_675 = tpu.vector_load %arg6[%get3A_673, %get3A_674] {strides = array<i32>} : memref<400x64xf32, #tpu.memory_space<vmem>>, vector<1x16xf32>,
        %get3A_676 = vector.shape_cast %get3A_675 : vector<1x16xf32> to vector<16xf32>
        %add3A_677 = arith.addf %add3A_647, %get3A_676 : vector<16xf32>
        %add3A_678 = arith.constant 200 : i32
        %add3A_679 = arith.addi %add3A_678, %scan3A_670 : i32
        %get3A_680 = arith.index_cast %add3A_679 : i32 to index
        %get3A_681 = arith.constant 16 : index
        %get3A_682 = tpu.vector_load %arg6[%get3A_680, %get3A_681] {strides = array<i32>} : memref<400x64xf32, #tpu.memory_space<vmem>>, vector<1x16xf32>,
        %get3A_683 = vector.shape_cast %get3A_682 : vector<1x16xf32> to vector<16xf32>
        %add3A_684 = arith.addf %add3A_654, %get3A_683 : vector<16xf32>
        %add3A_685 = arith.constant 200 : i32
        %add3A_686 = arith.addi %add3A_685, %scan3A_670 : i32
        %get3A_687 = arith.index_cast %add3A_686 : i32 to index
        %get3A_688 = arith.constant 32 : index
        %get3A_689 = tpu.vector_load %arg6[%get3A_687, %get3A_688] {strides = array<i32>} : memref<400x64xf32, #tpu.memory_space<vmem>>, vector<1x16xf32>,
        %get3A_690 = vector.shape_cast %get3A_689 : vector<1x16xf32> to vector<16xf32>
        %add3A_691 = arith.addf %add3A_661, %get3A_690 : vector<16xf32>
        %add3A_692 = arith.constant 200 : i32
        %add3A_693 = arith.addi %add3A_692, %scan3A_670 : i32
        %get3A_694 = arith.index_cast %add3A_693 : i32 to index
        %get3A_695 = arith.constant 48 : index
        %get3A_696 = tpu.vector_load %arg6[%get3A_694, %get3A_695] {strides = array<i32>} : memref<400x64xf32, #tpu.memory_space<vmem>>, vector<1x16xf32>,
        %get3A_697 = vector.shape_cast %get3A_696 : vector<1x16xf32> to vector<16xf32>
        %add3A_698 = arith.addf %add3A_668, %get3A_697 : vector<16xf32>
        scf.yield %add3A_677, %add3A_684, %add3A_691, %add3A_698 : vector<16xf32>, vector<16xf32>, vector<16xf32>, vector<16xf32>
      }
      %scan3A_178 = arith.constant 200 : i32
      %mul3A_179 = arith.constant 2 : i32
      %mul3A_180 = arith.muli %add3A_106, %mul3A_179 : i32
      %add3A_181 = arith.constant 1 : i32
      %add3A_182 = arith.addi %mul3A_180, %add3A_181 : i32
      %swap3A_183 = arith.index_cast %add3A_182 : i32 to index
      %swap3A_184 = arith.constant 0 : index
      %swap3A_185 = tpu.vector_load %arg9[%swap3A_183, %swap3A_184] {strides = array<i32>} : memref<128x64xf32, #tpu.memory_space<vmem>>, vector<1x16xf32>,
      %swap3A_186 = vector.shape_cast %swap3A_185 : vector<1x16xf32> to vector<16xf32>
      %swap3A_187 = vector.shape_cast %scan3A_177#0 : vector<16xf32> to vector<1x16xf32>
      tpu.vector_store %arg9[%swap3A_183, %swap3A_184], %swap3A_187 {strides = array<i32>} : memref<128x64xf32, #tpu.memory_space<vmem>>, vector<1x16xf32>,
      %mul3A_188 = arith.constant 2 : i32
      %mul3A_189 = arith.muli %add3A_106, %mul3A_188 : i32
      %add3A_190 = arith.constant 1 : i32
      %add3A_191 = arith.addi %mul3A_189, %add3A_190 : i32
      %swap3A_192 = arith.index_cast %add3A_191 : i32 to index
      %swap3A_193 = arith.constant 16 : index
      %swap3A_194 = tpu.vector_load %arg9[%swap3A_192, %swap3A_193] {strides = array<i32>} : memref<128x64xf32, #tpu.memory_space<vmem>>, vector<1x16xf32>,
      %swap3A_195 = vector.shape_cast %swap3A_194 : vector<1x16xf32> to vector<16xf32>
      %swap3A_196 = vector.shape_cast %scan3A_177#1 : vector<16xf32> to vector<1x16xf32>
      tpu.vector_store %arg9[%swap3A_192, %swap3A_193], %swap3A_196 {strides = array<i32>} : memref<128x64xf32, #tpu.memory_space<vmem>>, vector<1x16xf32>,
      %mul3A_197 = arith.constant 2 : i32
      %mul3A_198 = arith.muli %add3A_106, %mul3A_197 : i32
      %add3A_199 = arith.constant 1 : i32
      %add3A_200 = arith.addi %mul3A_198, %add3A_199 : i32
      %swap3A_201 = arith.index_cast %add3A_200 : i32 to index
      %swap3A_202 = arith.constant 32 : index
      %swap3A_203 = tpu.vector_load %arg9[%swap3A_201, %swap3A_202] {strides = array<i32>} : memref<128x64xf32, #tpu.memory_space<vmem>>, vector<1x16xf32>,
      %swap3A_204 = vector.shape_cast %swap3A_203 : vector<1x16xf32> to vector<16xf32>
      %swap3A_205 = vector.shape_cast %scan3A_177#2 : vector<16xf32> to vector<1x16xf32>
      tpu.vector_store %arg9[%swap3A_201, %swap3A_202], %swap3A_205 {strides = array<i32>} : memref<128x64xf32, #tpu.memory_space<vmem>>, vector<1x16xf32>,
      %mul3A_206 = arith.constant 2 : i32
      %mul3A_207 = arith.muli %add3A_106, %mul3A_206 : i32
      %add3A_208 = arith.constant 1 : i32
      %add3A_209 = arith.addi %mul3A_207, %add3A_208 : i32
      %swap3A_210 = arith.index_cast %add3A_209 : i32 to index
      %swap3A_211 = arith.constant 48 : index
      %swap3A_212 = tpu.vector_load %arg9[%swap3A_210, %swap3A_211] {strides = array<i32>} : memref<128x64xf32, #tpu.memory_space<vmem>>, vector<1x16xf32>,
      %swap3A_213 = vector.shape_cast %swap3A_212 : vector<1x16xf32> to vector<16xf32>
      %swap3A_214 = vector.shape_cast %scan3A_177#3 : vector<16xf32> to vector<1x16xf32>
      tpu.vector_store %arg9[%swap3A_210, %swap3A_211], %swap3A_214 {strides = array<i32>} : memref<128x64xf32, #tpu.memory_space<vmem>>, vector<1x16xf32>,
      %add3A_215 = arith.constant 3 : i32
      %add3A_216 = arith.addi %add3A_106, %add3A_215 : i32
      %lt3A = arith.constant 64 : i32
      %lt3A_217 = arith.cmpi slt, %add3A_216, %lt3A : i32
      %convert_element_type3A = arith.extui %lt3A_217 : i1 to i32
      %cond3A = arith.constant 0 : i32
      %cond3A_218 = arith.cmpi ne, %convert_element_type3A, %cond3A : i32
      scf.if %cond3A_218 {
        %mul3A_457 = arith.constant 2 : i32
        %mul3A_458 = arith.muli %add3A_216, %mul3A_457 : i32
        %mul3A_459 = arith.constant 200 : i32
        %mul3A_460 = arith.muli %mul3A_458, %mul3A_459 : i32
        %dma_start3A_461 = tpu.memref_slice %arg5[%mul3A_460] : memref<25600xi32, #tpu.memory_space<vmem>> -> memref<400xi32, #tpu.memory_space<vmem>>
        %dma_start3A_462 = arith.constant 0 : i32
        %dma_start3A_463 = arith.constant 0 : i32
        %dma_start3A_464 = tpu.memref_slice %arg3[%dma_start3A_462, %dma_start3A_463] : memref<100000x64xf32, #tpu.memory_space<hbm>> -> memref<100000x64xf32, #tpu.memory_space<hbm>>
        tpu.enqueue_indirect_dma source(%dma_start3A_464 : memref<100000x64xf32, #tpu.memory_space<hbm>>) target(%arg6 : memref<400x64xf32, #tpu.memory_space<vmem>>) offsets(%dma_start3A_461 : memref<400xi32, #tpu.memory_space<vmem>>) semaphore(%arg10 : memref<!tpu.dma_semaphore, #tpu.memory_space<semaphore_mem>>)
      } else {
      }
      %mul3A_219 = arith.constant 3 : i32
      %mul3A_220 = arith.muli %scan3A_102, %mul3A_219 : i32
      %add3A_221 = arith.constant 1 : i32
      %add3A_222 = arith.addi %mul3A_220, %add3A_221 : i32
      %mul3A_223 = arith.constant 2 : i32
      %mul3A_224 = arith.muli %add3A_222, %mul3A_223 : i32
      %mul3A_225 = arith.constant 200 : i32
      %mul3A_226 = arith.muli %mul3A_224, %mul3A_225 : i32
      %dma_wait3A_227 = tpu.memref_slice %arg5[%mul3A_226] : memref<25600xi32, #tpu.memory_space<vmem>> -> memref<400xi32, #tpu.memory_space<vmem>>
      %dma_wait3A_228 = arith.constant 0 : i32
      %dma_wait3A_229 = arith.constant 0 : i32
      %dma_wait3A_230 = tpu.memref_slice %arg3[%dma_wait3A_228, %dma_wait3A_229] : memref<100000x64xf32, #tpu.memory_space<hbm>> -> memref<100000x64xf32, #tpu.memory_space<hbm>>
      tpu.wait_indirect_dma semaphore(%arg11 : memref<!tpu.dma_semaphore, #tpu.memory_space<semaphore_mem>>) src(%dma_wait3A_230 : memref<100000x64xf32, #tpu.memory_space<hbm>>) dst(%arg7 : memref<400x64xf32, #tpu.memory_space<vmem>>)
      %broadcast_in_dim3A_231 = arith.constant 0.000000e+00 : f32
      %broadcast_in_dim3A_232 = vector.broadcast %broadcast_in_dim3A_231 : f32 to vector<16xf32>
      %broadcast_in_dim3A_233 = arith.constant 0.000000e+00 : f32
      %broadcast_in_dim3A_234 = vector.broadcast %broadcast_in_dim3A_233 : f32 to vector<16xf32>
      %broadcast_in_dim3A_235 = arith.constant 0.000000e+00 : f32
      %broadcast_in_dim3A_236 = vector.broadcast %broadcast_in_dim3A_235 : f32 to vector<16xf32>
      %broadcast_in_dim3A_237 = arith.constant 0.000000e+00 : f32
      %broadcast_in_dim3A_238 = vector.broadcast %broadcast_in_dim3A_237 : f32 to vector<16xf32>
      %scan3A_239 = arith.constant 0 : i32
      %scan3A_240 = arith.constant 200 : i32
      %scan3A_241 = arith.addi %scan3A_239, %scan3A_240 : i32
      %scan3A_242 = arith.constant 8 : i32
      %scan3A_243:4 = scf.for %scan3A_457 = %scan3A_239 to %scan3A_241 step %scan3A_242 iter_args(%scan3A_458 = %broadcast_in_dim3A_232, %scan3A_459 = %broadcast_in_dim3A_234, %scan3A_460 = %broadcast_in_dim3A_236, %scan3A_461 = %broadcast_in_dim3A_238) -> (vector<16xf32>, vector<16xf32>, vector<16xf32>, vector<16xf32>)  : i32 {
        %add3A_462 = arith.constant 0 : i32
        %add3A_463 = arith.addi %add3A_462, %scan3A_457 : i32
        %get3A = arith.index_cast %add3A_463 : i32 to index
        %get3A_464 = arith.constant 0 : index
        %get3A_465 = tpu.vector_load %arg7[%get3A, %get3A_464] {strides = array<i32>} : memref<400x64xf32, #tpu.memory_space<vmem>>, vector<1x16xf32>,
        %get3A_466 = vector.shape_cast %get3A_465 : vector<1x16xf32> to vector<16xf32>
        %add3A_467 = arith.addf %scan3A_458, %get3A_466 : vector<16xf32>
        %add3A_468 = arith.constant 0 : i32
        %add3A_469 = arith.addi %add3A_468, %scan3A_457 : i32
        %get3A_470 = arith.index_cast %add3A_469 : i32 to index
        %get3A_471 = arith.constant 16 : index
        %get3A_472 = tpu.vector_load %arg7[%get3A_470, %get3A_471] {strides = array<i32>} : memref<400x64xf32, #tpu.memory_space<vmem>>, vector<1x16xf32>,
        %get3A_473 = vector.shape_cast %get3A_472 : vector<1x16xf32> to vector<16xf32>
        %add3A_474 = arith.addf %scan3A_459, %get3A_473 : vector<16xf32>
        %add3A_475 = arith.constant 0 : i32
        %add3A_476 = arith.addi %add3A_475, %scan3A_457 : i32
        %get3A_477 = arith.index_cast %add3A_476 : i32 to index
        %get3A_478 = arith.constant 32 : index
        %get3A_479 = tpu.vector_load %arg7[%get3A_477, %get3A_478] {strides = array<i32>} : memref<400x64xf32, #tpu.memory_space<vmem>>, vector<1x16xf32>,
        %get3A_480 = vector.shape_cast %get3A_479 : vector<1x16xf32> to vector<16xf32>
        %add3A_481 = arith.addf %scan3A_460, %get3A_480 : vector<16xf32>
        %add3A_482 = arith.constant 0 : i32
        %add3A_483 = arith.addi %add3A_482, %scan3A_457 : i32
        %get3A_484 = arith.index_cast %add3A_483 : i32 to index
        %get3A_485 = arith.constant 48 : index
        %get3A_486 = tpu.vector_load %arg7[%get3A_484, %get3A_485] {strides = array<i32>} : memref<400x64xf32, #tpu.memory_space<vmem>>, vector<1x16xf32>,
        %get3A_487 = vector.shape_cast %get3A_486 : vector<1x16xf32> to vector<16xf32>
        %add3A_488 = arith.addf %scan3A_461, %get3A_487 : vector<16xf32>
        %scan3A_489 = arith.constant 1 : i32
        %scan3A_490 = arith.addi %scan3A_457, %scan3A_489 : i32
        %add3A_491 = arith.constant 0 : i32
        %add3A_492 = arith.addi %add3A_491, %scan3A_490 : i32
        %get3A_493 = arith.index_cast %add3A_492 : i32 to index
        %get3A_494 = arith.constant 0 : index
        %get3A_495 = tpu.vector_load %arg7[%get3A_493, %get3A_494] {strides = array<i32>} : memref<400x64xf32, #tpu.memory_space<vmem>>, vector<1x16xf32>,
        %get3A_496 = vector.shape_cast %get3A_495 : vector<1x16xf32> to vector<16xf32>
        %add3A_497 = arith.addf %add3A_467, %get3A_496 : vector<16xf32>
        %add3A_498 = arith.constant 0 : i32
        %add3A_499 = arith.addi %add3A_498, %scan3A_490 : i32
        %get3A_500 = arith.index_cast %add3A_499 : i32 to index
        %get3A_501 = arith.constant 16 : index
        %get3A_502 = tpu.vector_load %arg7[%get3A_500, %get3A_501] {strides = array<i32>} : memref<400x64xf32, #tpu.memory_space<vmem>>, vector<1x16xf32>,
        %get3A_503 = vector.shape_cast %get3A_502 : vector<1x16xf32> to vector<16xf32>
        %add3A_504 = arith.addf %add3A_474, %get3A_503 : vector<16xf32>
        %add3A_505 = arith.constant 0 : i32
        %add3A_506 = arith.addi %add3A_505, %scan3A_490 : i32
        %get3A_507 = arith.index_cast %add3A_506 : i32 to index
        %get3A_508 = arith.constant 32 : index
        %get3A_509 = tpu.vector_load %arg7[%get3A_507, %get3A_508] {strides = array<i32>} : memref<400x64xf32, #tpu.memory_space<vmem>>, vector<1x16xf32>,
        %get3A_510 = vector.shape_cast %get3A_509 : vector<1x16xf32> to vector<16xf32>
        %add3A_511 = arith.addf %add3A_481, %get3A_510 : vector<16xf32>
        %add3A_512 = arith.constant 0 : i32
        %add3A_513 = arith.addi %add3A_512, %scan3A_490 : i32
        %get3A_514 = arith.index_cast %add3A_513 : i32 to index
        %get3A_515 = arith.constant 48 : index
        %get3A_516 = tpu.vector_load %arg7[%get3A_514, %get3A_515] {strides = array<i32>} : memref<400x64xf32, #tpu.memory_space<vmem>>, vector<1x16xf32>,
        %get3A_517 = vector.shape_cast %get3A_516 : vector<1x16xf32> to vector<16xf32>
        %add3A_518 = arith.addf %add3A_488, %get3A_517 : vector<16xf32>
        %scan3A_519 = arith.constant 2 : i32
        %scan3A_520 = arith.addi %scan3A_457, %scan3A_519 : i32
        %add3A_521 = arith.constant 0 : i32
        %add3A_522 = arith.addi %add3A_521, %scan3A_520 : i32
        %get3A_523 = arith.index_cast %add3A_522 : i32 to index
        %get3A_524 = arith.constant 0 : index
        %get3A_525 = tpu.vector_load %arg7[%get3A_523, %get3A_524] {strides = array<i32>} : memref<400x64xf32, #tpu.memory_space<vmem>>, vector<1x16xf32>,
        %get3A_526 = vector.shape_cast %get3A_525 : vector<1x16xf32> to vector<16xf32>
        %add3A_527 = arith.addf %add3A_497, %get3A_526 : vector<16xf32>
        %add3A_528 = arith.constant 0 : i32
        %add3A_529 = arith.addi %add3A_528, %scan3A_520 : i32
        %get3A_530 = arith.index_cast %add3A_529 : i32 to index
        %get3A_531 = arith.constant 16 : index
        %get3A_532 = tpu.vector_load %arg7[%get3A_530, %get3A_531] {strides = array<i32>} : memref<400x64xf32, #tpu.memory_space<vmem>>, vector<1x16xf32>,
        %get3A_533 = vector.shape_cast %get3A_532 : vector<1x16xf32> to vector<16xf32>
        %add3A_534 = arith.addf %add3A_504, %get3A_533 : vector<16xf32>
        %add3A_535 = arith.constant 0 : i32
        %add3A_536 = arith.addi %add3A_535, %scan3A_520 : i32
        %get3A_537 = arith.index_cast %add3A_536 : i32 to index
        %get3A_538 = arith.constant 32 : index
        %get3A_539 = tpu.vector_load %arg7[%get3A_537, %get3A_538] {strides = array<i32>} : memref<400x64xf32, #tpu.memory_space<vmem>>, vector<1x16xf32>,
        %get3A_540 = vector.shape_cast %get3A_539 : vector<1x16xf32> to vector<16xf32>
        %add3A_541 = arith.addf %add3A_511, %get3A_540 : vector<16xf32>
        %add3A_542 = arith.constant 0 : i32
        %add3A_543 = arith.addi %add3A_542, %scan3A_520 : i32
        %get3A_544 = arith.index_cast %add3A_543 : i32 to index
        %get3A_545 = arith.constant 48 : index
        %get3A_546 = tpu.vector_load %arg7[%get3A_544, %get3A_545] {strides = array<i32>} : memref<400x64xf32, #tpu.memory_space<vmem>>, vector<1x16xf32>,
        %get3A_547 = vector.shape_cast %get3A_546 : vector<1x16xf32> to vector<16xf32>
        %add3A_548 = arith.addf %add3A_518, %get3A_547 : vector<16xf32>
        %scan3A_549 = arith.constant 3 : i32
        %scan3A_550 = arith.addi %scan3A_457, %scan3A_549 : i32
        %add3A_551 = arith.constant 0 : i32
        %add3A_552 = arith.addi %add3A_551, %scan3A_550 : i32
        %get3A_553 = arith.index_cast %add3A_552 : i32 to index
        %get3A_554 = arith.constant 0 : index
        %get3A_555 = tpu.vector_load %arg7[%get3A_553, %get3A_554] {strides = array<i32>} : memref<400x64xf32, #tpu.memory_space<vmem>>, vector<1x16xf32>,
        %get3A_556 = vector.shape_cast %get3A_555 : vector<1x16xf32> to vector<16xf32>
        %add3A_557 = arith.addf %add3A_527, %get3A_556 : vector<16xf32>
        %add3A_558 = arith.constant 0 : i32
        %add3A_559 = arith.addi %add3A_558, %scan3A_550 : i32
        %get3A_560 = arith.index_cast %add3A_559 : i32 to index
        %get3A_561 = arith.constant 16 : index
        %get3A_562 = tpu.vector_load %arg7[%get3A_560, %get3A_561] {strides = array<i32>} : memref<400x64xf32, #tpu.memory_space<vmem>>, vector<1x16xf32>,
        %get3A_563 = vector.shape_cast %get3A_562 : vector<1x16xf32> to vector<16xf32>
        %add3A_564 = arith.addf %add3A_534, %get3A_563 : vector<16xf32>
        %add3A_565 = arith.constant 0 : i32
        %add3A_566 = arith.addi %add3A_565, %scan3A_550 : i32
        %get3A_567 = arith.index_cast %add3A_566 : i32 to index
        %get3A_568 = arith.constant 32 : index
        %get3A_569 = tpu.vector_load %arg7[%get3A_567, %get3A_568] {strides = array<i32>} : memref<400x64xf32, #tpu.memory_space<vmem>>, vector<1x16xf32>,
        %get3A_570 = vector.shape_cast %get3A_569 : vector<1x16xf32> to vector<16xf32>
        %add3A_571 = arith.addf %add3A_541, %get3A_570 : vector<16xf32>
        %add3A_572 = arith.constant 0 : i32
        %add3A_573 = arith.addi %add3A_572, %scan3A_550 : i32
        %get3A_574 = arith.index_cast %add3A_573 : i32 to index
        %get3A_575 = arith.constant 48 : index
        %get3A_576 = tpu.vector_load %arg7[%get3A_574, %get3A_575] {strides = array<i32>} : memref<400x64xf32, #tpu.memory_space<vmem>>, vector<1x16xf32>,
        %get3A_577 = vector.shape_cast %get3A_576 : vector<1x16xf32> to vector<16xf32>
        %add3A_578 = arith.addf %add3A_548, %get3A_577 : vector<16xf32>
        %scan3A_579 = arith.constant 4 : i32
        %scan3A_580 = arith.addi %scan3A_457, %scan3A_579 : i32
        %add3A_581 = arith.constant 0 : i32
        %add3A_582 = arith.addi %add3A_581, %scan3A_580 : i32
        %get3A_583 = arith.index_cast %add3A_582 : i32 to index
        %get3A_584 = arith.constant 0 : index
        %get3A_585 = tpu.vector_load %arg7[%get3A_583, %get3A_584] {strides = array<i32>} : memref<400x64xf32, #tpu.memory_space<vmem>>, vector<1x16xf32>,
        %get3A_586 = vector.shape_cast %get3A_585 : vector<1x16xf32> to vector<16xf32>
        %add3A_587 = arith.addf %add3A_557, %get3A_586 : vector<16xf32>
        %add3A_588 = arith.constant 0 : i32
        %add3A_589 = arith.addi %add3A_588, %scan3A_580 : i32
        %get3A_590 = arith.index_cast %add3A_589 : i32 to index
        %get3A_591 = arith.constant 16 : index
        %get3A_592 = tpu.vector_load %arg7[%get3A_590, %get3A_591] {strides = array<i32>} : memref<400x64xf32, #tpu.memory_space<vmem>>, vector<1x16xf32>,
        %get3A_593 = vector.shape_cast %get3A_592 : vector<1x16xf32> to vector<16xf32>
        %add3A_594 = arith.addf %add3A_564, %get3A_593 : vector<16xf32>
        %add3A_595 = arith.constant 0 : i32
        %add3A_596 = arith.addi %add3A_595, %scan3A_580 : i32
        %get3A_597 = arith.index_cast %add3A_596 : i32 to index
        %get3A_598 = arith.constant 32 : index
        %get3A_599 = tpu.vector_load %arg7[%get3A_597, %get3A_598] {strides = array<i32>} : memref<400x64xf32, #tpu.memory_space<vmem>>, vector<1x16xf32>,
        %get3A_600 = vector.shape_cast %get3A_599 : vector<1x16xf32> to vector<16xf32>
        %add3A_601 = arith.addf %add3A_571, %get3A_600 : vector<16xf32>
        %add3A_602 = arith.constant 0 : i32
        %add3A_603 = arith.addi %add3A_602, %scan3A_580 : i32
        %get3A_604 = arith.index_cast %add3A_603 : i32 to index
        %get3A_605 = arith.constant 48 : index
        %get3A_606 = tpu.vector_load %arg7[%get3A_604, %get3A_605] {strides = array<i32>} : memref<400x64xf32, #tpu.memory_space<vmem>>, vector<1x16xf32>,
        %get3A_607 = vector.shape_cast %get3A_606 : vector<1x16xf32> to vector<16xf32>
        %add3A_608 = arith.addf %add3A_578, %get3A_607 : vector<16xf32>
        %scan3A_609 = arith.constant 5 : i32
        %scan3A_610 = arith.addi %scan3A_457, %scan3A_609 : i32
        %add3A_611 = arith.constant 0 : i32
        %add3A_612 = arith.addi %add3A_611, %scan3A_610 : i32
        %get3A_613 = arith.index_cast %add3A_612 : i32 to index
        %get3A_614 = arith.constant 0 : index
        %get3A_615 = tpu.vector_load %arg7[%get3A_613, %get3A_614] {strides = array<i32>} : memref<400x64xf32, #tpu.memory_space<vmem>>, vector<1x16xf32>,
        %get3A_616 = vector.shape_cast %get3A_615 : vector<1x16xf32> to vector<16xf32>
        %add3A_617 = arith.addf %add3A_587, %get3A_616 : vector<16xf32>
        %add3A_618 = arith.constant 0 : i32
        %add3A_619 = arith.addi %add3A_618, %scan3A_610 : i32
        %get3A_620 = arith.index_cast %add3A_619 : i32 to index
        %get3A_621 = arith.constant 16 : index
        %get3A_622 = tpu.vector_load %arg7[%get3A_620, %get3A_621] {strides = array<i32>} : memref<400x64xf32, #tpu.memory_space<vmem>>, vector<1x16xf32>,
        %get3A_623 = vector.shape_cast %get3A_622 : vector<1x16xf32> to vector<16xf32>
        %add3A_624 = arith.addf %add3A_594, %get3A_623 : vector<16xf32>
        %add3A_625 = arith.constant 0 : i32
        %add3A_626 = arith.addi %add3A_625, %scan3A_610 : i32
        %get3A_627 = arith.index_cast %add3A_626 : i32 to index
        %get3A_628 = arith.constant 32 : index
        %get3A_629 = tpu.vector_load %arg7[%get3A_627, %get3A_628] {strides = array<i32>} : memref<400x64xf32, #tpu.memory_space<vmem>>, vector<1x16xf32>,
        %get3A_630 = vector.shape_cast %get3A_629 : vector<1x16xf32> to vector<16xf32>
        %add3A_631 = arith.addf %add3A_601, %get3A_630 : vector<16xf32>
        %add3A_632 = arith.constant 0 : i32
        %add3A_633 = arith.addi %add3A_632, %scan3A_610 : i32
        %get3A_634 = arith.index_cast %add3A_633 : i32 to index
        %get3A_635 = arith.constant 48 : index
        %get3A_636 = tpu.vector_load %arg7[%get3A_634, %get3A_635] {strides = array<i32>} : memref<400x64xf32, #tpu.memory_space<vmem>>, vector<1x16xf32>,
        %get3A_637 = vector.shape_cast %get3A_636 : vector<1x16xf32> to vector<16xf32>
        %add3A_638 = arith.addf %add3A_608, %get3A_637 : vector<16xf32>
        %scan3A_639 = arith.constant 6 : i32
        %scan3A_640 = arith.addi %scan3A_457, %scan3A_639 : i32
        %add3A_641 = arith.constant 0 : i32
        %add3A_642 = arith.addi %add3A_641, %scan3A_640 : i32
        %get3A_643 = arith.index_cast %add3A_642 : i32 to index
        %get3A_644 = arith.constant 0 : index
        %get3A_645 = tpu.vector_load %arg7[%get3A_643, %get3A_644] {strides = array<i32>} : memref<400x64xf32, #tpu.memory_space<vmem>>, vector<1x16xf32>,
        %get3A_646 = vector.shape_cast %get3A_645 : vector<1x16xf32> to vector<16xf32>
        %add3A_647 = arith.addf %add3A_617, %get3A_646 : vector<16xf32>
        %add3A_648 = arith.constant 0 : i32
        %add3A_649 = arith.addi %add3A_648, %scan3A_640 : i32
        %get3A_650 = arith.index_cast %add3A_649 : i32 to index
        %get3A_651 = arith.constant 16 : index
        %get3A_652 = tpu.vector_load %arg7[%get3A_650, %get3A_651] {strides = array<i32>} : memref<400x64xf32, #tpu.memory_space<vmem>>, vector<1x16xf32>,
        %get3A_653 = vector.shape_cast %get3A_652 : vector<1x16xf32> to vector<16xf32>
        %add3A_654 = arith.addf %add3A_624, %get3A_653 : vector<16xf32>
        %add3A_655 = arith.constant 0 : i32
        %add3A_656 = arith.addi %add3A_655, %scan3A_640 : i32
        %get3A_657 = arith.index_cast %add3A_656 : i32 to index
        %get3A_658 = arith.constant 32 : index
        %get3A_659 = tpu.vector_load %arg7[%get3A_657, %get3A_658] {strides = array<i32>} : memref<400x64xf32, #tpu.memory_space<vmem>>, vector<1x16xf32>,
        %get3A_660 = vector.shape_cast %get3A_659 : vector<1x16xf32> to vector<16xf32>
        %add3A_661 = arith.addf %add3A_631, %get3A_660 : vector<16xf32>
        %add3A_662 = arith.constant 0 : i32
        %add3A_663 = arith.addi %add3A_662, %scan3A_640 : i32
        %get3A_664 = arith.index_cast %add3A_663 : i32 to index
        %get3A_665 = arith.constant 48 : index
        %get3A_666 = tpu.vector_load %arg7[%get3A_664, %get3A_665] {strides = array<i32>} : memref<400x64xf32, #tpu.memory_space<vmem>>, vector<1x16xf32>,
        %get3A_667 = vector.shape_cast %get3A_666 : vector<1x16xf32> to vector<16xf32>
        %add3A_668 = arith.addf %add3A_638, %get3A_667 : vector<16xf32>
        %scan3A_669 = arith.constant 7 : i32
        %scan3A_670 = arith.addi %scan3A_457, %scan3A_669 : i32
        %add3A_671 = arith.constant 0 : i32
        %add3A_672 = arith.addi %add3A_671, %scan3A_670 : i32
        %get3A_673 = arith.index_cast %add3A_672 : i32 to index
        %get3A_674 = arith.constant 0 : index
        %get3A_675 = tpu.vector_load %arg7[%get3A_673, %get3A_674] {strides = array<i32>} : memref<400x64xf32, #tpu.memory_space<vmem>>, vector<1x16xf32>,
        %get3A_676 = vector.shape_cast %get3A_675 : vector<1x16xf32> to vector<16xf32>
        %add3A_677 = arith.addf %add3A_647, %get3A_676 : vector<16xf32>
        %add3A_678 = arith.constant 0 : i32
        %add3A_679 = arith.addi %add3A_678, %scan3A_670 : i32
        %get3A_680 = arith.index_cast %add3A_679 : i32 to index
        %get3A_681 = arith.constant 16 : index
        %get3A_682 = tpu.vector_load %arg7[%get3A_680, %get3A_681] {strides = array<i32>} : memref<400x64xf32, #tpu.memory_space<vmem>>, vector<1x16xf32>,
        %get3A_683 = vector.shape_cast %get3A_682 : vector<1x16xf32> to vector<16xf32>
        %add3A_684 = arith.addf %add3A_654, %get3A_683 : vector<16xf32>
        %add3A_685 = arith.constant 0 : i32
        %add3A_686 = arith.addi %add3A_685, %scan3A_670 : i32
        %get3A_687 = arith.index_cast %add3A_686 : i32 to index
        %get3A_688 = arith.constant 32 : index
        %get3A_689 = tpu.vector_load %arg7[%get3A_687, %get3A_688] {strides = array<i32>} : memref<400x64xf32, #tpu.memory_space<vmem>>, vector<1x16xf32>,
        %get3A_690 = vector.shape_cast %get3A_689 : vector<1x16xf32> to vector<16xf32>
        %add3A_691 = arith.addf %add3A_661, %get3A_690 : vector<16xf32>
        %add3A_692 = arith.constant 0 : i32
        %add3A_693 = arith.addi %add3A_692, %scan3A_670 : i32
        %get3A_694 = arith.index_cast %add3A_693 : i32 to index
        %get3A_695 = arith.constant 48 : index
        %get3A_696 = tpu.vector_load %arg7[%get3A_694, %get3A_695] {strides = array<i32>} : memref<400x64xf32, #tpu.memory_space<vmem>>, vector<1x16xf32>,
        %get3A_697 = vector.shape_cast %get3A_696 : vector<1x16xf32> to vector<16xf32>
        %add3A_698 = arith.addf %add3A_668, %get3A_697 : vector<16xf32>
        scf.yield %add3A_677, %add3A_684, %add3A_691, %add3A_698 : vector<16xf32>, vector<16xf32>, vector<16xf32>, vector<16xf32>
      }
      %scan3A_244 = arith.constant 200 : i32
      %mul3A_245 = arith.constant 2 : i32
      %mul3A_246 = arith.muli %add3A_222, %mul3A_245 : i32
      %add3A_247 = arith.constant 0 : i32
      %add3A_248 = arith.addi %mul3A_246, %add3A_247 : i32
      %swap3A_249 = arith.index_cast %add3A_248 : i32 to index
      %swap3A_250 = arith.constant 0 : index
      %swap3A_251 = tpu.vector_load %arg9[%swap3A_249, %swap3A_250] {strides = array<i32>} : memref<128x64xf32, #tpu.memory_space<vmem>>, vector<1x16xf32>,
      %swap3A_252 = vector.shape_cast %swap3A_251 : vector<1x16xf32> to vector<16xf32>
      %swap3A_253 = vector.shape_cast %scan3A_243#0 : vector<16xf32> to vector<1x16xf32>
      tpu.vector_store %arg9[%swap3A_249, %swap3A_250], %swap3A_253 {strides = array<i32>} : memref<128x64xf32, #tpu.memory_space<vmem>>, vector<1x16xf32>,
      %mul3A_254 = arith.constant 2 : i32
      %mul3A_255 = arith.muli %add3A_222, %mul3A_254 : i32
      %add3A_256 = arith.constant 0 : i32
      %add3A_257 = arith.addi %mul3A_255, %add3A_256 : i32
      %swap3A_258 = arith.index_cast %add3A_257 : i32 to index
      %swap3A_259 = arith.constant 16 : index
      %swap3A_260 = tpu.vector_load %arg9[%swap3A_258, %swap3A_259] {strides = array<i32>} : memref<128x64xf32, #tpu.memory_space<vmem>>, vector<1x16xf32>,
      %swap3A_261 = vector.shape_cast %swap3A_260 : vector<1x16xf32> to vector<16xf32>
      %swap3A_262 = vector.shape_cast %scan3A_243#1 : vector<16xf32> to vector<1x16xf32>
      tpu.vector_store %arg9[%swap3A_258, %swap3A_259], %swap3A_262 {strides = array<i32>} : memref<128x64xf32, #tpu.memory_space<vmem>>, vector<1x16xf32>,
      %mul3A_263 = arith.constant 2 : i32
      %mul3A_264 = arith.muli %add3A_222, %mul3A_263 : i32
      %add3A_265 = arith.constant 0 : i32
      %add3A_266 = arith.addi %mul3A_264, %add3A_265 : i32
      %swap3A_267 = arith.index_cast %add3A_266 : i32 to index
      %swap3A_268 = arith.constant 32 : index
      %swap3A_269 = tpu.vector_load %arg9[%swap3A_267, %swap3A_268] {strides = array<i32>} : memref<128x64xf32, #tpu.memory_space<vmem>>, vector<1x16xf32>,
      %swap3A_270 = vector.shape_cast %swap3A_269 : vector<1x16xf32> to vector<16xf32>
      %swap3A_271 = vector.shape_cast %scan3A_243#2 : vector<16xf32> to vector<1x16xf32>
      tpu.vector_store %arg9[%swap3A_267, %swap3A_268], %swap3A_271 {strides = array<i32>} : memref<128x64xf32, #tpu.memory_space<vmem>>, vector<1x16xf32>,
      %mul3A_272 = arith.constant 2 : i32
      %mul3A_273 = arith.muli %add3A_222, %mul3A_272 : i32
      %add3A_274 = arith.constant 0 : i32
      %add3A_275 = arith.addi %mul3A_273, %add3A_274 : i32
      %swap3A_276 = arith.index_cast %add3A_275 : i32 to index
      %swap3A_277 = arith.constant 48 : index
      %swap3A_278 = tpu.vector_load %arg9[%swap3A_276, %swap3A_277] {strides = array<i32>} : memref<128x64xf32, #tpu.memory_space<vmem>>, vector<1x16xf32>,
      %swap3A_279 = vector.shape_cast %swap3A_278 : vector<1x16xf32> to vector<16xf32>
      %swap3A_280 = vector.shape_cast %scan3A_243#3 : vector<16xf32> to vector<1x16xf32>
      tpu.vector_store %arg9[%swap3A_276, %swap3A_277], %swap3A_280 {strides = array<i32>} : memref<128x64xf32, #tpu.memory_space<vmem>>, vector<1x16xf32>,
      %broadcast_in_dim3A_281 = arith.constant 0.000000e+00 : f32
      %broadcast_in_dim3A_282 = vector.broadcast %broadcast_in_dim3A_281 : f32 to vector<16xf32>
      %broadcast_in_dim3A_283 = arith.constant 0.000000e+00 : f32
      %broadcast_in_dim3A_284 = vector.broadcast %broadcast_in_dim3A_283 : f32 to vector<16xf32>
      %broadcast_in_dim3A_285 = arith.constant 0.000000e+00 : f32
      %broadcast_in_dim3A_286 = vector.broadcast %broadcast_in_dim3A_285 : f32 to vector<16xf32>
      %broadcast_in_dim3A_287 = arith.constant 0.000000e+00 : f32
      %broadcast_in_dim3A_288 = vector.broadcast %broadcast_in_dim3A_287 : f32 to vector<16xf32>
      %scan3A_289 = arith.constant 0 : i32
      %scan3A_290 = arith.constant 200 : i32
      %scan3A_291 = arith.addi %scan3A_289, %scan3A_290 : i32
      %scan3A_292 = arith.constant 8 : i32
      %scan3A_293:4 = scf.for %scan3A_457 = %scan3A_289 to %scan3A_291 step %scan3A_292 iter_args(%scan3A_458 = %broadcast_in_dim3A_282, %scan3A_459 = %broadcast_in_dim3A_284, %scan3A_460 = %broadcast_in_dim3A_286, %scan3A_461 = %broadcast_in_dim3A_288) -> (vector<16xf32>, vector<16xf32>, vector<16xf32>, vector<16xf32>)  : i32 {
        %add3A_462 = arith.constant 200 : i32
        %add3A_463 = arith.addi %add3A_462, %scan3A_457 : i32
        %get3A = arith.index_cast %add3A_463 : i32 to index
        %get3A_464 = arith.constant 0 : index
        %get3A_465 = tpu.vector_load %arg7[%get3A, %get3A_464] {strides = array<i32>} : memref<400x64xf32, #tpu.memory_space<vmem>>, vector<1x16xf32>,
        %get3A_466 = vector.shape_cast %get3A_465 : vector<1x16xf32> to vector<16xf32>
        %add3A_467 = arith.addf %scan3A_458, %get3A_466 : vector<16xf32>
        %add3A_468 = arith.constant 200 : i32
        %add3A_469 = arith.addi %add3A_468, %scan3A_457 : i32
        %get3A_470 = arith.index_cast %add3A_469 : i32 to index
        %get3A_471 = arith.constant 16 : index
        %get3A_472 = tpu.vector_load %arg7[%get3A_470, %get3A_471] {strides = array<i32>} : memref<400x64xf32, #tpu.memory_space<vmem>>, vector<1x16xf32>,
        %get3A_473 = vector.shape_cast %get3A_472 : vector<1x16xf32> to vector<16xf32>
        %add3A_474 = arith.addf %scan3A_459, %get3A_473 : vector<16xf32>
        %add3A_475 = arith.constant 200 : i32
        %add3A_476 = arith.addi %add3A_475, %scan3A_457 : i32
        %get3A_477 = arith.index_cast %add3A_476 : i32 to index
        %get3A_478 = arith.constant 32 : index
        %get3A_479 = tpu.vector_load %arg7[%get3A_477, %get3A_478] {strides = array<i32>} : memref<400x64xf32, #tpu.memory_space<vmem>>, vector<1x16xf32>,
        %get3A_480 = vector.shape_cast %get3A_479 : vector<1x16xf32> to vector<16xf32>
        %add3A_481 = arith.addf %scan3A_460, %get3A_480 : vector<16xf32>
        %add3A_482 = arith.constant 200 : i32
        %add3A_483 = arith.addi %add3A_482, %scan3A_457 : i32
        %get3A_484 = arith.index_cast %add3A_483 : i32 to index
        %get3A_485 = arith.constant 48 : index
        %get3A_486 = tpu.vector_load %arg7[%get3A_484, %get3A_485] {strides = array<i32>} : memref<400x64xf32, #tpu.memory_space<vmem>>, vector<1x16xf32>,
        %get3A_487 = vector.shape_cast %get3A_486 : vector<1x16xf32> to vector<16xf32>
        %add3A_488 = arith.addf %scan3A_461, %get3A_487 : vector<16xf32>
        %scan3A_489 = arith.constant 1 : i32
        %scan3A_490 = arith.addi %scan3A_457, %scan3A_489 : i32
        %add3A_491 = arith.constant 200 : i32
        %add3A_492 = arith.addi %add3A_491, %scan3A_490 : i32
        %get3A_493 = arith.index_cast %add3A_492 : i32 to index
        %get3A_494 = arith.constant 0 : index
        %get3A_495 = tpu.vector_load %arg7[%get3A_493, %get3A_494] {strides = array<i32>} : memref<400x64xf32, #tpu.memory_space<vmem>>, vector<1x16xf32>,
        %get3A_496 = vector.shape_cast %get3A_495 : vector<1x16xf32> to vector<16xf32>
        %add3A_497 = arith.addf %add3A_467, %get3A_496 : vector<16xf32>
        %add3A_498 = arith.constant 200 : i32
        %add3A_499 = arith.addi %add3A_498, %scan3A_490 : i32
        %get3A_500 = arith.index_cast %add3A_499 : i32 to index
        %get3A_501 = arith.constant 16 : index
        %get3A_502 = tpu.vector_load %arg7[%get3A_500, %get3A_501] {strides = array<i32>} : memref<400x64xf32, #tpu.memory_space<vmem>>, vector<1x16xf32>,
        %get3A_503 = vector.shape_cast %get3A_502 : vector<1x16xf32> to vector<16xf32>
        %add3A_504 = arith.addf %add3A_474, %get3A_503 : vector<16xf32>
        %add3A_505 = arith.constant 200 : i32
        %add3A_506 = arith.addi %add3A_505, %scan3A_490 : i32
        %get3A_507 = arith.index_cast %add3A_506 : i32 to index
        %get3A_508 = arith.constant 32 : index
        %get3A_509 = tpu.vector_load %arg7[%get3A_507, %get3A_508] {strides = array<i32>} : memref<400x64xf32, #tpu.memory_space<vmem>>, vector<1x16xf32>,
        %get3A_510 = vector.shape_cast %get3A_509 : vector<1x16xf32> to vector<16xf32>
        %add3A_511 = arith.addf %add3A_481, %get3A_510 : vector<16xf32>
        %add3A_512 = arith.constant 200 : i32
        %add3A_513 = arith.addi %add3A_512, %scan3A_490 : i32
        %get3A_514 = arith.index_cast %add3A_513 : i32 to index
        %get3A_515 = arith.constant 48 : index
        %get3A_516 = tpu.vector_load %arg7[%get3A_514, %get3A_515] {strides = array<i32>} : memref<400x64xf32, #tpu.memory_space<vmem>>, vector<1x16xf32>,
        %get3A_517 = vector.shape_cast %get3A_516 : vector<1x16xf32> to vector<16xf32>
        %add3A_518 = arith.addf %add3A_488, %get3A_517 : vector<16xf32>
        %scan3A_519 = arith.constant 2 : i32
        %scan3A_520 = arith.addi %scan3A_457, %scan3A_519 : i32
        %add3A_521 = arith.constant 200 : i32
        %add3A_522 = arith.addi %add3A_521, %scan3A_520 : i32
        %get3A_523 = arith.index_cast %add3A_522 : i32 to index
        %get3A_524 = arith.constant 0 : index
        %get3A_525 = tpu.vector_load %arg7[%get3A_523, %get3A_524] {strides = array<i32>} : memref<400x64xf32, #tpu.memory_space<vmem>>, vector<1x16xf32>,
        %get3A_526 = vector.shape_cast %get3A_525 : vector<1x16xf32> to vector<16xf32>
        %add3A_527 = arith.addf %add3A_497, %get3A_526 : vector<16xf32>
        %add3A_528 = arith.constant 200 : i32
        %add3A_529 = arith.addi %add3A_528, %scan3A_520 : i32
        %get3A_530 = arith.index_cast %add3A_529 : i32 to index
        %get3A_531 = arith.constant 16 : index
        %get3A_532 = tpu.vector_load %arg7[%get3A_530, %get3A_531] {strides = array<i32>} : memref<400x64xf32, #tpu.memory_space<vmem>>, vector<1x16xf32>,
        %get3A_533 = vector.shape_cast %get3A_532 : vector<1x16xf32> to vector<16xf32>
        %add3A_534 = arith.addf %add3A_504, %get3A_533 : vector<16xf32>
        %add3A_535 = arith.constant 200 : i32
        %add3A_536 = arith.addi %add3A_535, %scan3A_520 : i32
        %get3A_537 = arith.index_cast %add3A_536 : i32 to index
        %get3A_538 = arith.constant 32 : index
        %get3A_539 = tpu.vector_load %arg7[%get3A_537, %get3A_538] {strides = array<i32>} : memref<400x64xf32, #tpu.memory_space<vmem>>, vector<1x16xf32>,
        %get3A_540 = vector.shape_cast %get3A_539 : vector<1x16xf32> to vector<16xf32>
        %add3A_541 = arith.addf %add3A_511, %get3A_540 : vector<16xf32>
        %add3A_542 = arith.constant 200 : i32
        %add3A_543 = arith.addi %add3A_542, %scan3A_520 : i32
        %get3A_544 = arith.index_cast %add3A_543 : i32 to index
        %get3A_545 = arith.constant 48 : index
        %get3A_546 = tpu.vector_load %arg7[%get3A_544, %get3A_545] {strides = array<i32>} : memref<400x64xf32, #tpu.memory_space<vmem>>, vector<1x16xf32>,
        %get3A_547 = vector.shape_cast %get3A_546 : vector<1x16xf32> to vector<16xf32>
        %add3A_548 = arith.addf %add3A_518, %get3A_547 : vector<16xf32>
        %scan3A_549 = arith.constant 3 : i32
        %scan3A_550 = arith.addi %scan3A_457, %scan3A_549 : i32
        %add3A_551 = arith.constant 200 : i32
        %add3A_552 = arith.addi %add3A_551, %scan3A_550 : i32
        %get3A_553 = arith.index_cast %add3A_552 : i32 to index
        %get3A_554 = arith.constant 0 : index
        %get3A_555 = tpu.vector_load %arg7[%get3A_553, %get3A_554] {strides = array<i32>} : memref<400x64xf32, #tpu.memory_space<vmem>>, vector<1x16xf32>,
        %get3A_556 = vector.shape_cast %get3A_555 : vector<1x16xf32> to vector<16xf32>
        %add3A_557 = arith.addf %add3A_527, %get3A_556 : vector<16xf32>
        %add3A_558 = arith.constant 200 : i32
        %add3A_559 = arith.addi %add3A_558, %scan3A_550 : i32
        %get3A_560 = arith.index_cast %add3A_559 : i32 to index
        %get3A_561 = arith.constant 16 : index
        %get3A_562 = tpu.vector_load %arg7[%get3A_560, %get3A_561] {strides = array<i32>} : memref<400x64xf32, #tpu.memory_space<vmem>>, vector<1x16xf32>,
        %get3A_563 = vector.shape_cast %get3A_562 : vector<1x16xf32> to vector<16xf32>
        %add3A_564 = arith.addf %add3A_534, %get3A_563 : vector<16xf32>
        %add3A_565 = arith.constant 200 : i32
        %add3A_566 = arith.addi %add3A_565, %scan3A_550 : i32
        %get3A_567 = arith.index_cast %add3A_566 : i32 to index
        %get3A_568 = arith.constant 32 : index
        %get3A_569 = tpu.vector_load %arg7[%get3A_567, %get3A_568] {strides = array<i32>} : memref<400x64xf32, #tpu.memory_space<vmem>>, vector<1x16xf32>,
        %get3A_570 = vector.shape_cast %get3A_569 : vector<1x16xf32> to vector<16xf32>
        %add3A_571 = arith.addf %add3A_541, %get3A_570 : vector<16xf32>
        %add3A_572 = arith.constant 200 : i32
        %add3A_573 = arith.addi %add3A_572, %scan3A_550 : i32
        %get3A_574 = arith.index_cast %add3A_573 : i32 to index
        %get3A_575 = arith.constant 48 : index
        %get3A_576 = tpu.vector_load %arg7[%get3A_574, %get3A_575] {strides = array<i32>} : memref<400x64xf32, #tpu.memory_space<vmem>>, vector<1x16xf32>,
        %get3A_577 = vector.shape_cast %get3A_576 : vector<1x16xf32> to vector<16xf32>
        %add3A_578 = arith.addf %add3A_548, %get3A_577 : vector<16xf32>
        %scan3A_579 = arith.constant 4 : i32
        %scan3A_580 = arith.addi %scan3A_457, %scan3A_579 : i32
        %add3A_581 = arith.constant 200 : i32
        %add3A_582 = arith.addi %add3A_581, %scan3A_580 : i32
        %get3A_583 = arith.index_cast %add3A_582 : i32 to index
        %get3A_584 = arith.constant 0 : index
        %get3A_585 = tpu.vector_load %arg7[%get3A_583, %get3A_584] {strides = array<i32>} : memref<400x64xf32, #tpu.memory_space<vmem>>, vector<1x16xf32>,
        %get3A_586 = vector.shape_cast %get3A_585 : vector<1x16xf32> to vector<16xf32>
        %add3A_587 = arith.addf %add3A_557, %get3A_586 : vector<16xf32>
        %add3A_588 = arith.constant 200 : i32
        %add3A_589 = arith.addi %add3A_588, %scan3A_580 : i32
        %get3A_590 = arith.index_cast %add3A_589 : i32 to index
        %get3A_591 = arith.constant 16 : index
        %get3A_592 = tpu.vector_load %arg7[%get3A_590, %get3A_591] {strides = array<i32>} : memref<400x64xf32, #tpu.memory_space<vmem>>, vector<1x16xf32>,
        %get3A_593 = vector.shape_cast %get3A_592 : vector<1x16xf32> to vector<16xf32>
        %add3A_594 = arith.addf %add3A_564, %get3A_593 : vector<16xf32>
        %add3A_595 = arith.constant 200 : i32
        %add3A_596 = arith.addi %add3A_595, %scan3A_580 : i32
        %get3A_597 = arith.index_cast %add3A_596 : i32 to index
        %get3A_598 = arith.constant 32 : index
        %get3A_599 = tpu.vector_load %arg7[%get3A_597, %get3A_598] {strides = array<i32>} : memref<400x64xf32, #tpu.memory_space<vmem>>, vector<1x16xf32>,
        %get3A_600 = vector.shape_cast %get3A_599 : vector<1x16xf32> to vector<16xf32>
        %add3A_601 = arith.addf %add3A_571, %get3A_600 : vector<16xf32>
        %add3A_602 = arith.constant 200 : i32
        %add3A_603 = arith.addi %add3A_602, %scan3A_580 : i32
        %get3A_604 = arith.index_cast %add3A_603 : i32 to index
        %get3A_605 = arith.constant 48 : index
        %get3A_606 = tpu.vector_load %arg7[%get3A_604, %get3A_605] {strides = array<i32>} : memref<400x64xf32, #tpu.memory_space<vmem>>, vector<1x16xf32>,
        %get3A_607 = vector.shape_cast %get3A_606 : vector<1x16xf32> to vector<16xf32>
        %add3A_608 = arith.addf %add3A_578, %get3A_607 : vector<16xf32>
        %scan3A_609 = arith.constant 5 : i32
        %scan3A_610 = arith.addi %scan3A_457, %scan3A_609 : i32
        %add3A_611 = arith.constant 200 : i32
        %add3A_612 = arith.addi %add3A_611, %scan3A_610 : i32
        %get3A_613 = arith.index_cast %add3A_612 : i32 to index
        %get3A_614 = arith.constant 0 : index
        %get3A_615 = tpu.vector_load %arg7[%get3A_613, %get3A_614] {strides = array<i32>} : memref<400x64xf32, #tpu.memory_space<vmem>>, vector<1x16xf32>,
        %get3A_616 = vector.shape_cast %get3A_615 : vector<1x16xf32> to vector<16xf32>
        %add3A_617 = arith.addf %add3A_587, %get3A_616 : vector<16xf32>
        %add3A_618 = arith.constant 200 : i32
        %add3A_619 = arith.addi %add3A_618, %scan3A_610 : i32
        %get3A_620 = arith.index_cast %add3A_619 : i32 to index
        %get3A_621 = arith.constant 16 : index
        %get3A_622 = tpu.vector_load %arg7[%get3A_620, %get3A_621] {strides = array<i32>} : memref<400x64xf32, #tpu.memory_space<vmem>>, vector<1x16xf32>,
        %get3A_623 = vector.shape_cast %get3A_622 : vector<1x16xf32> to vector<16xf32>
        %add3A_624 = arith.addf %add3A_594, %get3A_623 : vector<16xf32>
        %add3A_625 = arith.constant 200 : i32
        %add3A_626 = arith.addi %add3A_625, %scan3A_610 : i32
        %get3A_627 = arith.index_cast %add3A_626 : i32 to index
        %get3A_628 = arith.constant 32 : index
        %get3A_629 = tpu.vector_load %arg7[%get3A_627, %get3A_628] {strides = array<i32>} : memref<400x64xf32, #tpu.memory_space<vmem>>, vector<1x16xf32>,
        %get3A_630 = vector.shape_cast %get3A_629 : vector<1x16xf32> to vector<16xf32>
        %add3A_631 = arith.addf %add3A_601, %get3A_630 : vector<16xf32>
        %add3A_632 = arith.constant 200 : i32
        %add3A_633 = arith.addi %add3A_632, %scan3A_610 : i32
        %get3A_634 = arith.index_cast %add3A_633 : i32 to index
        %get3A_635 = arith.constant 48 : index
        %get3A_636 = tpu.vector_load %arg7[%get3A_634, %get3A_635] {strides = array<i32>} : memref<400x64xf32, #tpu.memory_space<vmem>>, vector<1x16xf32>,
        %get3A_637 = vector.shape_cast %get3A_636 : vector<1x16xf32> to vector<16xf32>
        %add3A_638 = arith.addf %add3A_608, %get3A_637 : vector<16xf32>
        %scan3A_639 = arith.constant 6 : i32
        %scan3A_640 = arith.addi %scan3A_457, %scan3A_639 : i32
        %add3A_641 = arith.constant 200 : i32
        %add3A_642 = arith.addi %add3A_641, %scan3A_640 : i32
        %get3A_643 = arith.index_cast %add3A_642 : i32 to index
        %get3A_644 = arith.constant 0 : index
        %get3A_645 = tpu.vector_load %arg7[%get3A_643, %get3A_644] {strides = array<i32>} : memref<400x64xf32, #tpu.memory_space<vmem>>, vector<1x16xf32>,
        %get3A_646 = vector.shape_cast %get3A_645 : vector<1x16xf32> to vector<16xf32>
        %add3A_647 = arith.addf %add3A_617, %get3A_646 : vector<16xf32>
        %add3A_648 = arith.constant 200 : i32
        %add3A_649 = arith.addi %add3A_648, %scan3A_640 : i32
        %get3A_650 = arith.index_cast %add3A_649 : i32 to index
        %get3A_651 = arith.constant 16 : index
        %get3A_652 = tpu.vector_load %arg7[%get3A_650, %get3A_651] {strides = array<i32>} : memref<400x64xf32, #tpu.memory_space<vmem>>, vector<1x16xf32>,
        %get3A_653 = vector.shape_cast %get3A_652 : vector<1x16xf32> to vector<16xf32>
        %add3A_654 = arith.addf %add3A_624, %get3A_653 : vector<16xf32>
        %add3A_655 = arith.constant 200 : i32
        %add3A_656 = arith.addi %add3A_655, %scan3A_640 : i32
        %get3A_657 = arith.index_cast %add3A_656 : i32 to index
        %get3A_658 = arith.constant 32 : index
        %get3A_659 = tpu.vector_load %arg7[%get3A_657, %get3A_658] {strides = array<i32>} : memref<400x64xf32, #tpu.memory_space<vmem>>, vector<1x16xf32>,
        %get3A_660 = vector.shape_cast %get3A_659 : vector<1x16xf32> to vector<16xf32>
        %add3A_661 = arith.addf %add3A_631, %get3A_660 : vector<16xf32>
        %add3A_662 = arith.constant 200 : i32
        %add3A_663 = arith.addi %add3A_662, %scan3A_640 : i32
        %get3A_664 = arith.index_cast %add3A_663 : i32 to index
        %get3A_665 = arith.constant 48 : index
        %get3A_666 = tpu.vector_load %arg7[%get3A_664, %get3A_665] {strides = array<i32>} : memref<400x64xf32, #tpu.memory_space<vmem>>, vector<1x16xf32>,
        %get3A_667 = vector.shape_cast %get3A_666 : vector<1x16xf32> to vector<16xf32>
        %add3A_668 = arith.addf %add3A_638, %get3A_667 : vector<16xf32>
        %scan3A_669 = arith.constant 7 : i32
        %scan3A_670 = arith.addi %scan3A_457, %scan3A_669 : i32
        %add3A_671 = arith.constant 200 : i32
        %add3A_672 = arith.addi %add3A_671, %scan3A_670 : i32
        %get3A_673 = arith.index_cast %add3A_672 : i32 to index
        %get3A_674 = arith.constant 0 : index
        %get3A_675 = tpu.vector_load %arg7[%get3A_673, %get3A_674] {strides = array<i32>} : memref<400x64xf32, #tpu.memory_space<vmem>>, vector<1x16xf32>,
        %get3A_676 = vector.shape_cast %get3A_675 : vector<1x16xf32> to vector<16xf32>
        %add3A_677 = arith.addf %add3A_647, %get3A_676 : vector<16xf32>
        %add3A_678 = arith.constant 200 : i32
        %add3A_679 = arith.addi %add3A_678, %scan3A_670 : i32
        %get3A_680 = arith.index_cast %add3A_679 : i32 to index
        %get3A_681 = arith.constant 16 : index
        %get3A_682 = tpu.vector_load %arg7[%get3A_680, %get3A_681] {strides = array<i32>} : memref<400x64xf32, #tpu.memory_space<vmem>>, vector<1x16xf32>,
        %get3A_683 = vector.shape_cast %get3A_682 : vector<1x16xf32> to vector<16xf32>
        %add3A_684 = arith.addf %add3A_654, %get3A_683 : vector<16xf32>
        %add3A_685 = arith.constant 200 : i32
        %add3A_686 = arith.addi %add3A_685, %scan3A_670 : i32
        %get3A_687 = arith.index_cast %add3A_686 : i32 to index
        %get3A_688 = arith.constant 32 : index
        %get3A_689 = tpu.vector_load %arg7[%get3A_687, %get3A_688] {strides = array<i32>} : memref<400x64xf32, #tpu.memory_space<vmem>>, vector<1x16xf32>,
        %get3A_690 = vector.shape_cast %get3A_689 : vector<1x16xf32> to vector<16xf32>
        %add3A_691 = arith.addf %add3A_661, %get3A_690 : vector<16xf32>
        %add3A_692 = arith.constant 200 : i32
        %add3A_693 = arith.addi %add3A_692, %scan3A_670 : i32
        %get3A_694 = arith.index_cast %add3A_693 : i32 to index
        %get3A_695 = arith.constant 48 : index
        %get3A_696 = tpu.vector_load %arg7[%get3A_694, %get3A_695] {strides = array<i32>} : memref<400x64xf32, #tpu.memory_space<vmem>>, vector<1x16xf32>,
        %get3A_697 = vector.shape_cast %get3A_696 : vector<1x16xf32> to vector<16xf32>
        %add3A_698 = arith.addf %add3A_668, %get3A_697 : vector<16xf32>
        scf.yield %add3A_677, %add3A_684, %add3A_691, %add3A_698 : vector<16xf32>, vector<16xf32>, vector<16xf32>, vector<16xf32>
      }
      %scan3A_294 = arith.constant 200 : i32
      %mul3A_295 = arith.constant 2 : i32
      %mul3A_296 = arith.muli %add3A_222, %mul3A_295 : i32
      %add3A_297 = arith.constant 1 : i32
      %add3A_298 = arith.addi %mul3A_296, %add3A_297 : i32
      %swap3A_299 = arith.index_cast %add3A_298 : i32 to index
      %swap3A_300 = arith.constant 0 : index
      %swap3A_301 = tpu.vector_load %arg9[%swap3A_299, %swap3A_300] {strides = array<i32>} : memref<128x64xf32, #tpu.memory_space<vmem>>, vector<1x16xf32>,
      %swap3A_302 = vector.shape_cast %swap3A_301 : vector<1x16xf32> to vector<16xf32>
      %swap3A_303 = vector.shape_cast %scan3A_293#0 : vector<16xf32> to vector<1x16xf32>
      tpu.vector_store %arg9[%swap3A_299, %swap3A_300], %swap3A_303 {strides = array<i32>} : memref<128x64xf32, #tpu.memory_space<vmem>>, vector<1x16xf32>,
      %mul3A_304 = arith.constant 2 : i32
      %mul3A_305 = arith.muli %add3A_222, %mul3A_304 : i32
      %add3A_306 = arith.constant 1 : i32
      %add3A_307 = arith.addi %mul3A_305, %add3A_306 : i32
      %swap3A_308 = arith.index_cast %add3A_307 : i32 to index
      %swap3A_309 = arith.constant 16 : index
      %swap3A_310 = tpu.vector_load %arg9[%swap3A_308, %swap3A_309] {strides = array<i32>} : memref<128x64xf32, #tpu.memory_space<vmem>>, vector<1x16xf32>,
      %swap3A_311 = vector.shape_cast %swap3A_310 : vector<1x16xf32> to vector<16xf32>
      %swap3A_312 = vector.shape_cast %scan3A_293#1 : vector<16xf32> to vector<1x16xf32>
      tpu.vector_store %arg9[%swap3A_308, %swap3A_309], %swap3A_312 {strides = array<i32>} : memref<128x64xf32, #tpu.memory_space<vmem>>, vector<1x16xf32>,
      %mul3A_313 = arith.constant 2 : i32
      %mul3A_314 = arith.muli %add3A_222, %mul3A_313 : i32
      %add3A_315 = arith.constant 1 : i32
      %add3A_316 = arith.addi %mul3A_314, %add3A_315 : i32
      %swap3A_317 = arith.index_cast %add3A_316 : i32 to index
      %swap3A_318 = arith.constant 32 : index
      %swap3A_319 = tpu.vector_load %arg9[%swap3A_317, %swap3A_318] {strides = array<i32>} : memref<128x64xf32, #tpu.memory_space<vmem>>, vector<1x16xf32>,
      %swap3A_320 = vector.shape_cast %swap3A_319 : vector<1x16xf32> to vector<16xf32>
      %swap3A_321 = vector.shape_cast %scan3A_293#2 : vector<16xf32> to vector<1x16xf32>
      tpu.vector_store %arg9[%swap3A_317, %swap3A_318], %swap3A_321 {strides = array<i32>} : memref<128x64xf32, #tpu.memory_space<vmem>>, vector<1x16xf32>,
      %mul3A_322 = arith.constant 2 : i32
      %mul3A_323 = arith.muli %add3A_222, %mul3A_322 : i32
      %add3A_324 = arith.constant 1 : i32
      %add3A_325 = arith.addi %mul3A_323, %add3A_324 : i32
      %swap3A_326 = arith.index_cast %add3A_325 : i32 to index
      %swap3A_327 = arith.constant 48 : index
      %swap3A_328 = tpu.vector_load %arg9[%swap3A_326, %swap3A_327] {strides = array<i32>} : memref<128x64xf32, #tpu.memory_space<vmem>>, vector<1x16xf32>,
      %swap3A_329 = vector.shape_cast %swap3A_328 : vector<1x16xf32> to vector<16xf32>
      %swap3A_330 = vector.shape_cast %scan3A_293#3 : vector<16xf32> to vector<1x16xf32>
      tpu.vector_store %arg9[%swap3A_326, %swap3A_327], %swap3A_330 {strides = array<i32>} : memref<128x64xf32, #tpu.memory_space<vmem>>, vector<1x16xf32>,
      %add3A_331 = arith.constant 3 : i32
      %add3A_332 = arith.addi %add3A_222, %add3A_331 : i32
      %lt3A_333 = arith.constant 64 : i32
      %lt3A_334 = arith.cmpi slt, %add3A_332, %lt3A_333 : i32
      %convert_element_type3A_335 = arith.extui %lt3A_334 : i1 to i32
      %cond3A_336 = arith.constant 0 : i32
      %cond3A_337 = arith.cmpi ne, %convert_element_type3A_335, %cond3A_336 : i32
      scf.if %cond3A_337 {
        %mul3A_457 = arith.constant 2 : i32
        %mul3A_458 = arith.muli %add3A_332, %mul3A_457 : i32
        %mul3A_459 = arith.constant 200 : i32
        %mul3A_460 = arith.muli %mul3A_458, %mul3A_459 : i32
        %dma_start3A_461 = tpu.memref_slice %arg5[%mul3A_460] : memref<25600xi32, #tpu.memory_space<vmem>> -> memref<400xi32, #tpu.memory_space<vmem>>
        %dma_start3A_462 = arith.constant 0 : i32
        %dma_start3A_463 = arith.constant 0 : i32
        %dma_start3A_464 = tpu.memref_slice %arg3[%dma_start3A_462, %dma_start3A_463] : memref<100000x64xf32, #tpu.memory_space<hbm>> -> memref<100000x64xf32, #tpu.memory_space<hbm>>
        tpu.enqueue_indirect_dma source(%dma_start3A_464 : memref<100000x64xf32, #tpu.memory_space<hbm>>) target(%arg7 : memref<400x64xf32, #tpu.memory_space<vmem>>) offsets(%dma_start3A_461 : memref<400xi32, #tpu.memory_space<vmem>>) semaphore(%arg11 : memref<!tpu.dma_semaphore, #tpu.memory_space<semaphore_mem>>)
      } else {
      }
      %mul3A_338 = arith.constant 3 : i32
      %mul3A_339 = arith.muli %scan3A_102, %mul3A_338 : i32
      %add3A_340 = arith.constant 2 : i32
      %add3A_341 = arith.addi %mul3A_339, %add3A_340 : i32
      %mul3A_342 = arith.constant 2 : i32
      %mul3A_343 = arith.muli %add3A_341, %mul3A_342 : i32
      %mul3A_344 = arith.constant 200 : i32
      %mul3A_345 = arith.muli %mul3A_343, %mul3A_344 : i32
      %dma_wait3A_346 = tpu.memref_slice %arg5[%mul3A_345] : memref<25600xi32, #tpu.memory_space<vmem>> -> memref<400xi32, #tpu.memory_space<vmem>>
      %dma_wait3A_347 = arith.constant 0 : i32
      %dma_wait3A_348 = arith.constant 0 : i32
      %dma_wait3A_349 = tpu.memref_slice %arg3[%dma_wait3A_347, %dma_wait3A_348] : memref<100000x64xf32, #tpu.memory_space<hbm>> -> memref<100000x64xf32, #tpu.memory_space<hbm>>
      tpu.wait_indirect_dma semaphore(%arg12 : memref<!tpu.dma_semaphore, #tpu.memory_space<semaphore_mem>>) src(%dma_wait3A_349 : memref<100000x64xf32, #tpu.memory_space<hbm>>) dst(%arg8 : memref<400x64xf32, #tpu.memory_space<vmem>>)
      %broadcast_in_dim3A_350 = arith.constant 0.000000e+00 : f32
      %broadcast_in_dim3A_351 = vector.broadcast %broadcast_in_dim3A_350 : f32 to vector<16xf32>
      %broadcast_in_dim3A_352 = arith.constant 0.000000e+00 : f32
      %broadcast_in_dim3A_353 = vector.broadcast %broadcast_in_dim3A_352 : f32 to vector<16xf32>
      %broadcast_in_dim3A_354 = arith.constant 0.000000e+00 : f32
      %broadcast_in_dim3A_355 = vector.broadcast %broadcast_in_dim3A_354 : f32 to vector<16xf32>
      %broadcast_in_dim3A_356 = arith.constant 0.000000e+00 : f32
      %broadcast_in_dim3A_357 = vector.broadcast %broadcast_in_dim3A_356 : f32 to vector<16xf32>
      %scan3A_358 = arith.constant 0 : i32
      %scan3A_359 = arith.constant 200 : i32
      %scan3A_360 = arith.addi %scan3A_358, %scan3A_359 : i32
      %scan3A_361 = arith.constant 8 : i32
      %scan3A_362:4 = scf.for %scan3A_457 = %scan3A_358 to %scan3A_360 step %scan3A_361 iter_args(%scan3A_458 = %broadcast_in_dim3A_351, %scan3A_459 = %broadcast_in_dim3A_353, %scan3A_460 = %broadcast_in_dim3A_355, %scan3A_461 = %broadcast_in_dim3A_357) -> (vector<16xf32>, vector<16xf32>, vector<16xf32>, vector<16xf32>)  : i32 {
        %add3A_462 = arith.constant 0 : i32
        %add3A_463 = arith.addi %add3A_462, %scan3A_457 : i32
        %get3A = arith.index_cast %add3A_463 : i32 to index
        %get3A_464 = arith.constant 0 : index
        %get3A_465 = tpu.vector_load %arg8[%get3A, %get3A_464] {strides = array<i32>} : memref<400x64xf32, #tpu.memory_space<vmem>>, vector<1x16xf32>,
        %get3A_466 = vector.shape_cast %get3A_465 : vector<1x16xf32> to vector<16xf32>
        %add3A_467 = arith.addf %scan3A_458, %get3A_466 : vector<16xf32>
        %add3A_468 = arith.constant 0 : i32
        %add3A_469 = arith.addi %add3A_468, %scan3A_457 : i32
        %get3A_470 = arith.index_cast %add3A_469 : i32 to index
        %get3A_471 = arith.constant 16 : index
        %get3A_472 = tpu.vector_load %arg8[%get3A_470, %get3A_471] {strides = array<i32>} : memref<400x64xf32, #tpu.memory_space<vmem>>, vector<1x16xf32>,
        %get3A_473 = vector.shape_cast %get3A_472 : vector<1x16xf32> to vector<16xf32>
        %add3A_474 = arith.addf %scan3A_459, %get3A_473 : vector<16xf32>
        %add3A_475 = arith.constant 0 : i32
        %add3A_476 = arith.addi %add3A_475, %scan3A_457 : i32
        %get3A_477 = arith.index_cast %add3A_476 : i32 to index
        %get3A_478 = arith.constant 32 : index
        %get3A_479 = tpu.vector_load %arg8[%get3A_477, %get3A_478] {strides = array<i32>} : memref<400x64xf32, #tpu.memory_space<vmem>>, vector<1x16xf32>,
        %get3A_480 = vector.shape_cast %get3A_479 : vector<1x16xf32> to vector<16xf32>
        %add3A_481 = arith.addf %scan3A_460, %get3A_480 : vector<16xf32>
        %add3A_482 = arith.constant 0 : i32
        %add3A_483 = arith.addi %add3A_482, %scan3A_457 : i32
        %get3A_484 = arith.index_cast %add3A_483 : i32 to index
        %get3A_485 = arith.constant 48 : index
        %get3A_486 = tpu.vector_load %arg8[%get3A_484, %get3A_485] {strides = array<i32>} : memref<400x64xf32, #tpu.memory_space<vmem>>, vector<1x16xf32>,
        %get3A_487 = vector.shape_cast %get3A_486 : vector<1x16xf32> to vector<16xf32>
        %add3A_488 = arith.addf %scan3A_461, %get3A_487 : vector<16xf32>
        %scan3A_489 = arith.constant 1 : i32
        %scan3A_490 = arith.addi %scan3A_457, %scan3A_489 : i32
        %add3A_491 = arith.constant 0 : i32
        %add3A_492 = arith.addi %add3A_491, %scan3A_490 : i32
        %get3A_493 = arith.index_cast %add3A_492 : i32 to index
        %get3A_494 = arith.constant 0 : index
        %get3A_495 = tpu.vector_load %arg8[%get3A_493, %get3A_494] {strides = array<i32>} : memref<400x64xf32, #tpu.memory_space<vmem>>, vector<1x16xf32>,
        %get3A_496 = vector.shape_cast %get3A_495 : vector<1x16xf32> to vector<16xf32>
        %add3A_497 = arith.addf %add3A_467, %get3A_496 : vector<16xf32>
        %add3A_498 = arith.constant 0 : i32
        %add3A_499 = arith.addi %add3A_498, %scan3A_490 : i32
        %get3A_500 = arith.index_cast %add3A_499 : i32 to index
        %get3A_501 = arith.constant 16 : index
        %get3A_502 = tpu.vector_load %arg8[%get3A_500, %get3A_501] {strides = array<i32>} : memref<400x64xf32, #tpu.memory_space<vmem>>, vector<1x16xf32>,
        %get3A_503 = vector.shape_cast %get3A_502 : vector<1x16xf32> to vector<16xf32>
        %add3A_504 = arith.addf %add3A_474, %get3A_503 : vector<16xf32>
        %add3A_505 = arith.constant 0 : i32
        %add3A_506 = arith.addi %add3A_505, %scan3A_490 : i32
        %get3A_507 = arith.index_cast %add3A_506 : i32 to index
        %get3A_508 = arith.constant 32 : index
        %get3A_509 = tpu.vector_load %arg8[%get3A_507, %get3A_508] {strides = array<i32>} : memref<400x64xf32, #tpu.memory_space<vmem>>, vector<1x16xf32>,
        %get3A_510 = vector.shape_cast %get3A_509 : vector<1x16xf32> to vector<16xf32>
        %add3A_511 = arith.addf %add3A_481, %get3A_510 : vector<16xf32>
        %add3A_512 = arith.constant 0 : i32
        %add3A_513 = arith.addi %add3A_512, %scan3A_490 : i32
        %get3A_514 = arith.index_cast %add3A_513 : i32 to index
        %get3A_515 = arith.constant 48 : index
        %get3A_516 = tpu.vector_load %arg8[%get3A_514, %get3A_515] {strides = array<i32>} : memref<400x64xf32, #tpu.memory_space<vmem>>, vector<1x16xf32>,
        %get3A_517 = vector.shape_cast %get3A_516 : vector<1x16xf32> to vector<16xf32>
        %add3A_518 = arith.addf %add3A_488, %get3A_517 : vector<16xf32>
        %scan3A_519 = arith.constant 2 : i32
        %scan3A_520 = arith.addi %scan3A_457, %scan3A_519 : i32
        %add3A_521 = arith.constant 0 : i32
        %add3A_522 = arith.addi %add3A_521, %scan3A_520 : i32
        %get3A_523 = arith.index_cast %add3A_522 : i32 to index
        %get3A_524 = arith.constant 0 : index
        %get3A_525 = tpu.vector_load %arg8[%get3A_523, %get3A_524] {strides = array<i32>} : memref<400x64xf32, #tpu.memory_space<vmem>>, vector<1x16xf32>,
        %get3A_526 = vector.shape_cast %get3A_525 : vector<1x16xf32> to vector<16xf32>
        %add3A_527 = arith.addf %add3A_497, %get3A_526 : vector<16xf32>
        %add3A_528 = arith.constant 0 : i32
        %add3A_529 = arith.addi %add3A_528, %scan3A_520 : i32
        %get3A_530 = arith.index_cast %add3A_529 : i32 to index
        %get3A_531 = arith.constant 16 : index
        %get3A_532 = tpu.vector_load %arg8[%get3A_530, %get3A_531] {strides = array<i32>} : memref<400x64xf32, #tpu.memory_space<vmem>>, vector<1x16xf32>,
        %get3A_533 = vector.shape_cast %get3A_532 : vector<1x16xf32> to vector<16xf32>
        %add3A_534 = arith.addf %add3A_504, %get3A_533 : vector<16xf32>
        %add3A_535 = arith.constant 0 : i32
        %add3A_536 = arith.addi %add3A_535, %scan3A_520 : i32
        %get3A_537 = arith.index_cast %add3A_536 : i32 to index
        %get3A_538 = arith.constant 32 : index
        %get3A_539 = tpu.vector_load %arg8[%get3A_537, %get3A_538] {strides = array<i32>} : memref<400x64xf32, #tpu.memory_space<vmem>>, vector<1x16xf32>,
        %get3A_540 = vector.shape_cast %get3A_539 : vector<1x16xf32> to vector<16xf32>
        %add3A_541 = arith.addf %add3A_511, %get3A_540 : vector<16xf32>
        %add3A_542 = arith.constant 0 : i32
        %add3A_543 = arith.addi %add3A_542, %scan3A_520 : i32
        %get3A_544 = arith.index_cast %add3A_543 : i32 to index
        %get3A_545 = arith.constant 48 : index
        %get3A_546 = tpu.vector_load %arg8[%get3A_544, %get3A_545] {strides = array<i32>} : memref<400x64xf32, #tpu.memory_space<vmem>>, vector<1x16xf32>,
        %get3A_547 = vector.shape_cast %get3A_546 : vector<1x16xf32> to vector<16xf32>
        %add3A_548 = arith.addf %add3A_518, %get3A_547 : vector<16xf32>
        %scan3A_549 = arith.constant 3 : i32
        %scan3A_550 = arith.addi %scan3A_457, %scan3A_549 : i32
        %add3A_551 = arith.constant 0 : i32
        %add3A_552 = arith.addi %add3A_551, %scan3A_550 : i32
        %get3A_553 = arith.index_cast %add3A_552 : i32 to index
        %get3A_554 = arith.constant 0 : index
        %get3A_555 = tpu.vector_load %arg8[%get3A_553, %get3A_554] {strides = array<i32>} : memref<400x64xf32, #tpu.memory_space<vmem>>, vector<1x16xf32>,
        %get3A_556 = vector.shape_cast %get3A_555 : vector<1x16xf32> to vector<16xf32>
        %add3A_557 = arith.addf %add3A_527, %get3A_556 : vector<16xf32>
        %add3A_558 = arith.constant 0 : i32
        %add3A_559 = arith.addi %add3A_558, %scan3A_550 : i32
        %get3A_560 = arith.index_cast %add3A_559 : i32 to index
        %get3A_561 = arith.constant 16 : index
        %get3A_562 = tpu.vector_load %arg8[%get3A_560, %get3A_561] {strides = array<i32>} : memref<400x64xf32, #tpu.memory_space<vmem>>, vector<1x16xf32>,
        %get3A_563 = vector.shape_cast %get3A_562 : vector<1x16xf32> to vector<16xf32>
        %add3A_564 = arith.addf %add3A_534, %get3A_563 : vector<16xf32>
        %add3A_565 = arith.constant 0 : i32
        %add3A_566 = arith.addi %add3A_565, %scan3A_550 : i32
        %get3A_567 = arith.index_cast %add3A_566 : i32 to index
        %get3A_568 = arith.constant 32 : index
        %get3A_569 = tpu.vector_load %arg8[%get3A_567, %get3A_568] {strides = array<i32>} : memref<400x64xf32, #tpu.memory_space<vmem>>, vector<1x16xf32>,
        %get3A_570 = vector.shape_cast %get3A_569 : vector<1x16xf32> to vector<16xf32>
        %add3A_571 = arith.addf %add3A_541, %get3A_570 : vector<16xf32>
        %add3A_572 = arith.constant 0 : i32
        %add3A_573 = arith.addi %add3A_572, %scan3A_550 : i32
        %get3A_574 = arith.index_cast %add3A_573 : i32 to index
        %get3A_575 = arith.constant 48 : index
        %get3A_576 = tpu.vector_load %arg8[%get3A_574, %get3A_575] {strides = array<i32>} : memref<400x64xf32, #tpu.memory_space<vmem>>, vector<1x16xf32>,
        %get3A_577 = vector.shape_cast %get3A_576 : vector<1x16xf32> to vector<16xf32>
        %add3A_578 = arith.addf %add3A_548, %get3A_577 : vector<16xf32>
        %scan3A_579 = arith.constant 4 : i32
        %scan3A_580 = arith.addi %scan3A_457, %scan3A_579 : i32
        %add3A_581 = arith.constant 0 : i32
        %add3A_582 = arith.addi %add3A_581, %scan3A_580 : i32
        %get3A_583 = arith.index_cast %add3A_582 : i32 to index
        %get3A_584 = arith.constant 0 : index
        %get3A_585 = tpu.vector_load %arg8[%get3A_583, %get3A_584] {strides = array<i32>} : memref<400x64xf32, #tpu.memory_space<vmem>>, vector<1x16xf32>,
        %get3A_586 = vector.shape_cast %get3A_585 : vector<1x16xf32> to vector<16xf32>
        %add3A_587 = arith.addf %add3A_557, %get3A_586 : vector<16xf32>
        %add3A_588 = arith.constant 0 : i32
        %add3A_589 = arith.addi %add3A_588, %scan3A_580 : i32
        %get3A_590 = arith.index_cast %add3A_589 : i32 to index
        %get3A_591 = arith.constant 16 : index
        %get3A_592 = tpu.vector_load %arg8[%get3A_590, %get3A_591] {strides = array<i32>} : memref<400x64xf32, #tpu.memory_space<vmem>>, vector<1x16xf32>,
        %get3A_593 = vector.shape_cast %get3A_592 : vector<1x16xf32> to vector<16xf32>
        %add3A_594 = arith.addf %add3A_564, %get3A_593 : vector<16xf32>
        %add3A_595 = arith.constant 0 : i32
        %add3A_596 = arith.addi %add3A_595, %scan3A_580 : i32
        %get3A_597 = arith.index_cast %add3A_596 : i32 to index
        %get3A_598 = arith.constant 32 : index
        %get3A_599 = tpu.vector_load %arg8[%get3A_597, %get3A_598] {strides = array<i32>} : memref<400x64xf32, #tpu.memory_space<vmem>>, vector<1x16xf32>,
        %get3A_600 = vector.shape_cast %get3A_599 : vector<1x16xf32> to vector<16xf32>
        %add3A_601 = arith.addf %add3A_571, %get3A_600 : vector<16xf32>
        %add3A_602 = arith.constant 0 : i32
        %add3A_603 = arith.addi %add3A_602, %scan3A_580 : i32
        %get3A_604 = arith.index_cast %add3A_603 : i32 to index
        %get3A_605 = arith.constant 48 : index
        %get3A_606 = tpu.vector_load %arg8[%get3A_604, %get3A_605] {strides = array<i32>} : memref<400x64xf32, #tpu.memory_space<vmem>>, vector<1x16xf32>,
        %get3A_607 = vector.shape_cast %get3A_606 : vector<1x16xf32> to vector<16xf32>
        %add3A_608 = arith.addf %add3A_578, %get3A_607 : vector<16xf32>
        %scan3A_609 = arith.constant 5 : i32
        %scan3A_610 = arith.addi %scan3A_457, %scan3A_609 : i32
        %add3A_611 = arith.constant 0 : i32
        %add3A_612 = arith.addi %add3A_611, %scan3A_610 : i32
        %get3A_613 = arith.index_cast %add3A_612 : i32 to index
        %get3A_614 = arith.constant 0 : index
        %get3A_615 = tpu.vector_load %arg8[%get3A_613, %get3A_614] {strides = array<i32>} : memref<400x64xf32, #tpu.memory_space<vmem>>, vector<1x16xf32>,
        %get3A_616 = vector.shape_cast %get3A_615 : vector<1x16xf32> to vector<16xf32>
        %add3A_617 = arith.addf %add3A_587, %get3A_616 : vector<16xf32>
        %add3A_618 = arith.constant 0 : i32
        %add3A_619 = arith.addi %add3A_618, %scan3A_610 : i32
        %get3A_620 = arith.index_cast %add3A_619 : i32 to index
        %get3A_621 = arith.constant 16 : index
        %get3A_622 = tpu.vector_load %arg8[%get3A_620, %get3A_621] {strides = array<i32>} : memref<400x64xf32, #tpu.memory_space<vmem>>, vector<1x16xf32>,
        %get3A_623 = vector.shape_cast %get3A_622 : vector<1x16xf32> to vector<16xf32>
        %add3A_624 = arith.addf %add3A_594, %get3A_623 : vector<16xf32>
        %add3A_625 = arith.constant 0 : i32
        %add3A_626 = arith.addi %add3A_625, %scan3A_610 : i32
        %get3A_627 = arith.index_cast %add3A_626 : i32 to index
        %get3A_628 = arith.constant 32 : index
        %get3A_629 = tpu.vector_load %arg8[%get3A_627, %get3A_628] {strides = array<i32>} : memref<400x64xf32, #tpu.memory_space<vmem>>, vector<1x16xf32>,
        %get3A_630 = vector.shape_cast %get3A_629 : vector<1x16xf32> to vector<16xf32>
        %add3A_631 = arith.addf %add3A_601, %get3A_630 : vector<16xf32>
        %add3A_632 = arith.constant 0 : i32
        %add3A_633 = arith.addi %add3A_632, %scan3A_610 : i32
        %get3A_634 = arith.index_cast %add3A_633 : i32 to index
        %get3A_635 = arith.constant 48 : index
        %get3A_636 = tpu.vector_load %arg8[%get3A_634, %get3A_635] {strides = array<i32>} : memref<400x64xf32, #tpu.memory_space<vmem>>, vector<1x16xf32>,
        %get3A_637 = vector.shape_cast %get3A_636 : vector<1x16xf32> to vector<16xf32>
        %add3A_638 = arith.addf %add3A_608, %get3A_637 : vector<16xf32>
        %scan3A_639 = arith.constant 6 : i32
        %scan3A_640 = arith.addi %scan3A_457, %scan3A_639 : i32
        %add3A_641 = arith.constant 0 : i32
        %add3A_642 = arith.addi %add3A_641, %scan3A_640 : i32
        %get3A_643 = arith.index_cast %add3A_642 : i32 to index
        %get3A_644 = arith.constant 0 : index
        %get3A_645 = tpu.vector_load %arg8[%get3A_643, %get3A_644] {strides = array<i32>} : memref<400x64xf32, #tpu.memory_space<vmem>>, vector<1x16xf32>,
        %get3A_646 = vector.shape_cast %get3A_645 : vector<1x16xf32> to vector<16xf32>
        %add3A_647 = arith.addf %add3A_617, %get3A_646 : vector<16xf32>
        %add3A_648 = arith.constant 0 : i32
        %add3A_649 = arith.addi %add3A_648, %scan3A_640 : i32
        %get3A_650 = arith.index_cast %add3A_649 : i32 to index
        %get3A_651 = arith.constant 16 : index
        %get3A_652 = tpu.vector_load %arg8[%get3A_650, %get3A_651] {strides = array<i32>} : memref<400x64xf32, #tpu.memory_space<vmem>>, vector<1x16xf32>,
        %get3A_653 = vector.shape_cast %get3A_652 : vector<1x16xf32> to vector<16xf32>
        %add3A_654 = arith.addf %add3A_624, %get3A_653 : vector<16xf32>
        %add3A_655 = arith.constant 0 : i32
        %add3A_656 = arith.addi %add3A_655, %scan3A_640 : i32
        %get3A_657 = arith.index_cast %add3A_656 : i32 to index
        %get3A_658 = arith.constant 32 : index
        %get3A_659 = tpu.vector_load %arg8[%get3A_657, %get3A_658] {strides = array<i32>} : memref<400x64xf32, #tpu.memory_space<vmem>>, vector<1x16xf32>,
        %get3A_660 = vector.shape_cast %get3A_659 : vector<1x16xf32> to vector<16xf32>
        %add3A_661 = arith.addf %add3A_631, %get3A_660 : vector<16xf32>
        %add3A_662 = arith.constant 0 : i32
        %add3A_663 = arith.addi %add3A_662, %scan3A_640 : i32
        %get3A_664 = arith.index_cast %add3A_663 : i32 to index
        %get3A_665 = arith.constant 48 : index
        %get3A_666 = tpu.vector_load %arg8[%get3A_664, %get3A_665] {strides = array<i32>} : memref<400x64xf32, #tpu.memory_space<vmem>>, vector<1x16xf32>,
        %get3A_667 = vector.shape_cast %get3A_666 : vector<1x16xf32> to vector<16xf32>
        %add3A_668 = arith.addf %add3A_638, %get3A_667 : vector<16xf32>
        %scan3A_669 = arith.constant 7 : i32
        %scan3A_670 = arith.addi %scan3A_457, %scan3A_669 : i32
        %add3A_671 = arith.constant 0 : i32
        %add3A_672 = arith.addi %add3A_671, %scan3A_670 : i32
        %get3A_673 = arith.index_cast %add3A_672 : i32 to index
        %get3A_674 = arith.constant 0 : index
        %get3A_675 = tpu.vector_load %arg8[%get3A_673, %get3A_674] {strides = array<i32>} : memref<400x64xf32, #tpu.memory_space<vmem>>, vector<1x16xf32>,
        %get3A_676 = vector.shape_cast %get3A_675 : vector<1x16xf32> to vector<16xf32>
        %add3A_677 = arith.addf %add3A_647, %get3A_676 : vector<16xf32>
        %add3A_678 = arith.constant 0 : i32
        %add3A_679 = arith.addi %add3A_678, %scan3A_670 : i32
        %get3A_680 = arith.index_cast %add3A_679 : i32 to index
        %get3A_681 = arith.constant 16 : index
        %get3A_682 = tpu.vector_load %arg8[%get3A_680, %get3A_681] {strides = array<i32>} : memref<400x64xf32, #tpu.memory_space<vmem>>, vector<1x16xf32>,
        %get3A_683 = vector.shape_cast %get3A_682 : vector<1x16xf32> to vector<16xf32>
        %add3A_684 = arith.addf %add3A_654, %get3A_683 : vector<16xf32>
        %add3A_685 = arith.constant 0 : i32
        %add3A_686 = arith.addi %add3A_685, %scan3A_670 : i32
        %get3A_687 = arith.index_cast %add3A_686 : i32 to index
        %get3A_688 = arith.constant 32 : index
        %get3A_689 = tpu.vector_load %arg8[%get3A_687, %get3A_688] {strides = array<i32>} : memref<400x64xf32, #tpu.memory_space<vmem>>, vector<1x16xf32>,
        %get3A_690 = vector.shape_cast %get3A_689 : vector<1x16xf32> to vector<16xf32>
        %add3A_691 = arith.addf %add3A_661, %get3A_690 : vector<16xf32>
        %add3A_692 = arith.constant 0 : i32
        %add3A_693 = arith.addi %add3A_692, %scan3A_670 : i32
        %get3A_694 = arith.index_cast %add3A_693 : i32 to index
        %get3A_695 = arith.constant 48 : index
        %get3A_696 = tpu.vector_load %arg8[%get3A_694, %get3A_695] {strides = array<i32>} : memref<400x64xf32, #tpu.memory_space<vmem>>, vector<1x16xf32>,
        %get3A_697 = vector.shape_cast %get3A_696 : vector<1x16xf32> to vector<16xf32>
        %add3A_698 = arith.addf %add3A_668, %get3A_697 : vector<16xf32>
        scf.yield %add3A_677, %add3A_684, %add3A_691, %add3A_698 : vector<16xf32>, vector<16xf32>, vector<16xf32>, vector<16xf32>
      }
      %scan3A_363 = arith.constant 200 : i32
      %mul3A_364 = arith.constant 2 : i32
      %mul3A_365 = arith.muli %add3A_341, %mul3A_364 : i32
      %add3A_366 = arith.constant 0 : i32
      %add3A_367 = arith.addi %mul3A_365, %add3A_366 : i32
      %swap3A_368 = arith.index_cast %add3A_367 : i32 to index
      %swap3A_369 = arith.constant 0 : index
      %swap3A_370 = tpu.vector_load %arg9[%swap3A_368, %swap3A_369] {strides = array<i32>} : memref<128x64xf32, #tpu.memory_space<vmem>>, vector<1x16xf32>,
      %swap3A_371 = vector.shape_cast %swap3A_370 : vector<1x16xf32> to vector<16xf32>
      %swap3A_372 = vector.shape_cast %scan3A_362#0 : vector<16xf32> to vector<1x16xf32>
      tpu.vector_store %arg9[%swap3A_368, %swap3A_369], %swap3A_372 {strides = array<i32>} : memref<128x64xf32, #tpu.memory_space<vmem>>, vector<1x16xf32>,
      %mul3A_373 = arith.constant 2 : i32
      %mul3A_374 = arith.muli %add3A_341, %mul3A_373 : i32
      %add3A_375 = arith.constant 0 : i32
      %add3A_376 = arith.addi %mul3A_374, %add3A_375 : i32
      %swap3A_377 = arith.index_cast %add3A_376 : i32 to index
      %swap3A_378 = arith.constant 16 : index
      %swap3A_379 = tpu.vector_load %arg9[%swap3A_377, %swap3A_378] {strides = array<i32>} : memref<128x64xf32, #tpu.memory_space<vmem>>, vector<1x16xf32>,
      %swap3A_380 = vector.shape_cast %swap3A_379 : vector<1x16xf32> to vector<16xf32>
      %swap3A_381 = vector.shape_cast %scan3A_362#1 : vector<16xf32> to vector<1x16xf32>
      tpu.vector_store %arg9[%swap3A_377, %swap3A_378], %swap3A_381 {strides = array<i32>} : memref<128x64xf32, #tpu.memory_space<vmem>>, vector<1x16xf32>,
      %mul3A_382 = arith.constant 2 : i32
      %mul3A_383 = arith.muli %add3A_341, %mul3A_382 : i32
      %add3A_384 = arith.constant 0 : i32
      %add3A_385 = arith.addi %mul3A_383, %add3A_384 : i32
      %swap3A_386 = arith.index_cast %add3A_385 : i32 to index
      %swap3A_387 = arith.constant 32 : index
      %swap3A_388 = tpu.vector_load %arg9[%swap3A_386, %swap3A_387] {strides = array<i32>} : memref<128x64xf32, #tpu.memory_space<vmem>>, vector<1x16xf32>,
      %swap3A_389 = vector.shape_cast %swap3A_388 : vector<1x16xf32> to vector<16xf32>
      %swap3A_390 = vector.shape_cast %scan3A_362#2 : vector<16xf32> to vector<1x16xf32>
      tpu.vector_store %arg9[%swap3A_386, %swap3A_387], %swap3A_390 {strides = array<i32>} : memref<128x64xf32, #tpu.memory_space<vmem>>, vector<1x16xf32>,
      %mul3A_391 = arith.constant 2 : i32
      %mul3A_392 = arith.muli %add3A_341, %mul3A_391 : i32
      %add3A_393 = arith.constant 0 : i32
      %add3A_394 = arith.addi %mul3A_392, %add3A_393 : i32
      %swap3A_395 = arith.index_cast %add3A_394 : i32 to index
      %swap3A_396 = arith.constant 48 : index
      %swap3A_397 = tpu.vector_load %arg9[%swap3A_395, %swap3A_396] {strides = array<i32>} : memref<128x64xf32, #tpu.memory_space<vmem>>, vector<1x16xf32>,
      %swap3A_398 = vector.shape_cast %swap3A_397 : vector<1x16xf32> to vector<16xf32>
      %swap3A_399 = vector.shape_cast %scan3A_362#3 : vector<16xf32> to vector<1x16xf32>
      tpu.vector_store %arg9[%swap3A_395, %swap3A_396], %swap3A_399 {strides = array<i32>} : memref<128x64xf32, #tpu.memory_space<vmem>>, vector<1x16xf32>,
      %broadcast_in_dim3A_400 = arith.constant 0.000000e+00 : f32
      %broadcast_in_dim3A_401 = vector.broadcast %broadcast_in_dim3A_400 : f32 to vector<16xf32>
      %broadcast_in_dim3A_402 = arith.constant 0.000000e+00 : f32
      %broadcast_in_dim3A_403 = vector.broadcast %broadcast_in_dim3A_402 : f32 to vector<16xf32>
      %broadcast_in_dim3A_404 = arith.constant 0.000000e+00 : f32
      %broadcast_in_dim3A_405 = vector.broadcast %broadcast_in_dim3A_404 : f32 to vector<16xf32>
      %broadcast_in_dim3A_406 = arith.constant 0.000000e+00 : f32
      %broadcast_in_dim3A_407 = vector.broadcast %broadcast_in_dim3A_406 : f32 to vector<16xf32>
      %scan3A_408 = arith.constant 0 : i32
      %scan3A_409 = arith.constant 200 : i32
      %scan3A_410 = arith.addi %scan3A_408, %scan3A_409 : i32
      %scan3A_411 = arith.constant 8 : i32
      %scan3A_412:4 = scf.for %scan3A_457 = %scan3A_408 to %scan3A_410 step %scan3A_411 iter_args(%scan3A_458 = %broadcast_in_dim3A_401, %scan3A_459 = %broadcast_in_dim3A_403, %scan3A_460 = %broadcast_in_dim3A_405, %scan3A_461 = %broadcast_in_dim3A_407) -> (vector<16xf32>, vector<16xf32>, vector<16xf32>, vector<16xf32>)  : i32 {
        %add3A_462 = arith.constant 200 : i32
        %add3A_463 = arith.addi %add3A_462, %scan3A_457 : i32
        %get3A = arith.index_cast %add3A_463 : i32 to index
        %get3A_464 = arith.constant 0 : index
        %get3A_465 = tpu.vector_load %arg8[%get3A, %get3A_464] {strides = array<i32>} : memref<400x64xf32, #tpu.memory_space<vmem>>, vector<1x16xf32>,
        %get3A_466 = vector.shape_cast %get3A_465 : vector<1x16xf32> to vector<16xf32>
        %add3A_467 = arith.addf %scan3A_458, %get3A_466 : vector<16xf32>
        %add3A_468 = arith.constant 200 : i32
        %add3A_469 = arith.addi %add3A_468, %scan3A_457 : i32
        %get3A_470 = arith.index_cast %add3A_469 : i32 to index
        %get3A_471 = arith.constant 16 : index
        %get3A_472 = tpu.vector_load %arg8[%get3A_470, %get3A_471] {strides = array<i32>} : memref<400x64xf32, #tpu.memory_space<vmem>>, vector<1x16xf32>,
        %get3A_473 = vector.shape_cast %get3A_472 : vector<1x16xf32> to vector<16xf32>
        %add3A_474 = arith.addf %scan3A_459, %get3A_473 : vector<16xf32>
        %add3A_475 = arith.constant 200 : i32
        %add3A_476 = arith.addi %add3A_475, %scan3A_457 : i32
        %get3A_477 = arith.index_cast %add3A_476 : i32 to index
        %get3A_478 = arith.constant 32 : index
        %get3A_479 = tpu.vector_load %arg8[%get3A_477, %get3A_478] {strides = array<i32>} : memref<400x64xf32, #tpu.memory_space<vmem>>, vector<1x16xf32>,
        %get3A_480 = vector.shape_cast %get3A_479 : vector<1x16xf32> to vector<16xf32>
        %add3A_481 = arith.addf %scan3A_460, %get3A_480 : vector<16xf32>
        %add3A_482 = arith.constant 200 : i32
        %add3A_483 = arith.addi %add3A_482, %scan3A_457 : i32
        %get3A_484 = arith.index_cast %add3A_483 : i32 to index
        %get3A_485 = arith.constant 48 : index
        %get3A_486 = tpu.vector_load %arg8[%get3A_484, %get3A_485] {strides = array<i32>} : memref<400x64xf32, #tpu.memory_space<vmem>>, vector<1x16xf32>,
        %get3A_487 = vector.shape_cast %get3A_486 : vector<1x16xf32> to vector<16xf32>
        %add3A_488 = arith.addf %scan3A_461, %get3A_487 : vector<16xf32>
        %scan3A_489 = arith.constant 1 : i32
        %scan3A_490 = arith.addi %scan3A_457, %scan3A_489 : i32
        %add3A_491 = arith.constant 200 : i32
        %add3A_492 = arith.addi %add3A_491, %scan3A_490 : i32
        %get3A_493 = arith.index_cast %add3A_492 : i32 to index
        %get3A_494 = arith.constant 0 : index
        %get3A_495 = tpu.vector_load %arg8[%get3A_493, %get3A_494] {strides = array<i32>} : memref<400x64xf32, #tpu.memory_space<vmem>>, vector<1x16xf32>,
        %get3A_496 = vector.shape_cast %get3A_495 : vector<1x16xf32> to vector<16xf32>
        %add3A_497 = arith.addf %add3A_467, %get3A_496 : vector<16xf32>
        %add3A_498 = arith.constant 200 : i32
        %add3A_499 = arith.addi %add3A_498, %scan3A_490 : i32
        %get3A_500 = arith.index_cast %add3A_499 : i32 to index
        %get3A_501 = arith.constant 16 : index
        %get3A_502 = tpu.vector_load %arg8[%get3A_500, %get3A_501] {strides = array<i32>} : memref<400x64xf32, #tpu.memory_space<vmem>>, vector<1x16xf32>,
        %get3A_503 = vector.shape_cast %get3A_502 : vector<1x16xf32> to vector<16xf32>
        %add3A_504 = arith.addf %add3A_474, %get3A_503 : vector<16xf32>
        %add3A_505 = arith.constant 200 : i32
        %add3A_506 = arith.addi %add3A_505, %scan3A_490 : i32
        %get3A_507 = arith.index_cast %add3A_506 : i32 to index
        %get3A_508 = arith.constant 32 : index
        %get3A_509 = tpu.vector_load %arg8[%get3A_507, %get3A_508] {strides = array<i32>} : memref<400x64xf32, #tpu.memory_space<vmem>>, vector<1x16xf32>,
        %get3A_510 = vector.shape_cast %get3A_509 : vector<1x16xf32> to vector<16xf32>
        %add3A_511 = arith.addf %add3A_481, %get3A_510 : vector<16xf32>
        %add3A_512 = arith.constant 200 : i32
        %add3A_513 = arith.addi %add3A_512, %scan3A_490 : i32
        %get3A_514 = arith.index_cast %add3A_513 : i32 to index
        %get3A_515 = arith.constant 48 : index
        %get3A_516 = tpu.vector_load %arg8[%get3A_514, %get3A_515] {strides = array<i32>} : memref<400x64xf32, #tpu.memory_space<vmem>>, vector<1x16xf32>,
        %get3A_517 = vector.shape_cast %get3A_516 : vector<1x16xf32> to vector<16xf32>
        %add3A_518 = arith.addf %add3A_488, %get3A_517 : vector<16xf32>
        %scan3A_519 = arith.constant 2 : i32
        %scan3A_520 = arith.addi %scan3A_457, %scan3A_519 : i32
        %add3A_521 = arith.constant 200 : i32
        %add3A_522 = arith.addi %add3A_521, %scan3A_520 : i32
        %get3A_523 = arith.index_cast %add3A_522 : i32 to index
        %get3A_524 = arith.constant 0 : index
        %get3A_525 = tpu.vector_load %arg8[%get3A_523, %get3A_524] {strides = array<i32>} : memref<400x64xf32, #tpu.memory_space<vmem>>, vector<1x16xf32>,
        %get3A_526 = vector.shape_cast %get3A_525 : vector<1x16xf32> to vector<16xf32>
        %add3A_527 = arith.addf %add3A_497, %get3A_526 : vector<16xf32>
        %add3A_528 = arith.constant 200 : i32
        %add3A_529 = arith.addi %add3A_528, %scan3A_520 : i32
        %get3A_530 = arith.index_cast %add3A_529 : i32 to index
        %get3A_531 = arith.constant 16 : index
        %get3A_532 = tpu.vector_load %arg8[%get3A_530, %get3A_531] {strides = array<i32>} : memref<400x64xf32, #tpu.memory_space<vmem>>, vector<1x16xf32>,
        %get3A_533 = vector.shape_cast %get3A_532 : vector<1x16xf32> to vector<16xf32>
        %add3A_534 = arith.addf %add3A_504, %get3A_533 : vector<16xf32>
        %add3A_535 = arith.constant 200 : i32
        %add3A_536 = arith.addi %add3A_535, %scan3A_520 : i32
        %get3A_537 = arith.index_cast %add3A_536 : i32 to index
        %get3A_538 = arith.constant 32 : index
        %get3A_539 = tpu.vector_load %arg8[%get3A_537, %get3A_538] {strides = array<i32>} : memref<400x64xf32, #tpu.memory_space<vmem>>, vector<1x16xf32>,
        %get3A_540 = vector.shape_cast %get3A_539 : vector<1x16xf32> to vector<16xf32>
        %add3A_541 = arith.addf %add3A_511, %get3A_540 : vector<16xf32>
        %add3A_542 = arith.constant 200 : i32
        %add3A_543 = arith.addi %add3A_542, %scan3A_520 : i32
        %get3A_544 = arith.index_cast %add3A_543 : i32 to index
        %get3A_545 = arith.constant 48 : index
        %get3A_546 = tpu.vector_load %arg8[%get3A_544, %get3A_545] {strides = array<i32>} : memref<400x64xf32, #tpu.memory_space<vmem>>, vector<1x16xf32>,
        %get3A_547 = vector.shape_cast %get3A_546 : vector<1x16xf32> to vector<16xf32>
        %add3A_548 = arith.addf %add3A_518, %get3A_547 : vector<16xf32>
        %scan3A_549 = arith.constant 3 : i32
        %scan3A_550 = arith.addi %scan3A_457, %scan3A_549 : i32
        %add3A_551 = arith.constant 200 : i32
        %add3A_552 = arith.addi %add3A_551, %scan3A_550 : i32
        %get3A_553 = arith.index_cast %add3A_552 : i32 to index
        %get3A_554 = arith.constant 0 : index
        %get3A_555 = tpu.vector_load %arg8[%get3A_553, %get3A_554] {strides = array<i32>} : memref<400x64xf32, #tpu.memory_space<vmem>>, vector<1x16xf32>,
        %get3A_556 = vector.shape_cast %get3A_555 : vector<1x16xf32> to vector<16xf32>
        %add3A_557 = arith.addf %add3A_527, %get3A_556 : vector<16xf32>
        %add3A_558 = arith.constant 200 : i32
        %add3A_559 = arith.addi %add3A_558, %scan3A_550 : i32
        %get3A_560 = arith.index_cast %add3A_559 : i32 to index
        %get3A_561 = arith.constant 16 : index
        %get3A_562 = tpu.vector_load %arg8[%get3A_560, %get3A_561] {strides = array<i32>} : memref<400x64xf32, #tpu.memory_space<vmem>>, vector<1x16xf32>,
        %get3A_563 = vector.shape_cast %get3A_562 : vector<1x16xf32> to vector<16xf32>
        %add3A_564 = arith.addf %add3A_534, %get3A_563 : vector<16xf32>
        %add3A_565 = arith.constant 200 : i32
        %add3A_566 = arith.addi %add3A_565, %scan3A_550 : i32
        %get3A_567 = arith.index_cast %add3A_566 : i32 to index
        %get3A_568 = arith.constant 32 : index
        %get3A_569 = tpu.vector_load %arg8[%get3A_567, %get3A_568] {strides = array<i32>} : memref<400x64xf32, #tpu.memory_space<vmem>>, vector<1x16xf32>,
        %get3A_570 = vector.shape_cast %get3A_569 : vector<1x16xf32> to vector<16xf32>
        %add3A_571 = arith.addf %add3A_541, %get3A_570 : vector<16xf32>
        %add3A_572 = arith.constant 200 : i32
        %add3A_573 = arith.addi %add3A_572, %scan3A_550 : i32
        %get3A_574 = arith.index_cast %add3A_573 : i32 to index
        %get3A_575 = arith.constant 48 : index
        %get3A_576 = tpu.vector_load %arg8[%get3A_574, %get3A_575] {strides = array<i32>} : memref<400x64xf32, #tpu.memory_space<vmem>>, vector<1x16xf32>,
        %get3A_577 = vector.shape_cast %get3A_576 : vector<1x16xf32> to vector<16xf32>
        %add3A_578 = arith.addf %add3A_548, %get3A_577 : vector<16xf32>
        %scan3A_579 = arith.constant 4 : i32
        %scan3A_580 = arith.addi %scan3A_457, %scan3A_579 : i32
        %add3A_581 = arith.constant 200 : i32
        %add3A_582 = arith.addi %add3A_581, %scan3A_580 : i32
        %get3A_583 = arith.index_cast %add3A_582 : i32 to index
        %get3A_584 = arith.constant 0 : index
        %get3A_585 = tpu.vector_load %arg8[%get3A_583, %get3A_584] {strides = array<i32>} : memref<400x64xf32, #tpu.memory_space<vmem>>, vector<1x16xf32>,
        %get3A_586 = vector.shape_cast %get3A_585 : vector<1x16xf32> to vector<16xf32>
        %add3A_587 = arith.addf %add3A_557, %get3A_586 : vector<16xf32>
        %add3A_588 = arith.constant 200 : i32
        %add3A_589 = arith.addi %add3A_588, %scan3A_580 : i32
        %get3A_590 = arith.index_cast %add3A_589 : i32 to index
        %get3A_591 = arith.constant 16 : index
        %get3A_592 = tpu.vector_load %arg8[%get3A_590, %get3A_591] {strides = array<i32>} : memref<400x64xf32, #tpu.memory_space<vmem>>, vector<1x16xf32>,
        %get3A_593 = vector.shape_cast %get3A_592 : vector<1x16xf32> to vector<16xf32>
        %add3A_594 = arith.addf %add3A_564, %get3A_593 : vector<16xf32>
        %add3A_595 = arith.constant 200 : i32
        %add3A_596 = arith.addi %add3A_595, %scan3A_580 : i32
        %get3A_597 = arith.index_cast %add3A_596 : i32 to index
        %get3A_598 = arith.constant 32 : index
        %get3A_599 = tpu.vector_load %arg8[%get3A_597, %get3A_598] {strides = array<i32>} : memref<400x64xf32, #tpu.memory_space<vmem>>, vector<1x16xf32>,
        %get3A_600 = vector.shape_cast %get3A_599 : vector<1x16xf32> to vector<16xf32>
        %add3A_601 = arith.addf %add3A_571, %get3A_600 : vector<16xf32>
        %add3A_602 = arith.constant 200 : i32
        %add3A_603 = arith.addi %add3A_602, %scan3A_580 : i32
        %get3A_604 = arith.index_cast %add3A_603 : i32 to index
        %get3A_605 = arith.constant 48 : index
        %get3A_606 = tpu.vector_load %arg8[%get3A_604, %get3A_605] {strides = array<i32>} : memref<400x64xf32, #tpu.memory_space<vmem>>, vector<1x16xf32>,
        %get3A_607 = vector.shape_cast %get3A_606 : vector<1x16xf32> to vector<16xf32>
        %add3A_608 = arith.addf %add3A_578, %get3A_607 : vector<16xf32>
        %scan3A_609 = arith.constant 5 : i32
        %scan3A_610 = arith.addi %scan3A_457, %scan3A_609 : i32
        %add3A_611 = arith.constant 200 : i32
        %add3A_612 = arith.addi %add3A_611, %scan3A_610 : i32
        %get3A_613 = arith.index_cast %add3A_612 : i32 to index
        %get3A_614 = arith.constant 0 : index
        %get3A_615 = tpu.vector_load %arg8[%get3A_613, %get3A_614] {strides = array<i32>} : memref<400x64xf32, #tpu.memory_space<vmem>>, vector<1x16xf32>,
        %get3A_616 = vector.shape_cast %get3A_615 : vector<1x16xf32> to vector<16xf32>
        %add3A_617 = arith.addf %add3A_587, %get3A_616 : vector<16xf32>
        %add3A_618 = arith.constant 200 : i32
        %add3A_619 = arith.addi %add3A_618, %scan3A_610 : i32
        %get3A_620 = arith.index_cast %add3A_619 : i32 to index
        %get3A_621 = arith.constant 16 : index
        %get3A_622 = tpu.vector_load %arg8[%get3A_620, %get3A_621] {strides = array<i32>} : memref<400x64xf32, #tpu.memory_space<vmem>>, vector<1x16xf32>,
        %get3A_623 = vector.shape_cast %get3A_622 : vector<1x16xf32> to vector<16xf32>
        %add3A_624 = arith.addf %add3A_594, %get3A_623 : vector<16xf32>
        %add3A_625 = arith.constant 200 : i32
        %add3A_626 = arith.addi %add3A_625, %scan3A_610 : i32
        %get3A_627 = arith.index_cast %add3A_626 : i32 to index
        %get3A_628 = arith.constant 32 : index
        %get3A_629 = tpu.vector_load %arg8[%get3A_627, %get3A_628] {strides = array<i32>} : memref<400x64xf32, #tpu.memory_space<vmem>>, vector<1x16xf32>,
        %get3A_630 = vector.shape_cast %get3A_629 : vector<1x16xf32> to vector<16xf32>
        %add3A_631 = arith.addf %add3A_601, %get3A_630 : vector<16xf32>
        %add3A_632 = arith.constant 200 : i32
        %add3A_633 = arith.addi %add3A_632, %scan3A_610 : i32
        %get3A_634 = arith.index_cast %add3A_633 : i32 to index
        %get3A_635 = arith.constant 48 : index
        %get3A_636 = tpu.vector_load %arg8[%get3A_634, %get3A_635] {strides = array<i32>} : memref<400x64xf32, #tpu.memory_space<vmem>>, vector<1x16xf32>,
        %get3A_637 = vector.shape_cast %get3A_636 : vector<1x16xf32> to vector<16xf32>
        %add3A_638 = arith.addf %add3A_608, %get3A_637 : vector<16xf32>
        %scan3A_639 = arith.constant 6 : i32
        %scan3A_640 = arith.addi %scan3A_457, %scan3A_639 : i32
        %add3A_641 = arith.constant 200 : i32
        %add3A_642 = arith.addi %add3A_641, %scan3A_640 : i32
        %get3A_643 = arith.index_cast %add3A_642 : i32 to index
        %get3A_644 = arith.constant 0 : index
        %get3A_645 = tpu.vector_load %arg8[%get3A_643, %get3A_644] {strides = array<i32>} : memref<400x64xf32, #tpu.memory_space<vmem>>, vector<1x16xf32>,
        %get3A_646 = vector.shape_cast %get3A_645 : vector<1x16xf32> to vector<16xf32>
        %add3A_647 = arith.addf %add3A_617, %get3A_646 : vector<16xf32>
        %add3A_648 = arith.constant 200 : i32
        %add3A_649 = arith.addi %add3A_648, %scan3A_640 : i32
        %get3A_650 = arith.index_cast %add3A_649 : i32 to index
        %get3A_651 = arith.constant 16 : index
        %get3A_652 = tpu.vector_load %arg8[%get3A_650, %get3A_651] {strides = array<i32>} : memref<400x64xf32, #tpu.memory_space<vmem>>, vector<1x16xf32>,
        %get3A_653 = vector.shape_cast %get3A_652 : vector<1x16xf32> to vector<16xf32>
        %add3A_654 = arith.addf %add3A_624, %get3A_653 : vector<16xf32>
        %add3A_655 = arith.constant 200 : i32
        %add3A_656 = arith.addi %add3A_655, %scan3A_640 : i32
        %get3A_657 = arith.index_cast %add3A_656 : i32 to index
        %get3A_658 = arith.constant 32 : index
        %get3A_659 = tpu.vector_load %arg8[%get3A_657, %get3A_658] {strides = array<i32>} : memref<400x64xf32, #tpu.memory_space<vmem>>, vector<1x16xf32>,
        %get3A_660 = vector.shape_cast %get3A_659 : vector<1x16xf32> to vector<16xf32>
        %add3A_661 = arith.addf %add3A_631, %get3A_660 : vector<16xf32>
        %add3A_662 = arith.constant 200 : i32
        %add3A_663 = arith.addi %add3A_662, %scan3A_640 : i32
        %get3A_664 = arith.index_cast %add3A_663 : i32 to index
        %get3A_665 = arith.constant 48 : index
        %get3A_666 = tpu.vector_load %arg8[%get3A_664, %get3A_665] {strides = array<i32>} : memref<400x64xf32, #tpu.memory_space<vmem>>, vector<1x16xf32>,
        %get3A_667 = vector.shape_cast %get3A_666 : vector<1x16xf32> to vector<16xf32>
        %add3A_668 = arith.addf %add3A_638, %get3A_667 : vector<16xf32>
        %scan3A_669 = arith.constant 7 : i32
        %scan3A_670 = arith.addi %scan3A_457, %scan3A_669 : i32
        %add3A_671 = arith.constant 200 : i32
        %add3A_672 = arith.addi %add3A_671, %scan3A_670 : i32
        %get3A_673 = arith.index_cast %add3A_672 : i32 to index
        %get3A_674 = arith.constant 0 : index
        %get3A_675 = tpu.vector_load %arg8[%get3A_673, %get3A_674] {strides = array<i32>} : memref<400x64xf32, #tpu.memory_space<vmem>>, vector<1x16xf32>,
        %get3A_676 = vector.shape_cast %get3A_675 : vector<1x16xf32> to vector<16xf32>
        %add3A_677 = arith.addf %add3A_647, %get3A_676 : vector<16xf32>
        %add3A_678 = arith.constant 200 : i32
        %add3A_679 = arith.addi %add3A_678, %scan3A_670 : i32
        %get3A_680 = arith.index_cast %add3A_679 : i32 to index
        %get3A_681 = arith.constant 16 : index
        %get3A_682 = tpu.vector_load %arg8[%get3A_680, %get3A_681] {strides = array<i32>} : memref<400x64xf32, #tpu.memory_space<vmem>>, vector<1x16xf32>,
        %get3A_683 = vector.shape_cast %get3A_682 : vector<1x16xf32> to vector<16xf32>
        %add3A_684 = arith.addf %add3A_654, %get3A_683 : vector<16xf32>
        %add3A_685 = arith.constant 200 : i32
        %add3A_686 = arith.addi %add3A_685, %scan3A_670 : i32
        %get3A_687 = arith.index_cast %add3A_686 : i32 to index
        %get3A_688 = arith.constant 32 : index
        %get3A_689 = tpu.vector_load %arg8[%get3A_687, %get3A_688] {strides = array<i32>} : memref<400x64xf32, #tpu.memory_space<vmem>>, vector<1x16xf32>,
        %get3A_690 = vector.shape_cast %get3A_689 : vector<1x16xf32> to vector<16xf32>
        %add3A_691 = arith.addf %add3A_661, %get3A_690 : vector<16xf32>
        %add3A_692 = arith.constant 200 : i32
        %add3A_693 = arith.addi %add3A_692, %scan3A_670 : i32
        %get3A_694 = arith.index_cast %add3A_693 : i32 to index
        %get3A_695 = arith.constant 48 : index
        %get3A_696 = tpu.vector_load %arg8[%get3A_694, %get3A_695] {strides = array<i32>} : memref<400x64xf32, #tpu.memory_space<vmem>>, vector<1x16xf32>,
        %get3A_697 = vector.shape_cast %get3A_696 : vector<1x16xf32> to vector<16xf32>
        %add3A_698 = arith.addf %add3A_668, %get3A_697 : vector<16xf32>
        scf.yield %add3A_677, %add3A_684, %add3A_691, %add3A_698 : vector<16xf32>, vector<16xf32>, vector<16xf32>, vector<16xf32>
      }
      %scan3A_413 = arith.constant 200 : i32
      %mul3A_414 = arith.constant 2 : i32
      %mul3A_415 = arith.muli %add3A_341, %mul3A_414 : i32
      %add3A_416 = arith.constant 1 : i32
      %add3A_417 = arith.addi %mul3A_415, %add3A_416 : i32
      %swap3A_418 = arith.index_cast %add3A_417 : i32 to index
      %swap3A_419 = arith.constant 0 : index
      %swap3A_420 = tpu.vector_load %arg9[%swap3A_418, %swap3A_419] {strides = array<i32>} : memref<128x64xf32, #tpu.memory_space<vmem>>, vector<1x16xf32>,
      %swap3A_421 = vector.shape_cast %swap3A_420 : vector<1x16xf32> to vector<16xf32>
      %swap3A_422 = vector.shape_cast %scan3A_412#0 : vector<16xf32> to vector<1x16xf32>
      tpu.vector_store %arg9[%swap3A_418, %swap3A_419], %swap3A_422 {strides = array<i32>} : memref<128x64xf32, #tpu.memory_space<vmem>>, vector<1x16xf32>,
      %mul3A_423 = arith.constant 2 : i32
      %mul3A_424 = arith.muli %add3A_341, %mul3A_423 : i32
      %add3A_425 = arith.constant 1 : i32
      %add3A_426 = arith.addi %mul3A_424, %add3A_425 : i32
      %swap3A_427 = arith.index_cast %add3A_426 : i32 to index
      %swap3A_428 = arith.constant 16 : index
      %swap3A_429 = tpu.vector_load %arg9[%swap3A_427, %swap3A_428] {strides = array<i32>} : memref<128x64xf32, #tpu.memory_space<vmem>>, vector<1x16xf32>,
      %swap3A_430 = vector.shape_cast %swap3A_429 : vector<1x16xf32> to vector<16xf32>
      %swap3A_431 = vector.shape_cast %scan3A_412#1 : vector<16xf32> to vector<1x16xf32>
      tpu.vector_store %arg9[%swap3A_427, %swap3A_428], %swap3A_431 {strides = array<i32>} : memref<128x64xf32, #tpu.memory_space<vmem>>, vector<1x16xf32>,
      %mul3A_432 = arith.constant 2 : i32
      %mul3A_433 = arith.muli %add3A_341, %mul3A_432 : i32
      %add3A_434 = arith.constant 1 : i32
      %add3A_435 = arith.addi %mul3A_433, %add3A_434 : i32
      %swap3A_436 = arith.index_cast %add3A_435 : i32 to index
      %swap3A_437 = arith.constant 32 : index
      %swap3A_438 = tpu.vector_load %arg9[%swap3A_436, %swap3A_437] {strides = array<i32>} : memref<128x64xf32, #tpu.memory_space<vmem>>, vector<1x16xf32>,
      %swap3A_439 = vector.shape_cast %swap3A_438 : vector<1x16xf32> to vector<16xf32>
      %swap3A_440 = vector.shape_cast %scan3A_412#2 : vector<16xf32> to vector<1x16xf32>
      tpu.vector_store %arg9[%swap3A_436, %swap3A_437], %swap3A_440 {strides = array<i32>} : memref<128x64xf32, #tpu.memory_space<vmem>>, vector<1x16xf32>,
      %mul3A_441 = arith.constant 2 : i32
      %mul3A_442 = arith.muli %add3A_341, %mul3A_441 : i32
      %add3A_443 = arith.constant 1 : i32
      %add3A_444 = arith.addi %mul3A_442, %add3A_443 : i32
      %swap3A_445 = arith.index_cast %add3A_444 : i32 to index
      %swap3A_446 = arith.constant 48 : index
      %swap3A_447 = tpu.vector_load %arg9[%swap3A_445, %swap3A_446] {strides = array<i32>} : memref<128x64xf32, #tpu.memory_space<vmem>>, vector<1x16xf32>,
      %swap3A_448 = vector.shape_cast %swap3A_447 : vector<1x16xf32> to vector<16xf32>
      %swap3A_449 = vector.shape_cast %scan3A_412#3 : vector<16xf32> to vector<1x16xf32>
      tpu.vector_store %arg9[%swap3A_445, %swap3A_446], %swap3A_449 {strides = array<i32>} : memref<128x64xf32, #tpu.memory_space<vmem>>, vector<1x16xf32>,
      %add3A_450 = arith.constant 3 : i32
      %add3A_451 = arith.addi %add3A_341, %add3A_450 : i32
      %lt3A_452 = arith.constant 64 : i32
      %lt3A_453 = arith.cmpi slt, %add3A_451, %lt3A_452 : i32
      %convert_element_type3A_454 = arith.extui %lt3A_453 : i1 to i32
      %cond3A_455 = arith.constant 0 : i32
      %cond3A_456 = arith.cmpi ne, %convert_element_type3A_454, %cond3A_455 : i32
      scf.if %cond3A_456 {
        %mul3A_457 = arith.constant 2 : i32
        %mul3A_458 = arith.muli %add3A_451, %mul3A_457 : i32
        %mul3A_459 = arith.constant 200 : i32
        %mul3A_460 = arith.muli %mul3A_458, %mul3A_459 : i32
        %dma_start3A_461 = tpu.memref_slice %arg5[%mul3A_460] : memref<25600xi32, #tpu.memory_space<vmem>> -> memref<400xi32, #tpu.memory_space<vmem>>
        %dma_start3A_462 = arith.constant 0 : i32
        %dma_start3A_463 = arith.constant 0 : i32
        %dma_start3A_464 = tpu.memref_slice %arg3[%dma_start3A_462, %dma_start3A_463] : memref<100000x64xf32, #tpu.memory_space<hbm>> -> memref<100000x64xf32, #tpu.memory_space<hbm>>
        tpu.enqueue_indirect_dma source(%dma_start3A_464 : memref<100000x64xf32, #tpu.memory_space<hbm>>) target(%arg8 : memref<400x64xf32, #tpu.memory_space<vmem>>) offsets(%dma_start3A_461 : memref<400xi32, #tpu.memory_space<vmem>>) semaphore(%arg12 : memref<!tpu.dma_semaphore, #tpu.memory_space<semaphore_mem>>)
      } else {
      }
    }
    %scan3A_21 = arith.constant 21 : i32
    %dma_wait3A = arith.constant 25200 : i32
    %dma_wait3A_22 = tpu.memref_slice %arg5[%dma_wait3A] : memref<25600xi32, #tpu.memory_space<vmem>> -> memref<400xi32, #tpu.memory_space<vmem>>
    %dma_wait3A_23 = arith.constant 0 : i32
    %dma_wait3A_24 = arith.constant 0 : i32
    %dma_wait3A_25 = tpu.memref_slice %arg3[%dma_wait3A_23, %dma_wait3A_24] : memref<100000x64xf32, #tpu.memory_space<hbm>> -> memref<100000x64xf32, #tpu.memory_space<hbm>>
    tpu.wait_indirect_dma semaphore(%arg10 : memref<!tpu.dma_semaphore, #tpu.memory_space<semaphore_mem>>) src(%dma_wait3A_25 : memref<100000x64xf32, #tpu.memory_space<hbm>>) dst(%arg6 : memref<400x64xf32, #tpu.memory_space<vmem>>)
    %broadcast_in_dim3A = arith.constant 0.000000e+00 : f32
    %broadcast_in_dim3A_26 = vector.broadcast %broadcast_in_dim3A : f32 to vector<16xf32>
    %broadcast_in_dim3A_27 = arith.constant 0.000000e+00 : f32
    %broadcast_in_dim3A_28 = vector.broadcast %broadcast_in_dim3A_27 : f32 to vector<16xf32>
    %broadcast_in_dim3A_29 = arith.constant 0.000000e+00 : f32
    %broadcast_in_dim3A_30 = vector.broadcast %broadcast_in_dim3A_29 : f32 to vector<16xf32>
    %broadcast_in_dim3A_31 = arith.constant 0.000000e+00 : f32
    %broadcast_in_dim3A_32 = vector.broadcast %broadcast_in_dim3A_31 : f32 to vector<16xf32>
    %scan3A_33 = arith.constant 0 : i32
    %scan3A_34 = arith.constant 200 : i32
    %scan3A_35 = arith.addi %scan3A_33, %scan3A_34 : i32
    %scan3A_36 = arith.constant 8 : i32
    %scan3A_37:4 = scf.for %scan3A_102 = %scan3A_33 to %scan3A_35 step %scan3A_36 iter_args(%scan3A_103 = %broadcast_in_dim3A_26, %scan3A_104 = %broadcast_in_dim3A_28, %scan3A_105 = %broadcast_in_dim3A_30, %scan3A_106 = %broadcast_in_dim3A_32) -> (vector<16xf32>, vector<16xf32>, vector<16xf32>, vector<16xf32>)  : i32 {
      %add3A_107 = arith.constant 0 : i32
      %add3A_108 = arith.addi %add3A_107, %scan3A_102 : i32
      %get3A = arith.index_cast %add3A_108 : i32 to index
      %get3A_109 = arith.constant 0 : index
      %get3A_110 = tpu.vector_load %arg6[%get3A, %get3A_109] {strides = array<i32>} : memref<400x64xf32, #tpu.memory_space<vmem>>, vector<1x16xf32>,
      %get3A_111 = vector.shape_cast %get3A_110 : vector<1x16xf32> to vector<16xf32>
      %add3A_112 = arith.addf %scan3A_103, %get3A_111 : vector<16xf32>
      %add3A_113 = arith.constant 0 : i32
      %add3A_114 = arith.addi %add3A_113, %scan3A_102 : i32
      %get3A_115 = arith.index_cast %add3A_114 : i32 to index
      %get3A_116 = arith.constant 16 : index
      %get3A_117 = tpu.vector_load %arg6[%get3A_115, %get3A_116] {strides = array<i32>} : memref<400x64xf32, #tpu.memory_space<vmem>>, vector<1x16xf32>,
      %get3A_118 = vector.shape_cast %get3A_117 : vector<1x16xf32> to vector<16xf32>
      %add3A_119 = arith.addf %scan3A_104, %get3A_118 : vector<16xf32>
      %add3A_120 = arith.constant 0 : i32
      %add3A_121 = arith.addi %add3A_120, %scan3A_102 : i32
      %get3A_122 = arith.index_cast %add3A_121 : i32 to index
      %get3A_123 = arith.constant 32 : index
      %get3A_124 = tpu.vector_load %arg6[%get3A_122, %get3A_123] {strides = array<i32>} : memref<400x64xf32, #tpu.memory_space<vmem>>, vector<1x16xf32>,
      %get3A_125 = vector.shape_cast %get3A_124 : vector<1x16xf32> to vector<16xf32>
      %add3A_126 = arith.addf %scan3A_105, %get3A_125 : vector<16xf32>
      %add3A_127 = arith.constant 0 : i32
      %add3A_128 = arith.addi %add3A_127, %scan3A_102 : i32
      %get3A_129 = arith.index_cast %add3A_128 : i32 to index
      %get3A_130 = arith.constant 48 : index
      %get3A_131 = tpu.vector_load %arg6[%get3A_129, %get3A_130] {strides = array<i32>} : memref<400x64xf32, #tpu.memory_space<vmem>>, vector<1x16xf32>,
      %get3A_132 = vector.shape_cast %get3A_131 : vector<1x16xf32> to vector<16xf32>
      %add3A_133 = arith.addf %scan3A_106, %get3A_132 : vector<16xf32>
      %scan3A_134 = arith.constant 1 : i32
      %scan3A_135 = arith.addi %scan3A_102, %scan3A_134 : i32
      %add3A_136 = arith.constant 0 : i32
      %add3A_137 = arith.addi %add3A_136, %scan3A_135 : i32
      %get3A_138 = arith.index_cast %add3A_137 : i32 to index
      %get3A_139 = arith.constant 0 : index
      %get3A_140 = tpu.vector_load %arg6[%get3A_138, %get3A_139] {strides = array<i32>} : memref<400x64xf32, #tpu.memory_space<vmem>>, vector<1x16xf32>,
      %get3A_141 = vector.shape_cast %get3A_140 : vector<1x16xf32> to vector<16xf32>
      %add3A_142 = arith.addf %add3A_112, %get3A_141 : vector<16xf32>
      %add3A_143 = arith.constant 0 : i32
      %add3A_144 = arith.addi %add3A_143, %scan3A_135 : i32
      %get3A_145 = arith.index_cast %add3A_144 : i32 to index
      %get3A_146 = arith.constant 16 : index
      %get3A_147 = tpu.vector_load %arg6[%get3A_145, %get3A_146] {strides = array<i32>} : memref<400x64xf32, #tpu.memory_space<vmem>>, vector<1x16xf32>,
      %get3A_148 = vector.shape_cast %get3A_147 : vector<1x16xf32> to vector<16xf32>
      %add3A_149 = arith.addf %add3A_119, %get3A_148 : vector<16xf32>
      %add3A_150 = arith.constant 0 : i32
      %add3A_151 = arith.addi %add3A_150, %scan3A_135 : i32
      %get3A_152 = arith.index_cast %add3A_151 : i32 to index
      %get3A_153 = arith.constant 32 : index
      %get3A_154 = tpu.vector_load %arg6[%get3A_152, %get3A_153] {strides = array<i32>} : memref<400x64xf32, #tpu.memory_space<vmem>>, vector<1x16xf32>,
      %get3A_155 = vector.shape_cast %get3A_154 : vector<1x16xf32> to vector<16xf32>
      %add3A_156 = arith.addf %add3A_126, %get3A_155 : vector<16xf32>
      %add3A_157 = arith.constant 0 : i32
      %add3A_158 = arith.addi %add3A_157, %scan3A_135 : i32
      %get3A_159 = arith.index_cast %add3A_158 : i32 to index
      %get3A_160 = arith.constant 48 : index
      %get3A_161 = tpu.vector_load %arg6[%get3A_159, %get3A_160] {strides = array<i32>} : memref<400x64xf32, #tpu.memory_space<vmem>>, vector<1x16xf32>,
      %get3A_162 = vector.shape_cast %get3A_161 : vector<1x16xf32> to vector<16xf32>
      %add3A_163 = arith.addf %add3A_133, %get3A_162 : vector<16xf32>
      %scan3A_164 = arith.constant 2 : i32
      %scan3A_165 = arith.addi %scan3A_102, %scan3A_164 : i32
      %add3A_166 = arith.constant 0 : i32
      %add3A_167 = arith.addi %add3A_166, %scan3A_165 : i32
      %get3A_168 = arith.index_cast %add3A_167 : i32 to index
      %get3A_169 = arith.constant 0 : index
      %get3A_170 = tpu.vector_load %arg6[%get3A_168, %get3A_169] {strides = array<i32>} : memref<400x64xf32, #tpu.memory_space<vmem>>, vector<1x16xf32>,
      %get3A_171 = vector.shape_cast %get3A_170 : vector<1x16xf32> to vector<16xf32>
      %add3A_172 = arith.addf %add3A_142, %get3A_171 : vector<16xf32>
      %add3A_173 = arith.constant 0 : i32
      %add3A_174 = arith.addi %add3A_173, %scan3A_165 : i32
      %get3A_175 = arith.index_cast %add3A_174 : i32 to index
      %get3A_176 = arith.constant 16 : index
      %get3A_177 = tpu.vector_load %arg6[%get3A_175, %get3A_176] {strides = array<i32>} : memref<400x64xf32, #tpu.memory_space<vmem>>, vector<1x16xf32>,
      %get3A_178 = vector.shape_cast %get3A_177 : vector<1x16xf32> to vector<16xf32>
      %add3A_179 = arith.addf %add3A_149, %get3A_178 : vector<16xf32>
      %add3A_180 = arith.constant 0 : i32
      %add3A_181 = arith.addi %add3A_180, %scan3A_165 : i32
      %get3A_182 = arith.index_cast %add3A_181 : i32 to index
      %get3A_183 = arith.constant 32 : index
      %get3A_184 = tpu.vector_load %arg6[%get3A_182, %get3A_183] {strides = array<i32>} : memref<400x64xf32, #tpu.memory_space<vmem>>, vector<1x16xf32>,
      %get3A_185 = vector.shape_cast %get3A_184 : vector<1x16xf32> to vector<16xf32>
      %add3A_186 = arith.addf %add3A_156, %get3A_185 : vector<16xf32>
      %add3A_187 = arith.constant 0 : i32
      %add3A_188 = arith.addi %add3A_187, %scan3A_165 : i32
      %get3A_189 = arith.index_cast %add3A_188 : i32 to index
      %get3A_190 = arith.constant 48 : index
      %get3A_191 = tpu.vector_load %arg6[%get3A_189, %get3A_190] {strides = array<i32>} : memref<400x64xf32, #tpu.memory_space<vmem>>, vector<1x16xf32>,
      %get3A_192 = vector.shape_cast %get3A_191 : vector<1x16xf32> to vector<16xf32>
      %add3A_193 = arith.addf %add3A_163, %get3A_192 : vector<16xf32>
      %scan3A_194 = arith.constant 3 : i32
      %scan3A_195 = arith.addi %scan3A_102, %scan3A_194 : i32
      %add3A_196 = arith.constant 0 : i32
      %add3A_197 = arith.addi %add3A_196, %scan3A_195 : i32
      %get3A_198 = arith.index_cast %add3A_197 : i32 to index
      %get3A_199 = arith.constant 0 : index
      %get3A_200 = tpu.vector_load %arg6[%get3A_198, %get3A_199] {strides = array<i32>} : memref<400x64xf32, #tpu.memory_space<vmem>>, vector<1x16xf32>,
      %get3A_201 = vector.shape_cast %get3A_200 : vector<1x16xf32> to vector<16xf32>
      %add3A_202 = arith.addf %add3A_172, %get3A_201 : vector<16xf32>
      %add3A_203 = arith.constant 0 : i32
      %add3A_204 = arith.addi %add3A_203, %scan3A_195 : i32
      %get3A_205 = arith.index_cast %add3A_204 : i32 to index
      %get3A_206 = arith.constant 16 : index
      %get3A_207 = tpu.vector_load %arg6[%get3A_205, %get3A_206] {strides = array<i32>} : memref<400x64xf32, #tpu.memory_space<vmem>>, vector<1x16xf32>,
      %get3A_208 = vector.shape_cast %get3A_207 : vector<1x16xf32> to vector<16xf32>
      %add3A_209 = arith.addf %add3A_179, %get3A_208 : vector<16xf32>
      %add3A_210 = arith.constant 0 : i32
      %add3A_211 = arith.addi %add3A_210, %scan3A_195 : i32
      %get3A_212 = arith.index_cast %add3A_211 : i32 to index
      %get3A_213 = arith.constant 32 : index
      %get3A_214 = tpu.vector_load %arg6[%get3A_212, %get3A_213] {strides = array<i32>} : memref<400x64xf32, #tpu.memory_space<vmem>>, vector<1x16xf32>,
      %get3A_215 = vector.shape_cast %get3A_214 : vector<1x16xf32> to vector<16xf32>
      %add3A_216 = arith.addf %add3A_186, %get3A_215 : vector<16xf32>
      %add3A_217 = arith.constant 0 : i32
      %add3A_218 = arith.addi %add3A_217, %scan3A_195 : i32
      %get3A_219 = arith.index_cast %add3A_218 : i32 to index
      %get3A_220 = arith.constant 48 : index
      %get3A_221 = tpu.vector_load %arg6[%get3A_219, %get3A_220] {strides = array<i32>} : memref<400x64xf32, #tpu.memory_space<vmem>>, vector<1x16xf32>,
      %get3A_222 = vector.shape_cast %get3A_221 : vector<1x16xf32> to vector<16xf32>
      %add3A_223 = arith.addf %add3A_193, %get3A_222 : vector<16xf32>
      %scan3A_224 = arith.constant 4 : i32
      %scan3A_225 = arith.addi %scan3A_102, %scan3A_224 : i32
      %add3A_226 = arith.constant 0 : i32
      %add3A_227 = arith.addi %add3A_226, %scan3A_225 : i32
      %get3A_228 = arith.index_cast %add3A_227 : i32 to index
      %get3A_229 = arith.constant 0 : index
      %get3A_230 = tpu.vector_load %arg6[%get3A_228, %get3A_229] {strides = array<i32>} : memref<400x64xf32, #tpu.memory_space<vmem>>, vector<1x16xf32>,
      %get3A_231 = vector.shape_cast %get3A_230 : vector<1x16xf32> to vector<16xf32>
      %add3A_232 = arith.addf %add3A_202, %get3A_231 : vector<16xf32>
      %add3A_233 = arith.constant 0 : i32
      %add3A_234 = arith.addi %add3A_233, %scan3A_225 : i32
      %get3A_235 = arith.index_cast %add3A_234 : i32 to index
      %get3A_236 = arith.constant 16 : index
      %get3A_237 = tpu.vector_load %arg6[%get3A_235, %get3A_236] {strides = array<i32>} : memref<400x64xf32, #tpu.memory_space<vmem>>, vector<1x16xf32>,
      %get3A_238 = vector.shape_cast %get3A_237 : vector<1x16xf32> to vector<16xf32>
      %add3A_239 = arith.addf %add3A_209, %get3A_238 : vector<16xf32>
      %add3A_240 = arith.constant 0 : i32
      %add3A_241 = arith.addi %add3A_240, %scan3A_225 : i32
      %get3A_242 = arith.index_cast %add3A_241 : i32 to index
      %get3A_243 = arith.constant 32 : index
      %get3A_244 = tpu.vector_load %arg6[%get3A_242, %get3A_243] {strides = array<i32>} : memref<400x64xf32, #tpu.memory_space<vmem>>, vector<1x16xf32>,
      %get3A_245 = vector.shape_cast %get3A_244 : vector<1x16xf32> to vector<16xf32>
      %add3A_246 = arith.addf %add3A_216, %get3A_245 : vector<16xf32>
      %add3A_247 = arith.constant 0 : i32
      %add3A_248 = arith.addi %add3A_247, %scan3A_225 : i32
      %get3A_249 = arith.index_cast %add3A_248 : i32 to index
      %get3A_250 = arith.constant 48 : index
      %get3A_251 = tpu.vector_load %arg6[%get3A_249, %get3A_250] {strides = array<i32>} : memref<400x64xf32, #tpu.memory_space<vmem>>, vector<1x16xf32>,
      %get3A_252 = vector.shape_cast %get3A_251 : vector<1x16xf32> to vector<16xf32>
      %add3A_253 = arith.addf %add3A_223, %get3A_252 : vector<16xf32>
      %scan3A_254 = arith.constant 5 : i32
      %scan3A_255 = arith.addi %scan3A_102, %scan3A_254 : i32
      %add3A_256 = arith.constant 0 : i32
      %add3A_257 = arith.addi %add3A_256, %scan3A_255 : i32
      %get3A_258 = arith.index_cast %add3A_257 : i32 to index
      %get3A_259 = arith.constant 0 : index
      %get3A_260 = tpu.vector_load %arg6[%get3A_258, %get3A_259] {strides = array<i32>} : memref<400x64xf32, #tpu.memory_space<vmem>>, vector<1x16xf32>,
      %get3A_261 = vector.shape_cast %get3A_260 : vector<1x16xf32> to vector<16xf32>
      %add3A_262 = arith.addf %add3A_232, %get3A_261 : vector<16xf32>
      %add3A_263 = arith.constant 0 : i32
      %add3A_264 = arith.addi %add3A_263, %scan3A_255 : i32
      %get3A_265 = arith.index_cast %add3A_264 : i32 to index
      %get3A_266 = arith.constant 16 : index
      %get3A_267 = tpu.vector_load %arg6[%get3A_265, %get3A_266] {strides = array<i32>} : memref<400x64xf32, #tpu.memory_space<vmem>>, vector<1x16xf32>,
      %get3A_268 = vector.shape_cast %get3A_267 : vector<1x16xf32> to vector<16xf32>
      %add3A_269 = arith.addf %add3A_239, %get3A_268 : vector<16xf32>
      %add3A_270 = arith.constant 0 : i32
      %add3A_271 = arith.addi %add3A_270, %scan3A_255 : i32
      %get3A_272 = arith.index_cast %add3A_271 : i32 to index
      %get3A_273 = arith.constant 32 : index
      %get3A_274 = tpu.vector_load %arg6[%get3A_272, %get3A_273] {strides = array<i32>} : memref<400x64xf32, #tpu.memory_space<vmem>>, vector<1x16xf32>,
      %get3A_275 = vector.shape_cast %get3A_274 : vector<1x16xf32> to vector<16xf32>
      %add3A_276 = arith.addf %add3A_246, %get3A_275 : vector<16xf32>
      %add3A_277 = arith.constant 0 : i32
      %add3A_278 = arith.addi %add3A_277, %scan3A_255 : i32
      %get3A_279 = arith.index_cast %add3A_278 : i32 to index
      %get3A_280 = arith.constant 48 : index
      %get3A_281 = tpu.vector_load %arg6[%get3A_279, %get3A_280] {strides = array<i32>} : memref<400x64xf32, #tpu.memory_space<vmem>>, vector<1x16xf32>,
      %get3A_282 = vector.shape_cast %get3A_281 : vector<1x16xf32> to vector<16xf32>
      %add3A_283 = arith.addf %add3A_253, %get3A_282 : vector<16xf32>
      %scan3A_284 = arith.constant 6 : i32
      %scan3A_285 = arith.addi %scan3A_102, %scan3A_284 : i32
      %add3A_286 = arith.constant 0 : i32
      %add3A_287 = arith.addi %add3A_286, %scan3A_285 : i32
      %get3A_288 = arith.index_cast %add3A_287 : i32 to index
      %get3A_289 = arith.constant 0 : index
      %get3A_290 = tpu.vector_load %arg6[%get3A_288, %get3A_289] {strides = array<i32>} : memref<400x64xf32, #tpu.memory_space<vmem>>, vector<1x16xf32>,
      %get3A_291 = vector.shape_cast %get3A_290 : vector<1x16xf32> to vector<16xf32>
      %add3A_292 = arith.addf %add3A_262, %get3A_291 : vector<16xf32>
      %add3A_293 = arith.constant 0 : i32
      %add3A_294 = arith.addi %add3A_293, %scan3A_285 : i32
      %get3A_295 = arith.index_cast %add3A_294 : i32 to index
      %get3A_296 = arith.constant 16 : index
      %get3A_297 = tpu.vector_load %arg6[%get3A_295, %get3A_296] {strides = array<i32>} : memref<400x64xf32, #tpu.memory_space<vmem>>, vector<1x16xf32>,
      %get3A_298 = vector.shape_cast %get3A_297 : vector<1x16xf32> to vector<16xf32>
      %add3A_299 = arith.addf %add3A_269, %get3A_298 : vector<16xf32>
      %add3A_300 = arith.constant 0 : i32
      %add3A_301 = arith.addi %add3A_300, %scan3A_285 : i32
      %get3A_302 = arith.index_cast %add3A_301 : i32 to index
      %get3A_303 = arith.constant 32 : index
      %get3A_304 = tpu.vector_load %arg6[%get3A_302, %get3A_303] {strides = array<i32>} : memref<400x64xf32, #tpu.memory_space<vmem>>, vector<1x16xf32>,
      %get3A_305 = vector.shape_cast %get3A_304 : vector<1x16xf32> to vector<16xf32>
      %add3A_306 = arith.addf %add3A_276, %get3A_305 : vector<16xf32>
      %add3A_307 = arith.constant 0 : i32
      %add3A_308 = arith.addi %add3A_307, %scan3A_285 : i32
      %get3A_309 = arith.index_cast %add3A_308 : i32 to index
      %get3A_310 = arith.constant 48 : index
      %get3A_311 = tpu.vector_load %arg6[%get3A_309, %get3A_310] {strides = array<i32>} : memref<400x64xf32, #tpu.memory_space<vmem>>, vector<1x16xf32>,
      %get3A_312 = vector.shape_cast %get3A_311 : vector<1x16xf32> to vector<16xf32>
      %add3A_313 = arith.addf %add3A_283, %get3A_312 : vector<16xf32>
      %scan3A_314 = arith.constant 7 : i32
      %scan3A_315 = arith.addi %scan3A_102, %scan3A_314 : i32
      %add3A_316 = arith.constant 0 : i32
      %add3A_317 = arith.addi %add3A_316, %scan3A_315 : i32
      %get3A_318 = arith.index_cast %add3A_317 : i32 to index
      %get3A_319 = arith.constant 0 : index
      %get3A_320 = tpu.vector_load %arg6[%get3A_318, %get3A_319] {strides = array<i32>} : memref<400x64xf32, #tpu.memory_space<vmem>>, vector<1x16xf32>,
      %get3A_321 = vector.shape_cast %get3A_320 : vector<1x16xf32> to vector<16xf32>
      %add3A_322 = arith.addf %add3A_292, %get3A_321 : vector<16xf32>
      %add3A_323 = arith.constant 0 : i32
      %add3A_324 = arith.addi %add3A_323, %scan3A_315 : i32
      %get3A_325 = arith.index_cast %add3A_324 : i32 to index
      %get3A_326 = arith.constant 16 : index
      %get3A_327 = tpu.vector_load %arg6[%get3A_325, %get3A_326] {strides = array<i32>} : memref<400x64xf32, #tpu.memory_space<vmem>>, vector<1x16xf32>,
      %get3A_328 = vector.shape_cast %get3A_327 : vector<1x16xf32> to vector<16xf32>
      %add3A_329 = arith.addf %add3A_299, %get3A_328 : vector<16xf32>
      %add3A_330 = arith.constant 0 : i32
      %add3A_331 = arith.addi %add3A_330, %scan3A_315 : i32
      %get3A_332 = arith.index_cast %add3A_331 : i32 to index
      %get3A_333 = arith.constant 32 : index
      %get3A_334 = tpu.vector_load %arg6[%get3A_332, %get3A_333] {strides = array<i32>} : memref<400x64xf32, #tpu.memory_space<vmem>>, vector<1x16xf32>,
      %get3A_335 = vector.shape_cast %get3A_334 : vector<1x16xf32> to vector<16xf32>
      %add3A_336 = arith.addf %add3A_306, %get3A_335 : vector<16xf32>
      %add3A_337 = arith.constant 0 : i32
      %add3A_338 = arith.addi %add3A_337, %scan3A_315 : i32
      %get3A_339 = arith.index_cast %add3A_338 : i32 to index
      %get3A_340 = arith.constant 48 : index
      %get3A_341 = tpu.vector_load %arg6[%get3A_339, %get3A_340] {strides = array<i32>} : memref<400x64xf32, #tpu.memory_space<vmem>>, vector<1x16xf32>,
      %get3A_342 = vector.shape_cast %get3A_341 : vector<1x16xf32> to vector<16xf32>
      %add3A_343 = arith.addf %add3A_313, %get3A_342 : vector<16xf32>
      scf.yield %add3A_322, %add3A_329, %add3A_336, %add3A_343 : vector<16xf32>, vector<16xf32>, vector<16xf32>, vector<16xf32>
    }
    %scan3A_38 = arith.constant 200 : i32
    %swap3A = arith.constant 126 : i32
    %swap3A_39 = arith.index_cast %swap3A : i32 to index
    %swap3A_40 = arith.constant 0 : index
    %swap3A_41 = tpu.vector_load %arg9[%swap3A_39, %swap3A_40] {strides = array<i32>} : memref<128x64xf32, #tpu.memory_space<vmem>>, vector<1x16xf32>,
    %swap3A_42 = vector.shape_cast %swap3A_41 : vector<1x16xf32> to vector<16xf32>
    %swap3A_43 = vector.shape_cast %scan3A_37#0 : vector<16xf32> to vector<1x16xf32>
    tpu.vector_store %arg9[%swap3A_39, %swap3A_40], %swap3A_43 {strides = array<i32>} : memref<128x64xf32, #tpu.memory_space<vmem>>, vector<1x16xf32>,
    %swap3A_44 = arith.constant 126 : i32
    %swap3A_45 = arith.index_cast %swap3A_44 : i32 to index
    %swap3A_46 = arith.constant 16 : index
    %swap3A_47 = tpu.vector_load %arg9[%swap3A_45, %swap3A_46] {strides = array<i32>} : memref<128x64xf32, #tpu.memory_space<vmem>>, vector<1x16xf32>,
    %swap3A_48 = vector.shape_cast %swap3A_47 : vector<1x16xf32> to vector<16xf32>
    %swap3A_49 = vector.shape_cast %scan3A_37#1 : vector<16xf32> to vector<1x16xf32>
    tpu.vector_store %arg9[%swap3A_45, %swap3A_46], %swap3A_49 {strides = array<i32>} : memref<128x64xf32, #tpu.memory_space<vmem>>, vector<1x16xf32>,
    %swap3A_50 = arith.constant 126 : i32
    %swap3A_51 = arith.index_cast %swap3A_50 : i32 to index
    %swap3A_52 = arith.constant 32 : index
    %swap3A_53 = tpu.vector_load %arg9[%swap3A_51, %swap3A_52] {strides = array<i32>} : memref<128x64xf32, #tpu.memory_space<vmem>>, vector<1x16xf32>,
    %swap3A_54 = vector.shape_cast %swap3A_53 : vector<1x16xf32> to vector<16xf32>
    %swap3A_55 = vector.shape_cast %scan3A_37#2 : vector<16xf32> to vector<1x16xf32>
    tpu.vector_store %arg9[%swap3A_51, %swap3A_52], %swap3A_55 {strides = array<i32>} : memref<128x64xf32, #tpu.memory_space<vmem>>, vector<1x16xf32>,
    %swap3A_56 = arith.constant 126 : i32
    %swap3A_57 = arith.index_cast %swap3A_56 : i32 to index
    %swap3A_58 = arith.constant 48 : index
    %swap3A_59 = tpu.vector_load %arg9[%swap3A_57, %swap3A_58] {strides = array<i32>} : memref<128x64xf32, #tpu.memory_space<vmem>>, vector<1x16xf32>,
    %swap3A_60 = vector.shape_cast %swap3A_59 : vector<1x16xf32> to vector<16xf32>
    %swap3A_61 = vector.shape_cast %scan3A_37#3 : vector<16xf32> to vector<1x16xf32>
    tpu.vector_store %arg9[%swap3A_57, %swap3A_58], %swap3A_61 {strides = array<i32>} : memref<128x64xf32, #tpu.memory_space<vmem>>, vector<1x16xf32>,
    %broadcast_in_dim3A_62 = arith.constant 0.000000e+00 : f32
    %broadcast_in_dim3A_63 = vector.broadcast %broadcast_in_dim3A_62 : f32 to vector<16xf32>
    %broadcast_in_dim3A_64 = arith.constant 0.000000e+00 : f32
    %broadcast_in_dim3A_65 = vector.broadcast %broadcast_in_dim3A_64 : f32 to vector<16xf32>
    %broadcast_in_dim3A_66 = arith.constant 0.000000e+00 : f32
    %broadcast_in_dim3A_67 = vector.broadcast %broadcast_in_dim3A_66 : f32 to vector<16xf32>
    %broadcast_in_dim3A_68 = arith.constant 0.000000e+00 : f32
    %broadcast_in_dim3A_69 = vector.broadcast %broadcast_in_dim3A_68 : f32 to vector<16xf32>
    %scan3A_70 = arith.constant 0 : i32
    %scan3A_71 = arith.constant 200 : i32
    %scan3A_72 = arith.addi %scan3A_70, %scan3A_71 : i32
    %scan3A_73 = arith.constant 8 : i32
    %scan3A_74:4 = scf.for %scan3A_102 = %scan3A_70 to %scan3A_72 step %scan3A_73 iter_args(%scan3A_103 = %broadcast_in_dim3A_63, %scan3A_104 = %broadcast_in_dim3A_65, %scan3A_105 = %broadcast_in_dim3A_67, %scan3A_106 = %broadcast_in_dim3A_69) -> (vector<16xf32>, vector<16xf32>, vector<16xf32>, vector<16xf32>)  : i32 {
      %add3A_107 = arith.constant 200 : i32
      %add3A_108 = arith.addi %add3A_107, %scan3A_102 : i32
      %get3A = arith.index_cast %add3A_108 : i32 to index
      %get3A_109 = arith.constant 0 : index
      %get3A_110 = tpu.vector_load %arg6[%get3A, %get3A_109] {strides = array<i32>} : memref<400x64xf32, #tpu.memory_space<vmem>>, vector<1x16xf32>,
      %get3A_111 = vector.shape_cast %get3A_110 : vector<1x16xf32> to vector<16xf32>
      %add3A_112 = arith.addf %scan3A_103, %get3A_111 : vector<16xf32>
      %add3A_113 = arith.constant 200 : i32
      %add3A_114 = arith.addi %add3A_113, %scan3A_102 : i32
      %get3A_115 = arith.index_cast %add3A_114 : i32 to index
      %get3A_116 = arith.constant 16 : index
      %get3A_117 = tpu.vector_load %arg6[%get3A_115, %get3A_116] {strides = array<i32>} : memref<400x64xf32, #tpu.memory_space<vmem>>, vector<1x16xf32>,
      %get3A_118 = vector.shape_cast %get3A_117 : vector<1x16xf32> to vector<16xf32>
      %add3A_119 = arith.addf %scan3A_104, %get3A_118 : vector<16xf32>
      %add3A_120 = arith.constant 200 : i32
      %add3A_121 = arith.addi %add3A_120, %scan3A_102 : i32
      %get3A_122 = arith.index_cast %add3A_121 : i32 to index
      %get3A_123 = arith.constant 32 : index
      %get3A_124 = tpu.vector_load %arg6[%get3A_122, %get3A_123] {strides = array<i32>} : memref<400x64xf32, #tpu.memory_space<vmem>>, vector<1x16xf32>,
      %get3A_125 = vector.shape_cast %get3A_124 : vector<1x16xf32> to vector<16xf32>
      %add3A_126 = arith.addf %scan3A_105, %get3A_125 : vector<16xf32>
      %add3A_127 = arith.constant 200 : i32
      %add3A_128 = arith.addi %add3A_127, %scan3A_102 : i32
      %get3A_129 = arith.index_cast %add3A_128 : i32 to index
      %get3A_130 = arith.constant 48 : index
      %get3A_131 = tpu.vector_load %arg6[%get3A_129, %get3A_130] {strides = array<i32>} : memref<400x64xf32, #tpu.memory_space<vmem>>, vector<1x16xf32>,
      %get3A_132 = vector.shape_cast %get3A_131 : vector<1x16xf32> to vector<16xf32>
      %add3A_133 = arith.addf %scan3A_106, %get3A_132 : vector<16xf32>
      %scan3A_134 = arith.constant 1 : i32
      %scan3A_135 = arith.addi %scan3A_102, %scan3A_134 : i32
      %add3A_136 = arith.constant 200 : i32
      %add3A_137 = arith.addi %add3A_136, %scan3A_135 : i32
      %get3A_138 = arith.index_cast %add3A_137 : i32 to index
      %get3A_139 = arith.constant 0 : index
      %get3A_140 = tpu.vector_load %arg6[%get3A_138, %get3A_139] {strides = array<i32>} : memref<400x64xf32, #tpu.memory_space<vmem>>, vector<1x16xf32>,
      %get3A_141 = vector.shape_cast %get3A_140 : vector<1x16xf32> to vector<16xf32>
      %add3A_142 = arith.addf %add3A_112, %get3A_141 : vector<16xf32>
      %add3A_143 = arith.constant 200 : i32
      %add3A_144 = arith.addi %add3A_143, %scan3A_135 : i32
      %get3A_145 = arith.index_cast %add3A_144 : i32 to index
      %get3A_146 = arith.constant 16 : index
      %get3A_147 = tpu.vector_load %arg6[%get3A_145, %get3A_146] {strides = array<i32>} : memref<400x64xf32, #tpu.memory_space<vmem>>, vector<1x16xf32>,
      %get3A_148 = vector.shape_cast %get3A_147 : vector<1x16xf32> to vector<16xf32>
      %add3A_149 = arith.addf %add3A_119, %get3A_148 : vector<16xf32>
      %add3A_150 = arith.constant 200 : i32
      %add3A_151 = arith.addi %add3A_150, %scan3A_135 : i32
      %get3A_152 = arith.index_cast %add3A_151 : i32 to index
      %get3A_153 = arith.constant 32 : index
      %get3A_154 = tpu.vector_load %arg6[%get3A_152, %get3A_153] {strides = array<i32>} : memref<400x64xf32, #tpu.memory_space<vmem>>, vector<1x16xf32>,
      %get3A_155 = vector.shape_cast %get3A_154 : vector<1x16xf32> to vector<16xf32>
      %add3A_156 = arith.addf %add3A_126, %get3A_155 : vector<16xf32>
      %add3A_157 = arith.constant 200 : i32
      %add3A_158 = arith.addi %add3A_157, %scan3A_135 : i32
      %get3A_159 = arith.index_cast %add3A_158 : i32 to index
      %get3A_160 = arith.constant 48 : index
      %get3A_161 = tpu.vector_load %arg6[%get3A_159, %get3A_160] {strides = array<i32>} : memref<400x64xf32, #tpu.memory_space<vmem>>, vector<1x16xf32>,
      %get3A_162 = vector.shape_cast %get3A_161 : vector<1x16xf32> to vector<16xf32>
      %add3A_163 = arith.addf %add3A_133, %get3A_162 : vector<16xf32>
      %scan3A_164 = arith.constant 2 : i32
      %scan3A_165 = arith.addi %scan3A_102, %scan3A_164 : i32
      %add3A_166 = arith.constant 200 : i32
      %add3A_167 = arith.addi %add3A_166, %scan3A_165 : i32
      %get3A_168 = arith.index_cast %add3A_167 : i32 to index
      %get3A_169 = arith.constant 0 : index
      %get3A_170 = tpu.vector_load %arg6[%get3A_168, %get3A_169] {strides = array<i32>} : memref<400x64xf32, #tpu.memory_space<vmem>>, vector<1x16xf32>,
      %get3A_171 = vector.shape_cast %get3A_170 : vector<1x16xf32> to vector<16xf32>
      %add3A_172 = arith.addf %add3A_142, %get3A_171 : vector<16xf32>
      %add3A_173 = arith.constant 200 : i32
      %add3A_174 = arith.addi %add3A_173, %scan3A_165 : i32
      %get3A_175 = arith.index_cast %add3A_174 : i32 to index
      %get3A_176 = arith.constant 16 : index
      %get3A_177 = tpu.vector_load %arg6[%get3A_175, %get3A_176] {strides = array<i32>} : memref<400x64xf32, #tpu.memory_space<vmem>>, vector<1x16xf32>,
      %get3A_178 = vector.shape_cast %get3A_177 : vector<1x16xf32> to vector<16xf32>
      %add3A_179 = arith.addf %add3A_149, %get3A_178 : vector<16xf32>
      %add3A_180 = arith.constant 200 : i32
      %add3A_181 = arith.addi %add3A_180, %scan3A_165 : i32
      %get3A_182 = arith.index_cast %add3A_181 : i32 to index
      %get3A_183 = arith.constant 32 : index
      %get3A_184 = tpu.vector_load %arg6[%get3A_182, %get3A_183] {strides = array<i32>} : memref<400x64xf32, #tpu.memory_space<vmem>>, vector<1x16xf32>,
      %get3A_185 = vector.shape_cast %get3A_184 : vector<1x16xf32> to vector<16xf32>
      %add3A_186 = arith.addf %add3A_156, %get3A_185 : vector<16xf32>
      %add3A_187 = arith.constant 200 : i32
      %add3A_188 = arith.addi %add3A_187, %scan3A_165 : i32
      %get3A_189 = arith.index_cast %add3A_188 : i32 to index
      %get3A_190 = arith.constant 48 : index
      %get3A_191 = tpu.vector_load %arg6[%get3A_189, %get3A_190] {strides = array<i32>} : memref<400x64xf32, #tpu.memory_space<vmem>>, vector<1x16xf32>,
      %get3A_192 = vector.shape_cast %get3A_191 : vector<1x16xf32> to vector<16xf32>
      %add3A_193 = arith.addf %add3A_163, %get3A_192 : vector<16xf32>
      %scan3A_194 = arith.constant 3 : i32
      %scan3A_195 = arith.addi %scan3A_102, %scan3A_194 : i32
      %add3A_196 = arith.constant 200 : i32
      %add3A_197 = arith.addi %add3A_196, %scan3A_195 : i32
      %get3A_198 = arith.index_cast %add3A_197 : i32 to index
      %get3A_199 = arith.constant 0 : index
      %get3A_200 = tpu.vector_load %arg6[%get3A_198, %get3A_199] {strides = array<i32>} : memref<400x64xf32, #tpu.memory_space<vmem>>, vector<1x16xf32>,
      %get3A_201 = vector.shape_cast %get3A_200 : vector<1x16xf32> to vector<16xf32>
      %add3A_202 = arith.addf %add3A_172, %get3A_201 : vector<16xf32>
      %add3A_203 = arith.constant 200 : i32
      %add3A_204 = arith.addi %add3A_203, %scan3A_195 : i32
      %get3A_205 = arith.index_cast %add3A_204 : i32 to index
      %get3A_206 = arith.constant 16 : index
      %get3A_207 = tpu.vector_load %arg6[%get3A_205, %get3A_206] {strides = array<i32>} : memref<400x64xf32, #tpu.memory_space<vmem>>, vector<1x16xf32>,
      %get3A_208 = vector.shape_cast %get3A_207 : vector<1x16xf32> to vector<16xf32>
      %add3A_209 = arith.addf %add3A_179, %get3A_208 : vector<16xf32>
      %add3A_210 = arith.constant 200 : i32
      %add3A_211 = arith.addi %add3A_210, %scan3A_195 : i32
      %get3A_212 = arith.index_cast %add3A_211 : i32 to index
      %get3A_213 = arith.constant 32 : index
      %get3A_214 = tpu.vector_load %arg6[%get3A_212, %get3A_213] {strides = array<i32>} : memref<400x64xf32, #tpu.memory_space<vmem>>, vector<1x16xf32>,
      %get3A_215 = vector.shape_cast %get3A_214 : vector<1x16xf32> to vector<16xf32>
      %add3A_216 = arith.addf %add3A_186, %get3A_215 : vector<16xf32>
      %add3A_217 = arith.constant 200 : i32
      %add3A_218 = arith.addi %add3A_217, %scan3A_195 : i32
      %get3A_219 = arith.index_cast %add3A_218 : i32 to index
      %get3A_220 = arith.constant 48 : index
      %get3A_221 = tpu.vector_load %arg6[%get3A_219, %get3A_220] {strides = array<i32>} : memref<400x64xf32, #tpu.memory_space<vmem>>, vector<1x16xf32>,
      %get3A_222 = vector.shape_cast %get3A_221 : vector<1x16xf32> to vector<16xf32>
      %add3A_223 = arith.addf %add3A_193, %get3A_222 : vector<16xf32>
      %scan3A_224 = arith.constant 4 : i32
      %scan3A_225 = arith.addi %scan3A_102, %scan3A_224 : i32
      %add3A_226 = arith.constant 200 : i32
      %add3A_227 = arith.addi %add3A_226, %scan3A_225 : i32
      %get3A_228 = arith.index_cast %add3A_227 : i32 to index
      %get3A_229 = arith.constant 0 : index
      %get3A_230 = tpu.vector_load %arg6[%get3A_228, %get3A_229] {strides = array<i32>} : memref<400x64xf32, #tpu.memory_space<vmem>>, vector<1x16xf32>,
      %get3A_231 = vector.shape_cast %get3A_230 : vector<1x16xf32> to vector<16xf32>
      %add3A_232 = arith.addf %add3A_202, %get3A_231 : vector<16xf32>
      %add3A_233 = arith.constant 200 : i32
      %add3A_234 = arith.addi %add3A_233, %scan3A_225 : i32
      %get3A_235 = arith.index_cast %add3A_234 : i32 to index
      %get3A_236 = arith.constant 16 : index
      %get3A_237 = tpu.vector_load %arg6[%get3A_235, %get3A_236] {strides = array<i32>} : memref<400x64xf32, #tpu.memory_space<vmem>>, vector<1x16xf32>,
      %get3A_238 = vector.shape_cast %get3A_237 : vector<1x16xf32> to vector<16xf32>
      %add3A_239 = arith.addf %add3A_209, %get3A_238 : vector<16xf32>
      %add3A_240 = arith.constant 200 : i32
      %add3A_241 = arith.addi %add3A_240, %scan3A_225 : i32
      %get3A_242 = arith.index_cast %add3A_241 : i32 to index
      %get3A_243 = arith.constant 32 : index
      %get3A_244 = tpu.vector_load %arg6[%get3A_242, %get3A_243] {strides = array<i32>} : memref<400x64xf32, #tpu.memory_space<vmem>>, vector<1x16xf32>,
      %get3A_245 = vector.shape_cast %get3A_244 : vector<1x16xf32> to vector<16xf32>
      %add3A_246 = arith.addf %add3A_216, %get3A_245 : vector<16xf32>
      %add3A_247 = arith.constant 200 : i32
      %add3A_248 = arith.addi %add3A_247, %scan3A_225 : i32
      %get3A_249 = arith.index_cast %add3A_248 : i32 to index
      %get3A_250 = arith.constant 48 : index
      %get3A_251 = tpu.vector_load %arg6[%get3A_249, %get3A_250] {strides = array<i32>} : memref<400x64xf32, #tpu.memory_space<vmem>>, vector<1x16xf32>,
      %get3A_252 = vector.shape_cast %get3A_251 : vector<1x16xf32> to vector<16xf32>
      %add3A_253 = arith.addf %add3A_223, %get3A_252 : vector<16xf32>
      %scan3A_254 = arith.constant 5 : i32
      %scan3A_255 = arith.addi %scan3A_102, %scan3A_254 : i32
      %add3A_256 = arith.constant 200 : i32
      %add3A_257 = arith.addi %add3A_256, %scan3A_255 : i32
      %get3A_258 = arith.index_cast %add3A_257 : i32 to index
      %get3A_259 = arith.constant 0 : index
      %get3A_260 = tpu.vector_load %arg6[%get3A_258, %get3A_259] {strides = array<i32>} : memref<400x64xf32, #tpu.memory_space<vmem>>, vector<1x16xf32>,
      %get3A_261 = vector.shape_cast %get3A_260 : vector<1x16xf32> to vector<16xf32>
      %add3A_262 = arith.addf %add3A_232, %get3A_261 : vector<16xf32>
      %add3A_263 = arith.constant 200 : i32
      %add3A_264 = arith.addi %add3A_263, %scan3A_255 : i32
      %get3A_265 = arith.index_cast %add3A_264 : i32 to index
      %get3A_266 = arith.constant 16 : index
      %get3A_267 = tpu.vector_load %arg6[%get3A_265, %get3A_266] {strides = array<i32>} : memref<400x64xf32, #tpu.memory_space<vmem>>, vector<1x16xf32>,
      %get3A_268 = vector.shape_cast %get3A_267 : vector<1x16xf32> to vector<16xf32>
      %add3A_269 = arith.addf %add3A_239, %get3A_268 : vector<16xf32>
      %add3A_270 = arith.constant 200 : i32
      %add3A_271 = arith.addi %add3A_270, %scan3A_255 : i32
      %get3A_272 = arith.index_cast %add3A_271 : i32 to index
      %get3A_273 = arith.constant 32 : index
      %get3A_274 = tpu.vector_load %arg6[%get3A_272, %get3A_273] {strides = array<i32>} : memref<400x64xf32, #tpu.memory_space<vmem>>, vector<1x16xf32>,
      %get3A_275 = vector.shape_cast %get3A_274 : vector<1x16xf32> to vector<16xf32>
      %add3A_276 = arith.addf %add3A_246, %get3A_275 : vector<16xf32>
      %add3A_277 = arith.constant 200 : i32
      %add3A_278 = arith.addi %add3A_277, %scan3A_255 : i32
      %get3A_279 = arith.index_cast %add3A_278 : i32 to index
      %get3A_280 = arith.constant 48 : index
      %get3A_281 = tpu.vector_load %arg6[%get3A_279, %get3A_280] {strides = array<i32>} : memref<400x64xf32, #tpu.memory_space<vmem>>, vector<1x16xf32>,
      %get3A_282 = vector.shape_cast %get3A_281 : vector<1x16xf32> to vector<16xf32>
      %add3A_283 = arith.addf %add3A_253, %get3A_282 : vector<16xf32>
      %scan3A_284 = arith.constant 6 : i32
      %scan3A_285 = arith.addi %scan3A_102, %scan3A_284 : i32
      %add3A_286 = arith.constant 200 : i32
      %add3A_287 = arith.addi %add3A_286, %scan3A_285 : i32
      %get3A_288 = arith.index_cast %add3A_287 : i32 to index
      %get3A_289 = arith.constant 0 : index
      %get3A_290 = tpu.vector_load %arg6[%get3A_288, %get3A_289] {strides = array<i32>} : memref<400x64xf32, #tpu.memory_space<vmem>>, vector<1x16xf32>,
      %get3A_291 = vector.shape_cast %get3A_290 : vector<1x16xf32> to vector<16xf32>
      %add3A_292 = arith.addf %add3A_262, %get3A_291 : vector<16xf32>
      %add3A_293 = arith.constant 200 : i32
      %add3A_294 = arith.addi %add3A_293, %scan3A_285 : i32
      %get3A_295 = arith.index_cast %add3A_294 : i32 to index
      %get3A_296 = arith.constant 16 : index
      %get3A_297 = tpu.vector_load %arg6[%get3A_295, %get3A_296] {strides = array<i32>} : memref<400x64xf32, #tpu.memory_space<vmem>>, vector<1x16xf32>,
      %get3A_298 = vector.shape_cast %get3A_297 : vector<1x16xf32> to vector<16xf32>
      %add3A_299 = arith.addf %add3A_269, %get3A_298 : vector<16xf32>
      %add3A_300 = arith.constant 200 : i32
      %add3A_301 = arith.addi %add3A_300, %scan3A_285 : i32
      %get3A_302 = arith.index_cast %add3A_301 : i32 to index
      %get3A_303 = arith.constant 32 : index
      %get3A_304 = tpu.vector_load %arg6[%get3A_302, %get3A_303] {strides = array<i32>} : memref<400x64xf32, #tpu.memory_space<vmem>>, vector<1x16xf32>,
      %get3A_305 = vector.shape_cast %get3A_304 : vector<1x16xf32> to vector<16xf32>
      %add3A_306 = arith.addf %add3A_276, %get3A_305 : vector<16xf32>
      %add3A_307 = arith.constant 200 : i32
      %add3A_308 = arith.addi %add3A_307, %scan3A_285 : i32
      %get3A_309 = arith.index_cast %add3A_308 : i32 to index
      %get3A_310 = arith.constant 48 : index
      %get3A_311 = tpu.vector_load %arg6[%get3A_309, %get3A_310] {strides = array<i32>} : memref<400x64xf32, #tpu.memory_space<vmem>>, vector<1x16xf32>,
      %get3A_312 = vector.shape_cast %get3A_311 : vector<1x16xf32> to vector<16xf32>
      %add3A_313 = arith.addf %add3A_283, %get3A_312 : vector<16xf32>
      %scan3A_314 = arith.constant 7 : i32
      %scan3A_315 = arith.addi %scan3A_102, %scan3A_314 : i32
      %add3A_316 = arith.constant 200 : i32
      %add3A_317 = arith.addi %add3A_316, %scan3A_315 : i32
      %get3A_318 = arith.index_cast %add3A_317 : i32 to index
      %get3A_319 = arith.constant 0 : index
      %get3A_320 = tpu.vector_load %arg6[%get3A_318, %get3A_319] {strides = array<i32>} : memref<400x64xf32, #tpu.memory_space<vmem>>, vector<1x16xf32>,
      %get3A_321 = vector.shape_cast %get3A_320 : vector<1x16xf32> to vector<16xf32>
      %add3A_322 = arith.addf %add3A_292, %get3A_321 : vector<16xf32>
      %add3A_323 = arith.constant 200 : i32
      %add3A_324 = arith.addi %add3A_323, %scan3A_315 : i32
      %get3A_325 = arith.index_cast %add3A_324 : i32 to index
      %get3A_326 = arith.constant 16 : index
      %get3A_327 = tpu.vector_load %arg6[%get3A_325, %get3A_326] {strides = array<i32>} : memref<400x64xf32, #tpu.memory_space<vmem>>, vector<1x16xf32>,
      %get3A_328 = vector.shape_cast %get3A_327 : vector<1x16xf32> to vector<16xf32>
      %add3A_329 = arith.addf %add3A_299, %get3A_328 : vector<16xf32>
      %add3A_330 = arith.constant 200 : i32
      %add3A_331 = arith.addi %add3A_330, %scan3A_315 : i32
      %get3A_332 = arith.index_cast %add3A_331 : i32 to index
      %get3A_333 = arith.constant 32 : index
      %get3A_334 = tpu.vector_load %arg6[%get3A_332, %get3A_333] {strides = array<i32>} : memref<400x64xf32, #tpu.memory_space<vmem>>, vector<1x16xf32>,
      %get3A_335 = vector.shape_cast %get3A_334 : vector<1x16xf32> to vector<16xf32>
      %add3A_336 = arith.addf %add3A_306, %get3A_335 : vector<16xf32>
      %add3A_337 = arith.constant 200 : i32
      %add3A_338 = arith.addi %add3A_337, %scan3A_315 : i32
      %get3A_339 = arith.index_cast %add3A_338 : i32 to index
      %get3A_340 = arith.constant 48 : index
      %get3A_341 = tpu.vector_load %arg6[%get3A_339, %get3A_340] {strides = array<i32>} : memref<400x64xf32, #tpu.memory_space<vmem>>, vector<1x16xf32>,
      %get3A_342 = vector.shape_cast %get3A_341 : vector<1x16xf32> to vector<16xf32>
      %add3A_343 = arith.addf %add3A_313, %get3A_342 : vector<16xf32>
      scf.yield %add3A_322, %add3A_329, %add3A_336, %add3A_343 : vector<16xf32>, vector<16xf32>, vector<16xf32>, vector<16xf32>
    }
    %scan3A_75 = arith.constant 200 : i32
    %swap3A_76 = arith.constant 127 : i32
    %swap3A_77 = arith.index_cast %swap3A_76 : i32 to index
    %swap3A_78 = arith.constant 0 : index
    %swap3A_79 = tpu.vector_load %arg9[%swap3A_77, %swap3A_78] {strides = array<i32>} : memref<128x64xf32, #tpu.memory_space<vmem>>, vector<1x16xf32>,
    %swap3A_80 = vector.shape_cast %swap3A_79 : vector<1x16xf32> to vector<16xf32>
    %swap3A_81 = vector.shape_cast %scan3A_74#0 : vector<16xf32> to vector<1x16xf32>
    tpu.vector_store %arg9[%swap3A_77, %swap3A_78], %swap3A_81 {strides = array<i32>} : memref<128x64xf32, #tpu.memory_space<vmem>>, vector<1x16xf32>,
    %swap3A_82 = arith.constant 127 : i32
    %swap3A_83 = arith.index_cast %swap3A_82 : i32 to index
    %swap3A_84 = arith.constant 16 : index
    %swap3A_85 = tpu.vector_load %arg9[%swap3A_83, %swap3A_84] {strides = array<i32>} : memref<128x64xf32, #tpu.memory_space<vmem>>, vector<1x16xf32>,
    %swap3A_86 = vector.shape_cast %swap3A_85 : vector<1x16xf32> to vector<16xf32>
    %swap3A_87 = vector.shape_cast %scan3A_74#1 : vector<16xf32> to vector<1x16xf32>
    tpu.vector_store %arg9[%swap3A_83, %swap3A_84], %swap3A_87 {strides = array<i32>} : memref<128x64xf32, #tpu.memory_space<vmem>>, vector<1x16xf32>,
    %swap3A_88 = arith.constant 127 : i32
    %swap3A_89 = arith.index_cast %swap3A_88 : i32 to index
    %swap3A_90 = arith.constant 32 : index
    %swap3A_91 = tpu.vector_load %arg9[%swap3A_89, %swap3A_90] {strides = array<i32>} : memref<128x64xf32, #tpu.memory_space<vmem>>, vector<1x16xf32>,
    %swap3A_92 = vector.shape_cast %swap3A_91 : vector<1x16xf32> to vector<16xf32>
    %swap3A_93 = vector.shape_cast %scan3A_74#2 : vector<16xf32> to vector<1x16xf32>
    tpu.vector_store %arg9[%swap3A_89, %swap3A_90], %swap3A_93 {strides = array<i32>} : memref<128x64xf32, #tpu.memory_space<vmem>>, vector<1x16xf32>,
    %swap3A_94 = arith.constant 127 : i32
    %swap3A_95 = arith.index_cast %swap3A_94 : i32 to index
    %swap3A_96 = arith.constant 48 : index
    %swap3A_97 = tpu.vector_load %arg9[%swap3A_95, %swap3A_96] {strides = array<i32>} : memref<128x64xf32, #tpu.memory_space<vmem>>, vector<1x16xf32>,
    %swap3A_98 = vector.shape_cast %swap3A_97 : vector<1x16xf32> to vector<16xf32>
    %swap3A_99 = vector.shape_cast %scan3A_74#3 : vector<16xf32> to vector<1x16xf32>
    tpu.vector_store %arg9[%swap3A_95, %swap3A_96], %swap3A_99 {strides = array<i32>} : memref<128x64xf32, #tpu.memory_space<vmem>>, vector<1x16xf32>,
    %mul3A_100 = arith.constant 128 : i32
    %mul3A_101 = arith.muli %add3A, %mul3A_100 : i32
    "tpu.region"() ({
      %run_scoped3A = tpu.sem_alloc : memref<!tpu.dma_semaphore, #tpu.memory_space<semaphore_mem>>
      %dma_start3A_102 = arith.constant 0 : i32
      %dma_start3A_103 = tpu.memref_slice %arg4[%mul3A_101, %dma_start3A_102] : memref<4096x64xf32, #tpu.memory_space<hbm>> -> memref<128x64xf32, #tpu.memory_space<hbm>>
      %dma_start3A_104 = arith.constant 0 : i32
      %dma_start3A_105 = tpu.memref_slice %arg4[%mul3A_101, %dma_start3A_104] : memref<4096x64xf32, #tpu.memory_space<hbm>> -> memref<128x64xf32, #tpu.memory_space<hbm>>
      tpu.enqueue_dma source(%arg9 : memref<128x64xf32, #tpu.memory_space<vmem>>) target(%dma_start3A_105 : memref<128x64xf32, #tpu.memory_space<hbm>>) target_semaphore(%run_scoped3A : memref<!tpu.dma_semaphore, #tpu.memory_space<semaphore_mem>>)
      %dma_wait3A_106 = arith.constant 0 : i32
      %dma_wait3A_107 = tpu.memref_slice %arg4[%mul3A_101, %dma_wait3A_106] : memref<4096x64xf32, #tpu.memory_space<hbm>> -> memref<128x64xf32, #tpu.memory_space<hbm>>
      %dma_wait3A_108 = arith.constant 0 : i32
      %dma_wait3A_109 = tpu.memref_slice %arg4[%mul3A_101, %dma_wait3A_108] : memref<4096x64xf32, #tpu.memory_space<hbm>> -> memref<128x64xf32, #tpu.memory_space<hbm>>
      tpu.wait_dma2 semaphore(%run_scoped3A : memref<!tpu.dma_semaphore, #tpu.memory_space<semaphore_mem>>) src(%arg9 : memref<128x64xf32, #tpu.memory_space<vmem>>) dst(%dma_wait3A_109 : memref<128x64xf32, #tpu.memory_space<hbm>>)
      tpu.yield
    }) : () -> ()
    return
  }
}

module attributes {stable_mosaic.version = 14 : i64} {
  func.func @body(%arg0: memref<4096x64xf32, #tpu.memory_space<vmem>>, %arg1: memref<4096x1xf32, #tpu.memory_space<vmem>>, %arg2: memref<64x8xf32, #tpu.memory_space<vmem>>, %arg3: memref<1x8xf32, #tpu.memory_space<vmem>>, %arg4: memref<4096x8xf32, #tpu.memory_space<vmem>>) attributes {dimension_semantics = [], scalar_prefetch = 0 : i64, scratch_operands = 0 : i64, tpu.core_type = #tpu.core_type<tc>} {
    %get3A = arith.constant 0 : index
    %get3A_0 = arith.constant 0 : index
    %get3A_1 = vector.load %arg0[%get3A, %get3A_0] : memref<4096x64xf32, #tpu.memory_space<vmem>>, vector<4096x64xf32>
    %get3A_2 = arith.constant 0 : index
    %get3A_3 = arith.constant 0 : index
    %get3A_4 = vector.load %arg1[%get3A_2, %get3A_3] : memref<4096x1xf32, #tpu.memory_space<vmem>>, vector<4096x1xf32>
    %div3A = vector.broadcast %get3A_4 : vector<4096x1xf32> to vector<4096x64xf32>
    %div3A_5 = arith.divf %get3A_1, %div3A : vector<4096x64xf32>
    %tanh3A = math.tanh %div3A_5 : vector<4096x64xf32>
    %get3A_6 = arith.constant 0 : index
    %get3A_7 = arith.constant 0 : index
    %get3A_8 = vector.load %arg2[%get3A_6, %get3A_7] : memref<64x8xf32, #tpu.memory_space<vmem>>, vector<64x8xf32>
    %dot_general3A = arith.constant dense<0.000000e+00> : vector<4096x8xf32>
    %dot_general3A_9 = tpu.matmul %tanh3A, %get3A_8, %dot_general3A {dimension_numbers = #tpu.dot_dimension_numbers<[1], [0], [0], [1], [0, 0, 1, 1], [], []>, transpose_lhs_hint = false} : vector<4096x64xf32>, vector<64x8xf32>, vector<4096x8xf32> -> vector<4096x8xf32>
    %get3A_10 = arith.constant 0 : index
    %get3A_11 = arith.constant 0 : index
    %get3A_12 = vector.load %arg3[%get3A_10, %get3A_11] : memref<1x8xf32, #tpu.memory_space<vmem>>, vector<1x8xf32>
    %add3A = vector.broadcast %get3A_12 : vector<1x8xf32> to vector<4096x8xf32>
    %add3A_13 = arith.addf %dot_general3A_9, %add3A : vector<4096x8xf32>
    %swap3A = arith.constant 0 : index
    %swap3A_14 = arith.constant 0 : index
    %swap3A_15 = vector.load %arg4[%swap3A, %swap3A_14] : memref<4096x8xf32, #tpu.memory_space<vmem>>, vector<4096x8xf32>
    tpu.vector_store %arg4[%swap3A, %swap3A_14], %add3A_13 {strides = array<i32>} : memref<4096x8xf32, #tpu.memory_space<vmem>>, vector<4096x8xf32>,
    return
  }
}

</mosaic_0001>

<sc_bundles>
// kernel: kernel.4.cloned.1.call-start
scs
__scs_entry_jumppad:
0x0: {  	(pc) =	sbr.rel $0x88, $3  }
0x1: {  	(tag) =	ssettag $0x0;
	lr =	simm.s32 $0x1  }
0x2: {  	[smem:$0x3F9C] =	sst lr;
	_ =	strace $0xD0000000  }
0x3: {  	_ = 	snop  }
0x4: {  	_ = 	snop  }
0x5: {  	_ = 	snop  }
0x6: {  	_ = 	snop  }
0x7: {  	_ = 	snop  }
__scs_overlays_trampoline_lowered:
0x8: {  	[smem:$0x3FAB] =	sst s0  }
0x9: {  	[smem:$0x3FAC] =	sst s1  }
0xa: {  	[smem:$0x3FAD] =	sst s2  }
0xb: {  	[smem:$0x3FAE] =	sst s3  }
0xc: {  	[smem:$0x3FAF] =	sst s4  }
0xd: {  	[smem:$0x3FB0] =	sst s5  }
0xe: {  	[smem:$0x3FB1] =	sst s6  }
0xf: {  	[smem:$0x3FB2] =	sst s7  }
0x10: {  	[smem:$0x3FB3] =	sst s8  }
0x11: {  	[smem:$0x3FB4] =	sst s9;
	s0 =	simm.s32 @!p0 $0x0  }
0x12: {  	s1 =	sld [smem:$0x3F9A];
	s0 =	simm.s32 @p0 $0x1  }
0x13: {  	[smem:$0x3FB5] =	sst s0;
	s0 =	simm.s32 @!p1 $0x0  }
0x14: {  	s2 =	sld [smem:$0x3F99];
	s0 =	simm.s32 @p1 $0x1  }
0x15: {  	[smem:$0x3FB6] =	sst s0;
	s0 =	simm.s32 @!p2 $0x0  }
0x16: {  	s3 =	sld [smem:$0x3FDB];
	s0 =	simm.s32 @p2 $0x1  }
0x17: {  	s4 =	simm.s32 $0x1BF5;
	[smem:$0x3FB8] =	sst s0  }
0x18: {  	s0 =	sld [smem:$0x3F9B];
	_ =	swait.ge [sflag:s4], $0x0  }
0x19: {  	s7 =	sld [smem:$0x3F9C]  }
0x1a: {  	s8 =	sadd.s32 $0xFFFFE003, lr  }
0x1b: {  	s9 =	sadd.s32 $0xFFFFFEF7, lr;
	s5 =	simm.s32 $0xFFFFFFFF;
	p2 =	slt.u32 s8, $0xFFFFF086  }
0x1c: {  	p1 =	slt.u32 s9, $0xF7A;
	s5 =	simm.s32 @!p2 $0x0  }
0x1d: {  	s5 =	simm.s32 @p1 $0x1;
	p0 =	seq.s32 s7, s2  }
0x1e: {  	s7 =	smul.u32 @!p0 $0xF7A, s2;
	p2 =	seq.s32 @!p0 s5, $0x0  }
0x1f: {  	s9 =	smul.u32 $0xF7A, s1;
	s8 =	simm.s32 @!p0 $0x1BF5;
	p2 =	por !p2, p0  }
0x20: {  	[sflag:s8] =	ssyncset.s32 @!p0 $0xFFFFF086;
	s6 =	sadd.s32 @!p0 s3, s7;
	s7 =	simm.s32 @!p0 $0x108  }
0x21: {  	s3 =	sadd.s32 s3, s9;
	s6 =	sadd.s32 @!p0 $0x88, s6;
	s7 =	simm.s32 @p2 $0x1082  }
0x22: {  	[simem:s7], [sflag:s8] =	dma.local @!p0 [hbm:s6], $0xF7A  }
0x23: {  	s9 =	sor.u32 $0xD0000000, s2;
	s6 =	simm.s32 $0x108;
	_ =	swait.ge @!p0 [sflag:s8], $0x0  }
0x24: {  	s3 =	sadd.s32 $0x88, s3;
	s6 =	simm.s32 @!p1 $0x1082;
	[sflag:s4] =	ssyncset.s32 $0xFFFFF086  }
0x25: {  	[simem:s6], [sflag:s4] =	dma.local [hbm:s3], $0xF7A  }
0x26: {  	[smem:$0x3F9C] =	sst s1;
	(tag) =	ssettag s2;
	_ =	strace s9  }
0x27: {  	s1 =	sld [smem:$0x3FAC]  }
0x28: {  	s2 =	sld [smem:$0x3FAD]  }
0x29: {  	s4 =	sld [smem:$0x3FAF]  }
0x2a: {  	p0 =	seq.s32 s5, $0x0;
	s5 =	sld [smem:$0x3FB0]  }
0x2b: {  	s6 =	sld [smem:$0x3FB1]  }
0x2c: {  	s7 =	sld [smem:$0x3FB2]  }
0x2d: {  	s3 =	simm.s32 $0x108;
	s8 =	sld [smem:$0x3FB3]  }
0x2e: {  	s3 =	simm.s32 @!p0 $0x1082;
	s9 =	sld [smem:$0x3FB4]  }
0x2f: {  	lr =	sadd.s32 s0, s3;
	s0 =	sld [smem:$0x3FAB]  }
0x30: {  	s3 =	sld [smem:$0x3FAE]  }
0x31: {  	[smem:$0x3FB7] =	sst s10  }
0x32: {  	s10 =	sld [smem:$0x3FB5];
	_ =	sdelay $0x3  }
0x33: {  	p0 =	seq.s32 s10, $0x1;
	s10 =	sld [smem:$0x3FB7];
	_ =	sdelay $0x3  }
0x34: {  	[smem:$0x3FB7] =	sst s10  }
0x35: {  	s10 =	sld [smem:$0x3FB6];
	_ =	sdelay $0x3  }
0x36: {  	p1 =	seq.s32 s10, $0x1;
	s10 =	sld [smem:$0x3FB7];
	_ =	sdelay $0x3  }
0x37: {  	[smem:$0x3FB7] =	sst s10  }
0x38: {  	s10 =	sld [smem:$0x3FB8]  }
0x39: {  	_ = 	snop;
	(pc) =	sbr.ind lr, $3  }
0x3a: {  	_ = 	snop  }
0x3b: {  	_ = 	snop  }
0x3c: {  	p2 =	seq.s32 s10, $0x1;
	s10 =	sld [smem:$0x3FB7]  }
0x3d: {  	_ =	shalt  }
0x3e: {  	_ =	shalt  }
0x3f: {  	_ =	shalt  }
0x40: {  	_ =	shalt  }
0x41: {  	_ =	shalt  }
0x42: {  	_ =	shalt  }
0x43: {  	_ =	shalt  }
0x44: {  	_ =	shalt  }
0x45: {  	_ =	shalt  }
0x46: {  	_ =	shalt  }
0x47: {  	_ =	shalt  }
0x48: {  	_ =	shalt  }
0x49: {  	_ =	shalt  }
0x4a: {  	_ =	shalt  }
0x4b: {  	_ =	shalt  }
0x4c: {  	_ =	shalt  }
0x4d: {  	_ =	shalt  }
0x4e: {  	_ =	shalt  }
0x4f: {  	_ =	shalt  }
0x50: {  	_ =	shalt  }
0x51: {  	_ =	shalt  }
0x52: {  	_ =	shalt  }
0x53: {  	_ =	shalt  }
0x54: {  	_ =	shalt  }
0x55: {  	_ =	shalt  }
0x56: {  	_ =	shalt  }
0x57: {  	_ =	shalt  }
0x58: {  	_ =	shalt  }
0x59: {  	_ =	shalt  }
0x5a: {  	_ =	shalt  }
0x5b: {  	_ =	shalt  }
0x5c: {  	_ =	shalt  }
0x5d: {  	_ =	shalt  }
0x5e: {  	_ =	shalt  }
0x5f: {  	_ =	shalt  }
0x60: {  	_ =	shalt  }
0x61: {  	_ =	shalt  }
0x62: {  	_ =	shalt  }
0x63: {  	_ =	shalt  }
0x64: {  	_ =	shalt  }
0x65: {  	_ =	shalt  }
0x66: {  	_ =	shalt  }
0x67: {  	_ =	shalt  }
0x68: {  	_ =	shalt  }
0x69: {  	_ =	shalt  }
0x6a: {  	_ =	shalt  }
0x6b: {  	_ =	shalt  }
0x6c: {  	_ =	shalt  }
0x6d: {  	_ =	shalt  }
0x6e: {  	_ =	shalt  }
0x6f: {  	_ =	shalt  }
0x70: {  	_ =	shalt  }
0x71: {  	_ =	shalt  }
0x72: {  	_ =	shalt  }
0x73: {  	_ =	shalt  }
0x74: {  	_ =	shalt  }
0x75: {  	_ =	shalt  }
0x76: {  	_ =	shalt  }
0x77: {  	_ =	shalt  }
0x78: {  	_ =	shalt  }
0x79: {  	_ =	shalt  }
0x7a: {  	_ =	shalt  }
0x7b: {  	_ =	shalt  }
0x7c: {  	_ =	shalt  }
0x7d: {  	_ =	shalt  }
0x7e: {  	_ =	shalt  }
0x7f: {  	_ =	shalt  }
0x80: {  	_ =	shalt  }
0x81: {  	_ =	shalt  }
0x82: {  	_ =	shalt  }
0x83: {  	_ =	shalt  }
0x84: {  	_ =	shalt  }
0x85: {  	_ =	shalt  }
0x86: {  	_ =	shalt  }
0x87: {  	_ =	shalt  }
.Lfunc_end0:
.L_simem_size_0:
called_computation_lowered:
.L_overlay_start_0:
0x88: {  	s2 =	sld [smem:$0x3FD9]  }
0x89: {  	s3 =	sld [smem:$0x3FFE];
	_ =	sdelay $0x1  }
0x8a: {  	s1 =	srdreg.scid  }
0x8b: {  	s0 =	sand.u32 $0x1, s1  }
0x8c: {  	s16 =	sshll.u32 s0, $0xA;
	s2 =	sadd.s32 s3, s2  }
0x8d: {  	s2 =	sadd.s32 s2, s16  }
0x8e: {  	[smem:$0x3FC3] =	sst s2  }
0x8f: {  	_ = 	snop  }
0x90: {  	(tm) =	ssettm $0x1  }
0x91: {  	s17 =	sld [smem:$0x3FFB];
	_ =	sdelay $0x3  }
0x92: {  	_ =	strace s17  }
0x93: {  	s2 =	sld [smem:$0x3FFC];
	_ =	sdelay $0x3  }
0x94: {  	_ =	strace s2  }
0x95: {  	s2 =	sld [smem:$0x3FFD];
	_ =	sdelay $0x3  }
0x96: {  	_ =	strace s2  }
0x97: {  	_ =	strace $0x8FFFFFFF  }
0x98: {  	s18 =	sld [smem:$0x3FDB];
	_ =	sdelay $0x1  }
0x99: {  	s19 =	simm.s32 $_scs_section_size  }
0x9a: {  	s4 =	simm.s32 $_size__tile_overlayer_lowered;
	s5 =	simm.s32 $_tile_overlayer_lowered  }
0x9b: {  	s22 =	simm.s32 $0x1BFF;
	s21 =	sshll.u32 s5, $0x1;
	s2 =	sadd.s32 s19, s18  }
0x9c: {  	s6 =	simm.s32 $0x0;
	s20 =	sshll.u32 s4, $0x1;
	s4 =	sadd.s32 s21, s2  }
0x9d: {  	[timem:s6], [sflag:s22] =	dma.local [hbm:s4], s20  }
0x9e: {  	_ =	swait.ge [sflag:s22], s20  }
0x9f: {  	s3 =	ssub.s32 $0x0, s20;
	[sflag:s22] =	ssyncset.done $0x0  }
0xa0: {  	[sflag:s22] =	ssyncadd.s32 s3;
	_ =	sdelay $0x1  }
0xa1: {  	s23 =	simm.s32 $0x1B8B  }
0xa2: {  	_ =	swait.ge [sflag:s23], $0x1  }
0xa3: {  	[sflag:s23] =	ssyncset.done $0x0  }
0xa4: {  	s25 =	simm.s32 $0x1B8E;
	s24 =	sld [smem:$0x3FFE];
	[sflag:s23] =	ssyncadd.s32 $0xFFFFFFFF  }
0xa5: {  	s26 =	simm.s32 $execute0_lowered;
	[smem:$0x3FD2] =	sst s25  }
0xa6: {  	s4 =	sshll.u32 s26, $0x1;
	_ =	strace $0x80000046;
	[dreg:$0x1] =	wrdreg $0xFFFFFFFF  }
0xa7: {  	s28 =	simm.s32 $_size_execute0_lowered;
	s2 =	sadd.s32 s2, s4;
	[dreg:$0x0] =	wrdreg $0x0  }
0xa8: {  	s4 =	sshll.u32 s28, $0x1;
	[dreg:$0x2] =	wrdreg s2  }
0xa9: {  	[dreg:$0x3] =	wrdreg s4  }
0xaa: {  	[dreg:$0x4] =	wrdreg $0xC0  }
0xab: {  	_ =	task [dreg:s6], $0x5FFFF  }
0xac: {  	[dreg:$0x1] =	wrdreg $0xFFFFFFFF  }
0xad: {  	[dreg:$0x0] =	wrdreg $0x60  }
0xae: {  	[dreg:$0x2] =	wrdreg s24  }
0xaf: {  	[dreg:$0x3] =	wrdreg $0x9  }
0xb0: {  	_ =	task.clear_ibuf [dreg:s6], $0x4FFFF;
	_ =	strace $0x90000046  }
0xb1: {  	s29 =	simm.s32 $0x9;
	_ =	strace $0x80000048  }
0xb2: {  	_ =	swait.ge [sflag:s29], $0x1  }
0xb3: {  	[sflag:s29] =	ssyncadd.s32 $0xFFFFFFFF  }
0xb4: {  	_ =	strace $0x90000048  }
0xb5: {  	_ =	sfence  }
0xb6: {  	s30 =	sld [smem:$0x0];
	_ =	sdelay $0x2  }
0xb7: {  	s31 =	sshll.u32 s1, $0xD;
	s1 =	sshrl.u32 s1, $0x2  }
0xb8: {  	s3 =	sand.u32 $0x4000, s31;
	s1 =	sadd.s32 s1, s30  }
0xb9: {  	s0 =	sor.u32 s3, s0;
	s1 =	sshll.u32 s1, $0x11  }
0xba: {  	s0 =	sor.u32 s1, s0  }
0xbb: {  	s0 =	sadd.s32 $0x8F2B, s0  }
0xbc: {  	[sflag:s0] =	ssyncadd.remote.s32 $0x1  }
0xbd: {  	_ =	sfence.sel $0xFFFF  }
0xbe: {  	[dreg:$0x0] =	wrdreg $0xFFFFFFFF;
	(pc) =	sbr.abs _section_cstart, $3  }
0xbf: {  	[dreg:$0x1] =	wrdreg $0xFFFFFFFF  }
0xc0: {  	_ =	task.clear_ibuf [dreg:s6], $0x2FFFF;
	_ =	strace $0x9FFFFFFF  }
0xc1: {  	(tm) =	ssettm $0x7FFFFFFF  }
tec
execute0_lowered:
.L_overlay_start_1:
0x0: {  	(tag) =	ssettag $0x1  }
0x1: {  	s1 =	srdreg.scid;
	s0 =	stileid.u32  }
0x2: {  	s4 =	rddreg [dreg:$0x0];
	s2 =	simm.s32 $0x0;
	s8 =	simm.s32 $0x190  }
0x3: {  	s9 =	simm.s32 $0x6400;
	s10 =	simm.s32 $0xC800;
	s11 =	simm.s32 $0x320  }
0x4: {  	s12 =	simm.s32 $0x12C00;
	s13 =	simm.s32 $0x1;
	s14 =	simm.s32 $0x2  }
0x5: {  	s15 =	simm.s32 $0x3;
	s16 =	simm.s32 $0x19000;
	s17 =	simm.s32 $0x0  }
0x6: {  	s3 =	sand.u32 $0x1, s1;
	s5 =	sshll.u32 s0, $0x1;
	[smem:$0x7FF] =	sst s2  }
0x7: {  	s1 =	rddreg [dreg:$0x1];
	s5 =	sor.u32 s3, s5;
	_ =	strace $0x80000047  }
0x8: {  	s7 =	ssub.s32 $0x2, s3;
	s6 =	smul.u32 $0xC80, s5;
	s5 =	sshll.u32 s5, $0xA  }
0x9: {  	s3 =	sadd.s32 $0x187200, s4;
	s31 =	sshrl.u32 s7, $0x1;
	s5 =	sadd.s32 s5, s4  }
0xa: {  	s7 =	ssub.s32 s7, s31;
	s6 =	sadd.s32 s6, s4;
	s5 =	sadd.s32 $0x19800, s5  }
0xb: {  	s4 =	sadd.s32 $0x800, s6;
	s6 =	smax.u32 s7, $0x1;
	s7 =	simm.s32 $0x4  }
.LBB2_1:
0xc: {  	[tilespmem:s2], [sflag:$0x4] =	stream.linear.gather [hbm4b:s4+s2], $0x6400, $0x38;
	[tilespmem:$0x1B000] =	vst v63  }
0xd: {  	_ =	swait.ge [sflag:s7], $0x6400  }
0xe: {  	[sflag:s7] =	ssyncset.done $0x0  }
0xf: {  	[sflag:s7] =	ssyncadd.s32 $0xFFFF9C00  }
0x10: {  	[tilespmem:s9], [sflag:$0x1] =	stream.indirect.gather [hbm4b:s3+s8], $0x40, s2, s8, $0xb8;
	[tilespmem:$0x1B000] =	vst v63  }
0x11: {  	_ = 	snop  }
0x12: {  	[tilespmem:s10], [sflag:$0x2] =	stream.indirect.gather [hbm4b:s3+s8], $0x40, s8, s8, $0xb8;
	[tilespmem:$0x1B000] =	vst v63  }
0x13: {  	s18 =	simm.s32 $0x0  }
0x14: {  	[tilespmem:s12], [sflag:$0x3] =	stream.indirect.gather [hbm4b:s3+s8], $0x40, s11, s8, $0xb8;
	[tilespmem:$0x1B000] =	vst v63  }
.LBB2_2:
0x15: {  	_ =	swait.ge [sflag:s13], $0x6400  }
0x16: {  	[sflag:s13] =	ssyncset.done $0x0  }
0x17: {  	s20 =	simm.s32 $0x6500;
	[sflag:s13] =	ssyncadd.s32 $0xFFFF9C00  }
0x18: {  	v0 =	vld [tilespmem:s20+$0xC0]  }
0x19: {  	v1 =	vld [tilespmem:s20+$0xD0]  }
0x1a: {  	v2 =	vld [tilespmem:s20+$0x80]  }
0x1b: {  	v3 =	vld [tilespmem:s20+$0x90]  }
0x1c: {  	v9 =	vld [tilespmem:s20+$0x40]  }
0x1d: {  	v12 =	vld [tilespmem:s20+$0x50]  }
0x1e: {  	v6 =	vld [tilespmem:s20+$0x0]  }
0x1f: {  	v8 =	vld [tilespmem:s20+$0x10]  }
0x20: {  	v5 =	vld [tilespmem:s20+$0xFFFFFFC0]  }
0x21: {  	v7 =	vld [tilespmem:s20+$0xFFFFFFD0]  }
0x22: {  	v4 =	vld [tilespmem:s20+$0xFFFFFF80]  }
0x23: {  	v10 =	vld [tilespmem:s20+$0xFFFFFF90]  }
0x24: {  	v11 =	vld [tilespmem:s20+$0xFFFFFF40]  }
0x25: {  	v13 =	vld [tilespmem:s20+$0xFFFFFF50]  }
0x26: {  	v14 =	vld [tilespmem:s20+$0xFFFFFF00]  }
0x27: {  	v15 =	vld [tilespmem:s20+$0xFFFFFF10]  }
0x28: {  	v16 =	vld [tilespmem:s20+$0xFFFFFF20]  }
0x29: {  	v17 =	vld [tilespmem:s20+$0xFFFFFF30]  }
0x2a: {  	v18 =	vld [tilespmem:s20+$0xFFFFFF60]  }
0x2b: {  	v19 =	vld [tilespmem:s20+$0xFFFFFF70]  }
0x2c: {  	v20 =	vimm.f32 $0.0e+00;
	v21 =	vld [tilespmem:s20+$0xFFFFFFA0]  }
0x2d: {  	v22 =	vld [tilespmem:s20+$0xFFFFFFB0];
	v14 =	vadd.f32 v14, v20;
	v15 =	vadd.f32 v15, v20  }
0x2e: {  	v59 =	vld [tilespmem:s20+$0xFFFFFFE0];
	v16 =	vadd.f32 v16, v20;
	v17 =	vadd.f32 v17, v20  }
0x2f: {  	v11 =	vadd.f32 v11, v14;
	v13 =	vadd.f32 v13, v15;
	v14 =	vld [tilespmem:s20+$0xFFFFFFF0]  }
0x30: {  	v61 =	vld [tilespmem:s20+$0x20];
	v15 =	vadd.f32 v18, v16;
	v60 =	vadd.f32 v19, v17  }
0x31: {  	v11 =	vadd.f32 v4, v11;
	v10 =	vadd.f32 v10, v13;
	v13 =	vld [tilespmem:s20+$0x30]  }
0x32: {  	v15 =	vadd.f32 v21, v15;
	v16 =	vadd.f32 v22, v60;
	v4 =	vld [tilespmem:s20+$0x60]  }
0x33: {  	v11 =	vadd.f32 v5, v11;
	v10 =	vadd.f32 v7, v10;
	v7 =	vld [tilespmem:s20+$0x70]  }
0x34: {  	v15 =	vadd.f32 v59, v15;
	v5 =	vld [tilespmem:s20+$0xA0];
	v14 =	vadd.f32 v14, v16  }
0x35: {  	v62 =	vadd.f32 v6, v11;
	v63 =	vadd.f32 v8, v10;
	v8 =	vld [tilespmem:s20+$0xB0]  }
0x36: {  	v11 =	vadd.f32 v61, v15;
	v6 =	vld [tilespmem:s20+$0xE0];
	v10 =	vadd.f32 v13, v14  }
0x37: {  	s19 =	simm.s32 $0x0;
	v13 =	vadd.f32 v9, v62;
	v12 =	vadd.f32 v12, v63;
	v9 =	vld [tilespmem:s20+$0xF0];
	s20 =	simm.s32 $0x6700  }
.LBB2_3:
0x38: {  	v14 =	vld [tilespmem:s20+$0xC0];
	v4 =	vadd.f32 v4, v11;
	v7 =	vadd.f32 v7, v10  }
0x39: {  	v10 =	vld [tilespmem:s20+$0xD0];
	v11 =	vadd.f32 v2, v13;
	v12 =	vadd.f32 v3, v12  }
0x3a: {  	v2 =	vld [tilespmem:s20+$0x80];
	v4 =	vadd.f32 v5, v4;
	v5 =	vadd.f32 v8, v7  }
0x3b: {  	v3 =	vld [tilespmem:s20+$0x90];
	v7 =	vadd.f32 v0, v11;
	v8 =	vadd.f32 v1, v12  }
0x3c: {  	v12 =	vld [tilespmem:s20+$0x40];
	v4 =	vadd.f32 v6, v4;
	v5 =	vadd.f32 v9, v5  }
0x3d: {  	v9 =	vld [tilespmem:s20+$0x50];
	v0 =	vmov v14  }
0x3e: {  	v6 =	vld [tilespmem:s20+$0x0];
	v1 =	vmov v10  }
0x3f: {  	v10 =	vld [tilespmem:s20+$0x10]  }
0x40: {  	v11 =	vld [tilespmem:s20+$0xFFFFFFC0]  }
0x41: {  	v13 =	vld [tilespmem:s20+$0xFFFFFFD0]  }
0x42: {  	v14 =	vld [tilespmem:s20+$0xFFFFFF80]  }
0x43: {  	v15 =	vld [tilespmem:s20+$0xFFFFFF90]  }
0x44: {  	v16 =	vld [tilespmem:s20+$0xFFFFFF40]  }
0x45: {  	v17 =	vld [tilespmem:s20+$0xFFFFFF50]  }
0x46: {  	v18 =	vld [tilespmem:s20+$0xFFFFFF00]  }
0x47: {  	v19 =	vld [tilespmem:s20+$0xFFFFFF10]  }
0x48: {  	v20 =	vld [tilespmem:s20+$0xFFFFFF20]  }
0x49: {  	s19 =	sadd.s32 $0x8, s19;
	v21 =	vld [tilespmem:s20+$0xFFFFFF30]  }
0x4a: {  	p0 =	slt.u32 s19, $0xC0;
	v22 =	vld [tilespmem:s20+$0xFFFFFF60]  }
0x4b: {  	v23 =	vld [tilespmem:s20+$0xFFFFFF70]  }
0x4c: {  	v24 =	vld [tilespmem:s20+$0xFFFFFFA0]  }
0x4d: {  	v7 =	vadd.f32 v18, v7;
	v8 =	vadd.f32 v19, v8;
	v18 =	vld [tilespmem:s20+$0xFFFFFFB0]  }
0x4e: {  	v4 =	vadd.f32 v20, v4;
	v5 =	vadd.f32 v21, v5;
	v19 =	vld [tilespmem:s20+$0xFFFFFFE0]  }
0x4f: {  	v7 =	vadd.f32 v16, v7;
	v8 =	vadd.f32 v17, v8;
	v16 =	vld [tilespmem:s20+$0xFFFFFFF0]  }
0x50: {  	v4 =	vadd.f32 v22, v4;
	v5 =	vadd.f32 v23, v5;
	v17 =	vld [tilespmem:s20+$0x20]  }
0x51: {  	v7 =	vadd.f32 v14, v7;
	v8 =	vadd.f32 v15, v8;
	v14 =	vld [tilespmem:s20+$0x30]  }
0x52: {  	v15 =	vadd.f32 v24, v4;
	v5 =	vadd.f32 v18, v5;
	v4 =	vld [tilespmem:s20+$0x60]  }
.Ltmp0:
0x53: {  	v11 =	vadd.f32 v11, v7;
	v8 =	vadd.f32 v13, v8;
	v7 =	vld [tilespmem:s20+$0x70];
	(pc) =	sbr.rel @p0 .LBB2_3-.Ltmp0, $4  }
0x54: {  	v13 =	vadd.f32 v19, v15;
	v15 =	vadd.f32 v16, v5;
	v5 =	vld [tilespmem:s20+$0xA0]  }
0x55: {  	v16 =	vadd.f32 v6, v11;
	v18 =	vadd.f32 v10, v8;
	v8 =	vld [tilespmem:s20+$0xB0]  }
0x56: {  	v11 =	vadd.f32 v17, v13;
	v10 =	vadd.f32 v14, v15;
	v6 =	vld [tilespmem:s20+$0xE0]  }
0x57: {  	v13 =	vadd.f32 v12, v16;
	v12 =	vadd.f32 v9, v18;
	v9 =	vld [tilespmem:s20+$0xF0];
	s20 =	sadd.s32 $0x200, s20  }
0x58: {  	_ = 	snop  }
0x59: {  	v4 =	vadd.f32 v4, v11;
	v2 =	vadd.f32 v2, v13  }
0x5a: {  	v7 =	vadd.f32 v7, v10;
	s19 =	smul.u32 $0x600, s18;
	v3 =	vadd.f32 v3, v12  }
0x5b: {  	v4 =	vadd.f32 v5, v4;
	v0 =	vadd.f32 v0, v2  }
0x5c: {  	s19 =	sshra.s32 s19, $0x2;
	v2 =	vadd.f32 v8, v7;
	v1 =	vadd.f32 v1, v3  }
0x5d: {  	v3 =	vadd.f32 v6, v4;
	[tilespmem:s19+$0x19000] =	vst v0  }
0x5e: {  	v0 =	vadd.f32 v9, v2;
	[tilespmem:s19+$0x19010] =	vst v1  }
0x5f: {  	[tilespmem:s19+$0x19020] =	vst v3  }
0x60: {  	s21 =	simm.s32 $0x97F0;
	[tilespmem:s19+$0x19030] =	vst v0  }
0x61: {  	v0 =	vld [tilespmem:s21+$0xFFFFFFD0]  }
0x62: {  	v1 =	vld [tilespmem:s21+$0xFFFFFFE0]  }
0x63: {  	v2 =	vld [tilespmem:s21+$0xFFFFFF90]  }
0x64: {  	v3 =	vld [tilespmem:s21+$0xFFFFFFA0]  }
0x65: {  	v9 =	vld [tilespmem:s21+$0xFFFFFF50]  }
0x66: {  	v12 =	vld [tilespmem:s21+$0xFFFFFF60]  }
0x67: {  	v7 =	vld [tilespmem:s21+$0xFFFFFF10]  }
0x68: {  	v8 =	vld [tilespmem:s21+$0xFFFFFF20]  }
0x69: {  	v5 =	vld [tilespmem:s21+$0xFFFFFED0]  }
0x6a: {  	v6 =	vld [tilespmem:s21+$0xFFFFFEE0]  }
0x6b: {  	v4 =	vld [tilespmem:s21+$0xFFFFFE90]  }
0x6c: {  	v10 =	vld [tilespmem:s21+$0xFFFFFEA0]  }
0x6d: {  	v11 =	vld [tilespmem:s21+$0xFFFFFE50]  }
0x6e: {  	v13 =	vld [tilespmem:s21+$0xFFFFFE60]  }
0x6f: {  	v14 =	vld [tilespmem:s21+$0xFFFFFE10]  }
0x70: {  	v15 =	vld [tilespmem:s21+$0xFFFFFE20]  }
0x71: {  	v16 =	vld [tilespmem:s21+$0xFFFFFE30]  }
0x72: {  	v17 =	vld [tilespmem:s21+$0xFFFFFE40]  }
0x73: {  	v18 =	vld [tilespmem:s21+$0xFFFFFE70]  }
0x74: {  	v19 =	vld [tilespmem:s21+$0xFFFFFE80]  }
0x75: {  	v20 =	vimm.f32 $0.0e+00;
	v21 =	vld [tilespmem:s21+$0xFFFFFEB0]  }
0x76: {  	v22 =	vld [tilespmem:s21+$0xFFFFFEC0];
	v14 =	vadd.f32 v14, v20;
	v15 =	vadd.f32 v15, v20  }
0x77: {  	v59 =	vld [tilespmem:s21+$0xFFFFFEF0];
	v16 =	vadd.f32 v16, v20;
	v17 =	vadd.f32 v17, v20  }
0x78: {  	v11 =	vadd.f32 v11, v14;
	v13 =	vadd.f32 v13, v15;
	v14 =	vld [tilespmem:s21+$0xFFFFFF00]  }
0x79: {  	v61 =	vld [tilespmem:s21+$0xFFFFFF30];
	v15 =	vadd.f32 v18, v16;
	v60 =	vadd.f32 v19, v17  }
0x7a: {  	v11 =	vadd.f32 v4, v11;
	v10 =	vadd.f32 v10, v13;
	v13 =	vld [tilespmem:s21+$0xFFFFFF40]  }
0x7b: {  	v15 =	vadd.f32 v21, v15;
	v16 =	vadd.f32 v22, v60;
	v4 =	vld [tilespmem:s21+$0xFFFFFF70]  }
0x7c: {  	v11 =	vadd.f32 v5, v11;
	v10 =	vadd.f32 v6, v10;
	v6 =	vld [tilespmem:s21+$0xFFFFFF80]  }
0x7d: {  	v15 =	vadd.f32 v59, v15;
	v5 =	vld [tilespmem:s21+$0xFFFFFFB0];
	v14 =	vadd.f32 v14, v16  }
0x7e: {  	v62 =	vadd.f32 v7, v11;
	v63 =	vadd.f32 v8, v10;
	v8 =	vld [tilespmem:s21+$0xFFFFFFC0]  }
0x7f: {  	v11 =	vadd.f32 v61, v15;
	v7 =	vld [tilespmem:s21+$0xFFFFFFF0];
	v10 =	vadd.f32 v13, v14  }
0x80: {  	s20 =	simm.s32 $0x0;
	v13 =	vadd.f32 v9, v62;
	v12 =	vadd.f32 v12, v63;
	v9 =	vld [tilespmem:s21+$0x0];
	s21 =	simm.s32 $0x99F0  }
.LBB2_5:
0x81: {  	v14 =	vld [tilespmem:s21+$0xFFFFFFD0];
	v4 =	vadd.f32 v4, v11;
	v6 =	vadd.f32 v6, v10  }
0x82: {  	v10 =	vld [tilespmem:s21+$0xFFFFFFE0];
	v11 =	vadd.f32 v2, v13;
	v12 =	vadd.f32 v3, v12  }
0x83: {  	v2 =	vld [tilespmem:s21+$0xFFFFFF90];
	v4 =	vadd.f32 v5, v4;
	v5 =	vadd.f32 v8, v6  }
0x84: {  	v3 =	vld [tilespmem:s21+$0xFFFFFFA0];
	v6 =	vadd.f32 v0, v11;
	v8 =	vadd.f32 v1, v12  }
0x85: {  	v12 =	vld [tilespmem:s21+$0xFFFFFF50];
	v4 =	vadd.f32 v7, v4;
	v5 =	vadd.f32 v9, v5  }
0x86: {  	v9 =	vld [tilespmem:s21+$0xFFFFFF60];
	v0 =	vmov v14  }
0x87: {  	v7 =	vld [tilespmem:s21+$0xFFFFFF10];
	v1 =	vmov v10  }
0x88: {  	v10 =	vld [tilespmem:s21+$0xFFFFFF20]  }
0x89: {  	v11 =	vld [tilespmem:s21+$0xFFFFFED0]  }
0x8a: {  	v13 =	vld [tilespmem:s21+$0xFFFFFEE0]  }
0x8b: {  	v14 =	vld [tilespmem:s21+$0xFFFFFE90]  }
0x8c: {  	v15 =	vld [tilespmem:s21+$0xFFFFFEA0]  }
0x8d: {  	v16 =	vld [tilespmem:s21+$0xFFFFFE50]  }
0x8e: {  	v17 =	vld [tilespmem:s21+$0xFFFFFE60]  }
0x8f: {  	v18 =	vld [tilespmem:s21+$0xFFFFFE10]  }
0x90: {  	v19 =	vld [tilespmem:s21+$0xFFFFFE20]  }
0x91: {  	v20 =	vld [tilespmem:s21+$0xFFFFFE30]  }
0x92: {  	s20 =	sadd.s32 $0x8, s20;
	v21 =	vld [tilespmem:s21+$0xFFFFFE40]  }
0x93: {  	p0 =	slt.u32 s20, $0xC0;
	v22 =	vld [tilespmem:s21+$0xFFFFFE70]  }
0x94: {  	v23 =	vld [tilespmem:s21+$0xFFFFFE80]  }
0x95: {  	v24 =	vld [tilespmem:s21+$0xFFFFFEB0]  }
0x96: {  	v6 =	vadd.f32 v18, v6;
	v8 =	vadd.f32 v19, v8;
	v18 =	vld [tilespmem:s21+$0xFFFFFEC0]  }
0x97: {  	v4 =	vadd.f32 v20, v4;
	v5 =	vadd.f32 v21, v5;
	v19 =	vld [tilespmem:s21+$0xFFFFFEF0]  }
0x98: {  	v6 =	vadd.f32 v16, v6;
	v8 =	vadd.f32 v17, v8;
	v16 =	vld [tilespmem:s21+$0xFFFFFF00]  }
0x99: {  	v4 =	vadd.f32 v22, v4;
	v5 =	vadd.f32 v23, v5;
	v17 =	vld [tilespmem:s21+$0xFFFFFF30]  }
0x9a: {  	v6 =	vadd.f32 v14, v6;
	v8 =	vadd.f32 v15, v8;
	v14 =	vld [tilespmem:s21+$0xFFFFFF40]  }
0x9b: {  	v15 =	vadd.f32 v24, v4;
	v5 =	vadd.f32 v18, v5;
	v4 =	vld [tilespmem:s21+$0xFFFFFF70]  }
.Ltmp1:
0x9c: {  	v11 =	vadd.f32 v11, v6;
	v8 =	vadd.f32 v13, v8;
	v6 =	vld [tilespmem:s21+$0xFFFFFF80];
	(pc) =	sbr.rel @p0 .LBB2_5-.Ltmp1, $4  }
0x9d: {  	v13 =	vadd.f32 v19, v15;
	v15 =	vadd.f32 v16, v5;
	v5 =	vld [tilespmem:s21+$0xFFFFFFB0]  }
0x9e: {  	v16 =	vadd.f32 v7, v11;
	v18 =	vadd.f32 v10, v8;
	v8 =	vld [tilespmem:s21+$0xFFFFFFC0]  }
0x9f: {  	v11 =	vadd.f32 v17, v13;
	v10 =	vadd.f32 v14, v15;
	v7 =	vld [tilespmem:s21+$0xFFFFFFF0]  }
0xa0: {  	v13 =	vadd.f32 v12, v16;
	v12 =	vadd.f32 v9, v18;
	v9 =	vld [tilespmem:s21+$0x0];
	s21 =	sadd.s32 $0x200, s21  }
0xa1: {  	_ = 	snop  }
0xa2: {  	v4 =	vadd.f32 v4, v11;
	v2 =	vadd.f32 v2, v13  }
0xa3: {  	v6 =	vadd.f32 v6, v10;
	v3 =	vadd.f32 v3, v12  }
0xa4: {  	v4 =	vadd.f32 v5, v4;
	v0 =	vadd.f32 v0, v2  }
0xa5: {  	v2 =	vadd.f32 v8, v6;
	v1 =	vadd.f32 v1, v3  }
0xa6: {  	s20 =	smul.u32 $0x12C0, s18;
	v3 =	vadd.f32 v7, v4;
	[tilespmem:s19+$0x19040] =	vst v0  }
0xa7: {  	v0 =	vadd.f32 v9, v2;
	[tilespmem:s19+$0x19050] =	vst v1  }
0xa8: {  	s20 =	sshra.s32 s20, $0x2;
	[tilespmem:s19+$0x19060] =	vst v3  }
0xa9: {  	s21 =	sadd.s32 $0x4B0, s20;
	[tilespmem:s19+$0x19070] =	vst v0  }
0xaa: {  	[tilespmem:s9], [sflag:$0x1] =	stream.indirect.gather [hbm4b:s3+s8], $0x40, s21, s8, $0xb8;
	[tilespmem:$0x1B000] =	vst v63  }
0xab: {  	_ =	swait.ge [sflag:s14], $0x6400  }
0xac: {  	[sflag:s14] =	ssyncset.done $0x0  }
0xad: {  	s22 =	simm.s32 $0xC900;
	[sflag:s14] =	ssyncadd.s32 $0xFFFF9C00  }
0xae: {  	v0 =	vld [tilespmem:s22+$0xC0]  }
0xaf: {  	v1 =	vld [tilespmem:s22+$0xD0]  }
0xb0: {  	v2 =	vld [tilespmem:s22+$0x80]  }
0xb1: {  	v3 =	vld [tilespmem:s22+$0x90]  }
0xb2: {  	v9 =	vld [tilespmem:s22+$0x40]  }
0xb3: {  	v12 =	vld [tilespmem:s22+$0x50]  }
0xb4: {  	v7 =	vld [tilespmem:s22+$0x0]  }
0xb5: {  	v8 =	vld [tilespmem:s22+$0x10]  }
0xb6: {  	v5 =	vld [tilespmem:s22+$0xFFFFFFC0]  }
0xb7: {  	v6 =	vld [tilespmem:s22+$0xFFFFFFD0]  }
0xb8: {  	v4 =	vld [tilespmem:s22+$0xFFFFFF80]  }
0xb9: {  	v10 =	vld [tilespmem:s22+$0xFFFFFF90]  }
0xba: {  	v11 =	vld [tilespmem:s22+$0xFFFFFF40]  }
0xbb: {  	v13 =	vld [tilespmem:s22+$0xFFFFFF50]  }
0xbc: {  	v14 =	vld [tilespmem:s22+$0xFFFFFF00]  }
0xbd: {  	v15 =	vld [tilespmem:s22+$0xFFFFFF10]  }
0xbe: {  	v16 =	vld [tilespmem:s22+$0xFFFFFF20]  }
0xbf: {  	v17 =	vld [tilespmem:s22+$0xFFFFFF30]  }
0xc0: {  	v18 =	vld [tilespmem:s22+$0xFFFFFF60]  }
0xc1: {  	v19 =	vld [tilespmem:s22+$0xFFFFFF70]  }
0xc2: {  	v20 =	vimm.f32 $0.0e+00;
	v21 =	vld [tilespmem:s22+$0xFFFFFFA0]  }
0xc3: {  	v22 =	vld [tilespmem:s22+$0xFFFFFFB0];
	v14 =	vadd.f32 v14, v20;
	v15 =	vadd.f32 v15, v20  }
0xc4: {  	v59 =	vld [tilespmem:s22+$0xFFFFFFE0];
	v16 =	vadd.f32 v16, v20;
	v17 =	vadd.f32 v17, v20  }
0xc5: {  	v11 =	vadd.f32 v11, v14;
	v13 =	vadd.f32 v13, v15;
	v14 =	vld [tilespmem:s22+$0xFFFFFFF0]  }
0xc6: {  	v61 =	vld [tilespmem:s22+$0x20];
	v15 =	vadd.f32 v18, v16;
	v60 =	vadd.f32 v19, v17  }
0xc7: {  	v11 =	vadd.f32 v4, v11;
	v10 =	vadd.f32 v10, v13;
	v13 =	vld [tilespmem:s22+$0x30]  }
0xc8: {  	v15 =	vadd.f32 v21, v15;
	v16 =	vadd.f32 v22, v60;
	v4 =	vld [tilespmem:s22+$0x60]  }
0xc9: {  	v11 =	vadd.f32 v5, v11;
	v10 =	vadd.f32 v6, v10;
	v6 =	vld [tilespmem:s22+$0x70]  }
0xca: {  	v15 =	vadd.f32 v59, v15;
	v5 =	vld [tilespmem:s22+$0xA0];
	v14 =	vadd.f32 v14, v16  }
0xcb: {  	v62 =	vadd.f32 v7, v11;
	v63 =	vadd.f32 v8, v10;
	v8 =	vld [tilespmem:s22+$0xB0]  }
0xcc: {  	v11 =	vadd.f32 v61, v15;
	v7 =	vld [tilespmem:s22+$0xE0];
	v10 =	vadd.f32 v13, v14  }
0xcd: {  	s21 =	simm.s32 $0x0;
	v13 =	vadd.f32 v9, v62;
	v12 =	vadd.f32 v12, v63;
	v9 =	vld [tilespmem:s22+$0xF0];
	s22 =	simm.s32 $0xCB00  }
.LBB2_7:
0xce: {  	v14 =	vld [tilespmem:s22+$0xC0];
	v4 =	vadd.f32 v4, v11;
	v6 =	vadd.f32 v6, v10  }
0xcf: {  	v10 =	vld [tilespmem:s22+$0xD0];
	v11 =	vadd.f32 v2, v13;
	v12 =	vadd.f32 v3, v12  }
0xd0: {  	v2 =	vld [tilespmem:s22+$0x80];
	v4 =	vadd.f32 v5, v4;
	v5 =	vadd.f32 v8, v6  }
0xd1: {  	v3 =	vld [tilespmem:s22+$0x90];
	v6 =	vadd.f32 v0, v11;
	v8 =	vadd.f32 v1, v12  }
0xd2: {  	v12 =	vld [tilespmem:s22+$0x40];
	v4 =	vadd.f32 v7, v4;
	v5 =	vadd.f32 v9, v5  }
0xd3: {  	v9 =	vld [tilespmem:s22+$0x50];
	v0 =	vmov v14  }
0xd4: {  	v7 =	vld [tilespmem:s22+$0x0];
	v1 =	vmov v10  }
0xd5: {  	v10 =	vld [tilespmem:s22+$0x10]  }
0xd6: {  	v11 =	vld [tilespmem:s22+$0xFFFFFFC0]  }
0xd7: {  	v13 =	vld [tilespmem:s22+$0xFFFFFFD0]  }
0xd8: {  	v14 =	vld [tilespmem:s22+$0xFFFFFF80]  }
0xd9: {  	v15 =	vld [tilespmem:s22+$0xFFFFFF90]  }
0xda: {  	v16 =	vld [tilespmem:s22+$0xFFFFFF40]  }
0xdb: {  	v17 =	vld [tilespmem:s22+$0xFFFFFF50]  }
0xdc: {  	v18 =	vld [tilespmem:s22+$0xFFFFFF00]  }
0xdd: {  	v19 =	vld [tilespmem:s22+$0xFFFFFF10]  }
0xde: {  	v20 =	vld [tilespmem:s22+$0xFFFFFF20]  }
0xdf: {  	s21 =	sadd.s32 $0x8, s21;
	v21 =	vld [tilespmem:s22+$0xFFFFFF30]  }
0xe0: {  	p0 =	slt.u32 s21, $0xC0;
	v22 =	vld [tilespmem:s22+$0xFFFFFF60]  }
0xe1: {  	v23 =	vld [tilespmem:s22+$0xFFFFFF70]  }
0xe2: {  	v24 =	vld [tilespmem:s22+$0xFFFFFFA0]  }
0xe3: {  	v6 =	vadd.f32 v18, v6;
	v8 =	vadd.f32 v19, v8;
	v18 =	vld [tilespmem:s22+$0xFFFFFFB0]  }
0xe4: {  	v4 =	vadd.f32 v20, v4;
	v5 =	vadd.f32 v21, v5;
	v19 =	vld [tilespmem:s22+$0xFFFFFFE0]  }
0xe5: {  	v6 =	vadd.f32 v16, v6;
	v8 =	vadd.f32 v17, v8;
	v16 =	vld [tilespmem:s22+$0xFFFFFFF0]  }
0xe6: {  	v4 =	vadd.f32 v22, v4;
	v5 =	vadd.f32 v23, v5;
	v17 =	vld [tilespmem:s22+$0x20]  }
0xe7: {  	v6 =	vadd.f32 v14, v6;
	v8 =	vadd.f32 v15, v8;
	v14 =	vld [tilespmem:s22+$0x30]  }
0xe8: {  	v15 =	vadd.f32 v24, v4;
	v5 =	vadd.f32 v18, v5;
	v4 =	vld [tilespmem:s22+$0x60]  }
.Ltmp2:
0xe9: {  	v11 =	vadd.f32 v11, v6;
	v8 =	vadd.f32 v13, v8;
	v6 =	vld [tilespmem:s22+$0x70];
	(pc) =	sbr.rel @p0 .LBB2_7-.Ltmp2, $4  }
0xea: {  	v13 =	vadd.f32 v19, v15;
	v15 =	vadd.f32 v16, v5;
	v5 =	vld [tilespmem:s22+$0xA0]  }
0xeb: {  	v16 =	vadd.f32 v7, v11;
	v18 =	vadd.f32 v10, v8;
	v8 =	vld [tilespmem:s22+$0xB0]  }
0xec: {  	v11 =	vadd.f32 v17, v13;
	v10 =	vadd.f32 v14, v15;
	v7 =	vld [tilespmem:s22+$0xE0]  }
0xed: {  	v13 =	vadd.f32 v12, v16;
	v12 =	vadd.f32 v9, v18;
	v9 =	vld [tilespmem:s22+$0xF0];
	s22 =	sadd.s32 $0x200, s22  }
0xee: {  	_ = 	snop  }
0xef: {  	v4 =	vadd.f32 v4, v11;
	v2 =	vadd.f32 v2, v13  }
0xf0: {  	v6 =	vadd.f32 v6, v10;
	v3 =	vadd.f32 v3, v12  }
0xf1: {  	v4 =	vadd.f32 v5, v4;
	v0 =	vadd.f32 v0, v2  }
0xf2: {  	v2 =	vadd.f32 v8, v6;
	v1 =	vadd.f32 v1, v3  }
0xf3: {  	v3 =	vadd.f32 v7, v4;
	[tilespmem:s19+$0x19080] =	vst v0  }
0xf4: {  	v0 =	vadd.f32 v9, v2;
	[tilespmem:s19+$0x19090] =	vst v1  }
0xf5: {  	[tilespmem:s19+$0x190A0] =	vst v3  }
0xf6: {  	s22 =	simm.s32 $0xFBF0;
	[tilespmem:s19+$0x190B0] =	vst v0  }
0xf7: {  	v0 =	vld [tilespmem:s22+$0xFFFFFFD0]  }
0xf8: {  	v1 =	vld [tilespmem:s22+$0xFFFFFFE0]  }
0xf9: {  	v2 =	vld [tilespmem:s22+$0xFFFFFF90]  }
0xfa: {  	v3 =	vld [tilespmem:s22+$0xFFFFFFA0]  }
0xfb: {  	v9 =	vld [tilespmem:s22+$0xFFFFFF50]  }
0xfc: {  	v12 =	vld [tilespmem:s22+$0xFFFFFF60]  }
0xfd: {  	v7 =	vld [tilespmem:s22+$0xFFFFFF10]  }
0xfe: {  	v8 =	vld [tilespmem:s22+$0xFFFFFF20]  }
0xff: {  	v5 =	vld [tilespmem:s22+$0xFFFFFED0]  }
0x100: {  	v6 =	vld [tilespmem:s22+$0xFFFFFEE0]  }
0x101: {  	v4 =	vld [tilespmem:s22+$0xFFFFFE90]  }
0x102: {  	v10 =	vld [tilespmem:s22+$0xFFFFFEA0]  }
0x103: {  	v11 =	vld [tilespmem:s22+$0xFFFFFE50]  }
0x104: {  	v13 =	vld [tilespmem:s22+$0xFFFFFE60]  }
0x105: {  	v14 =	vld [tilespmem:s22+$0xFFFFFE10]  }
0x106: {  	v15 =	vld [tilespmem:s22+$0xFFFFFE20]  }
0x107: {  	v16 =	vld [tilespmem:s22+$0xFFFFFE30]  }
0x108: {  	v17 =	vld [tilespmem:s22+$0xFFFFFE40]  }
0x109: {  	v18 =	vld [tilespmem:s22+$0xFFFFFE70]  }
0x10a: {  	v19 =	vld [tilespmem:s22+$0xFFFFFE80]  }
0x10b: {  	v20 =	vimm.f32 $0.0e+00;
	v21 =	vld [tilespmem:s22+$0xFFFFFEB0]  }
0x10c: {  	v22 =	vld [tilespmem:s22+$0xFFFFFEC0];
	v14 =	vadd.f32 v14, v20;
	v15 =	vadd.f32 v15, v20  }
0x10d: {  	v59 =	vld [tilespmem:s22+$0xFFFFFEF0];
	v16 =	vadd.f32 v16, v20;
	v17 =	vadd.f32 v17, v20  }
0x10e: {  	v11 =	vadd.f32 v11, v14;
	v13 =	vadd.f32 v13, v15;
	v14 =	vld [tilespmem:s22+$0xFFFFFF00]  }
0x10f: {  	v61 =	vld [tilespmem:s22+$0xFFFFFF30];
	v15 =	vadd.f32 v18, v16;
	v60 =	vadd.f32 v19, v17  }
0x110: {  	v11 =	vadd.f32 v4, v11;
	v10 =	vadd.f32 v10, v13;
	v13 =	vld [tilespmem:s22+$0xFFFFFF40]  }
0x111: {  	v15 =	vadd.f32 v21, v15;
	v16 =	vadd.f32 v22, v60;
	v4 =	vld [tilespmem:s22+$0xFFFFFF70]  }
0x112: {  	v11 =	vadd.f32 v5, v11;
	v10 =	vadd.f32 v6, v10;
	v6 =	vld [tilespmem:s22+$0xFFFFFF80]  }
0x113: {  	v15 =	vadd.f32 v59, v15;
	v5 =	vld [tilespmem:s22+$0xFFFFFFB0];
	v14 =	vadd.f32 v14, v16  }
0x114: {  	v62 =	vadd.f32 v7, v11;
	v63 =	vadd.f32 v8, v10;
	v8 =	vld [tilespmem:s22+$0xFFFFFFC0]  }
0x115: {  	v11 =	vadd.f32 v61, v15;
	v7 =	vld [tilespmem:s22+$0xFFFFFFF0];
	v10 =	vadd.f32 v13, v14  }
0x116: {  	s21 =	simm.s32 $0x0;
	v13 =	vadd.f32 v9, v62;
	v12 =	vadd.f32 v12, v63;
	v9 =	vld [tilespmem:s22+$0x0];
	s22 =	simm.s32 $0xFDF0  }
.LBB2_9:
0x117: {  	v14 =	vld [tilespmem:s22+$0xFFFFFFD0];
	v4 =	vadd.f32 v4, v11;
	v6 =	vadd.f32 v6, v10  }
0x118: {  	v10 =	vld [tilespmem:s22+$0xFFFFFFE0];
	v11 =	vadd.f32 v2, v13;
	v12 =	vadd.f32 v3, v12  }
0x119: {  	v2 =	vld [tilespmem:s22+$0xFFFFFF90];
	v4 =	vadd.f32 v5, v4;
	v5 =	vadd.f32 v8, v6  }
0x11a: {  	v3 =	vld [tilespmem:s22+$0xFFFFFFA0];
	v6 =	vadd.f32 v0, v11;
	v8 =	vadd.f32 v1, v12  }
0x11b: {  	v12 =	vld [tilespmem:s22+$0xFFFFFF50];
	v4 =	vadd.f32 v7, v4;
	v5 =	vadd.f32 v9, v5  }
0x11c: {  	v9 =	vld [tilespmem:s22+$0xFFFFFF60];
	v0 =	vmov v14  }
0x11d: {  	v7 =	vld [tilespmem:s22+$0xFFFFFF10];
	v1 =	vmov v10  }
0x11e: {  	v10 =	vld [tilespmem:s22+$0xFFFFFF20]  }
0x11f: {  	v11 =	vld [tilespmem:s22+$0xFFFFFED0]  }
0x120: {  	v13 =	vld [tilespmem:s22+$0xFFFFFEE0]  }
0x121: {  	v14 =	vld [tilespmem:s22+$0xFFFFFE90]  }
0x122: {  	v15 =	vld [tilespmem:s22+$0xFFFFFEA0]  }
0x123: {  	v16 =	vld [tilespmem:s22+$0xFFFFFE50]  }
0x124: {  	v17 =	vld [tilespmem:s22+$0xFFFFFE60]  }
0x125: {  	v18 =	vld [tilespmem:s22+$0xFFFFFE10]  }
0x126: {  	v19 =	vld [tilespmem:s22+$0xFFFFFE20]  }
0x127: {  	v20 =	vld [tilespmem:s22+$0xFFFFFE30]  }
0x128: {  	s21 =	sadd.s32 $0x8, s21;
	v21 =	vld [tilespmem:s22+$0xFFFFFE40]  }
0x129: {  	p0 =	slt.u32 s21, $0xC0;
	v22 =	vld [tilespmem:s22+$0xFFFFFE70]  }
0x12a: {  	v23 =	vld [tilespmem:s22+$0xFFFFFE80]  }
0x12b: {  	v24 =	vld [tilespmem:s22+$0xFFFFFEB0]  }
0x12c: {  	v6 =	vadd.f32 v18, v6;
	v8 =	vadd.f32 v19, v8;
	v18 =	vld [tilespmem:s22+$0xFFFFFEC0]  }
0x12d: {  	v4 =	vadd.f32 v20, v4;
	v5 =	vadd.f32 v21, v5;
	v19 =	vld [tilespmem:s22+$0xFFFFFEF0]  }
0x12e: {  	v6 =	vadd.f32 v16, v6;
	v8 =	vadd.f32 v17, v8;
	v16 =	vld [tilespmem:s22+$0xFFFFFF00]  }
0x12f: {  	v4 =	vadd.f32 v22, v4;
	v5 =	vadd.f32 v23, v5;
	v17 =	vld [tilespmem:s22+$0xFFFFFF30]  }
0x130: {  	v6 =	vadd.f32 v14, v6;
	v8 =	vadd.f32 v15, v8;
	v14 =	vld [tilespmem:s22+$0xFFFFFF40]  }
0x131: {  	v15 =	vadd.f32 v24, v4;
	v5 =	vadd.f32 v18, v5;
	v4 =	vld [tilespmem:s22+$0xFFFFFF70]  }
.Ltmp3:
0x132: {  	v11 =	vadd.f32 v11, v6;
	v8 =	vadd.f32 v13, v8;
	v6 =	vld [tilespmem:s22+$0xFFFFFF80];
	(pc) =	sbr.rel @p0 .LBB2_9-.Ltmp3, $4  }
0x133: {  	v13 =	vadd.f32 v19, v15;
	v15 =	vadd.f32 v16, v5;
	v5 =	vld [tilespmem:s22+$0xFFFFFFB0]  }
0x134: {  	v16 =	vadd.f32 v7, v11;
	v18 =	vadd.f32 v10, v8;
	v8 =	vld [tilespmem:s22+$0xFFFFFFC0]  }
0x135: {  	v11 =	vadd.f32 v17, v13;
	v10 =	vadd.f32 v14, v15;
	v7 =	vld [tilespmem:s22+$0xFFFFFFF0]  }
0x136: {  	v13 =	vadd.f32 v12, v16;
	v12 =	vadd.f32 v9, v18;
	v9 =	vld [tilespmem:s22+$0x0];
	s22 =	sadd.s32 $0x200, s22  }
0x137: {  	_ = 	snop  }
0x138: {  	v4 =	vadd.f32 v4, v11;
	v2 =	vadd.f32 v2, v13  }
0x139: {  	v6 =	vadd.f32 v6, v10;
	v3 =	vadd.f32 v3, v12  }
0x13a: {  	v4 =	vadd.f32 v5, v4;
	v0 =	vadd.f32 v0, v2  }
0x13b: {  	v2 =	vadd.f32 v8, v6;
	v1 =	vadd.f32 v1, v3  }
0x13c: {  	v3 =	vadd.f32 v7, v4;
	[tilespmem:s19+$0x190C0] =	vst v0  }
0x13d: {  	v0 =	vadd.f32 v9, v2;
	[tilespmem:s19+$0x190D0] =	vst v1  }
0x13e: {  	p0 =	seq.s32 s18, $0x14;
	[tilespmem:s19+$0x190E0] =	vst v3  }
0x13f: {  	s21 =	sadd.s32 @!p0 $0x640, s20;
	s22 =	simm.s32 @!p0 $0x190;
	s23 =	simm.s32 @!p0 $0xC800;
	[tilespmem:s19+$0x190F0] =	vst v0  }
0x140: {  	[tilespmem:s23], [sflag:$0x2] =	stream.indirect.gather @!p0 [hbm4b:s3+s22], $0x40, s21, s22, $0xb8;
	[tilespmem:$0x1B000] =	vst v63  }
0x141: {  	_ =	swait.ge [sflag:s15], $0x6400  }
0x142: {  	[sflag:s15] =	ssyncset.done $0x0  }
0x143: {  	s31 =	simm.s32 $0x12D00;
	[sflag:s15] =	ssyncadd.s32 $0xFFFF9C00  }
0x144: {  	v0 =	vld [tilespmem:s31+$0xC0]  }
0x145: {  	v1 =	vld [tilespmem:s31+$0xD0]  }
0x146: {  	v2 =	vld [tilespmem:s31+$0x80]  }
0x147: {  	v3 =	vld [tilespmem:s31+$0x90]  }
0x148: {  	v9 =	vld [tilespmem:s31+$0x40]  }
0x149: {  	v12 =	vld [tilespmem:s31+$0x50]  }
0x14a: {  	v7 =	vld [tilespmem:s31+$0x0]  }
0x14b: {  	v8 =	vld [tilespmem:s31+$0x10]  }
0x14c: {  	v5 =	vld [tilespmem:s31+$0xFFFFFFC0]  }
0x14d: {  	v6 =	vld [tilespmem:s31+$0xFFFFFFD0]  }
0x14e: {  	v4 =	vld [tilespmem:s31+$0xFFFFFF80]  }
0x14f: {  	v10 =	vld [tilespmem:s31+$0xFFFFFF90]  }
0x150: {  	v11 =	vld [tilespmem:s31+$0xFFFFFF40]  }
0x151: {  	v13 =	vld [tilespmem:s31+$0xFFFFFF50]  }
0x152: {  	v14 =	vld [tilespmem:s31+$0xFFFFFF00]  }
0x153: {  	v15 =	vld [tilespmem:s31+$0xFFFFFF10]  }
0x154: {  	v16 =	vld [tilespmem:s31+$0xFFFFFF20]  }
0x155: {  	v17 =	vld [tilespmem:s31+$0xFFFFFF30]  }
0x156: {  	v18 =	vld [tilespmem:s31+$0xFFFFFF60]  }
0x157: {  	v19 =	vld [tilespmem:s31+$0xFFFFFF70]  }
0x158: {  	v20 =	vimm.f32 $0.0e+00;
	v21 =	vld [tilespmem:s31+$0xFFFFFFA0]  }
0x159: {  	v22 =	vld [tilespmem:s31+$0xFFFFFFB0];
	v14 =	vadd.f32 v14, v20;
	v15 =	vadd.f32 v15, v20  }
0x15a: {  	v59 =	vld [tilespmem:s31+$0xFFFFFFE0];
	v16 =	vadd.f32 v16, v20;
	v17 =	vadd.f32 v17, v20  }
0x15b: {  	v11 =	vadd.f32 v11, v14;
	v13 =	vadd.f32 v13, v15;
	v14 =	vld [tilespmem:s31+$0xFFFFFFF0]  }
0x15c: {  	v61 =	vld [tilespmem:s31+$0x20];
	v15 =	vadd.f32 v18, v16;
	v60 =	vadd.f32 v19, v17  }
0x15d: {  	v11 =	vadd.f32 v4, v11;
	v10 =	vadd.f32 v10, v13;
	v13 =	vld [tilespmem:s31+$0x30]  }
0x15e: {  	v15 =	vadd.f32 v21, v15;
	v16 =	vadd.f32 v22, v60;
	v4 =	vld [tilespmem:s31+$0x60]  }
0x15f: {  	v11 =	vadd.f32 v5, v11;
	v10 =	vadd.f32 v6, v10;
	v6 =	vld [tilespmem:s31+$0x70]  }
0x160: {  	v15 =	vadd.f32 v59, v15;
	v5 =	vld [tilespmem:s31+$0xA0];
	v14 =	vadd.f32 v14, v16  }
0x161: {  	v62 =	vadd.f32 v7, v11;
	v63 =	vadd.f32 v8, v10;
	v8 =	vld [tilespmem:s31+$0xB0]  }
0x162: {  	v11 =	vadd.f32 v61, v15;
	v7 =	vld [tilespmem:s31+$0xE0];
	v10 =	vadd.f32 v13, v14  }
0x163: {  	s21 =	simm.s32 $0x0;
	s22 =	simm.s32 $0x12F00;
	v13 =	vadd.f32 v9, v62;
	v12 =	vadd.f32 v12, v63;
	v9 =	vld [tilespmem:s31+$0xF0]  }
.LBB2_11:
0x164: {  	v14 =	vld [tilespmem:s22+$0xC0];
	v4 =	vadd.f32 v4, v11;
	v6 =	vadd.f32 v6, v10  }
0x165: {  	v10 =	vld [tilespmem:s22+$0xD0];
	v11 =	vadd.f32 v2, v13;
	v12 =	vadd.f32 v3, v12  }
0x166: {  	v2 =	vld [tilespmem:s22+$0x80];
	v4 =	vadd.f32 v5, v4;
	v5 =	vadd.f32 v8, v6  }
0x167: {  	v3 =	vld [tilespmem:s22+$0x90];
	v6 =	vadd.f32 v0, v11;
	v8 =	vadd.f32 v1, v12  }
0x168: {  	v12 =	vld [tilespmem:s22+$0x40];
	v4 =	vadd.f32 v7, v4;
	v5 =	vadd.f32 v9, v5  }
0x169: {  	v9 =	vld [tilespmem:s22+$0x50];
	v0 =	vmov v14  }
0x16a: {  	v7 =	vld [tilespmem:s22+$0x0];
	v1 =	vmov v10  }
0x16b: {  	v10 =	vld [tilespmem:s22+$0x10]  }
0x16c: {  	v11 =	vld [tilespmem:s22+$0xFFFFFFC0]  }
0x16d: {  	v13 =	vld [tilespmem:s22+$0xFFFFFFD0]  }
0x16e: {  	v14 =	vld [tilespmem:s22+$0xFFFFFF80]  }
0x16f: {  	v15 =	vld [tilespmem:s22+$0xFFFFFF90]  }
0x170: {  	v16 =	vld [tilespmem:s22+$0xFFFFFF40]  }
0x171: {  	v17 =	vld [tilespmem:s22+$0xFFFFFF50]  }
0x172: {  	v18 =	vld [tilespmem:s22+$0xFFFFFF00]  }
0x173: {  	v19 =	vld [tilespmem:s22+$0xFFFFFF10]  }
0x174: {  	v20 =	vld [tilespmem:s22+$0xFFFFFF20]  }
0x175: {  	s21 =	sadd.s32 $0x8, s21;
	v21 =	vld [tilespmem:s22+$0xFFFFFF30]  }
0x176: {  	p1 =	slt.u32 s21, $0xC0;
	v22 =	vld [tilespmem:s22+$0xFFFFFF60]  }
0x177: {  	v23 =	vld [tilespmem:s22+$0xFFFFFF70]  }
0x178: {  	v24 =	vld [tilespmem:s22+$0xFFFFFFA0]  }
0x179: {  	v6 =	vadd.f32 v18, v6;
	v8 =	vadd.f32 v19, v8;
	v18 =	vld [tilespmem:s22+$0xFFFFFFB0]  }
0x17a: {  	v4 =	vadd.f32 v20, v4;
	v5 =	vadd.f32 v21, v5;
	v19 =	vld [tilespmem:s22+$0xFFFFFFE0]  }
0x17b: {  	v6 =	vadd.f32 v16, v6;
	v8 =	vadd.f32 v17, v8;
	v16 =	vld [tilespmem:s22+$0xFFFFFFF0]  }
0x17c: {  	v4 =	vadd.f32 v22, v4;
	v5 =	vadd.f32 v23, v5;
	v17 =	vld [tilespmem:s22+$0x20]  }
0x17d: {  	v6 =	vadd.f32 v14, v6;
	v8 =	vadd.f32 v15, v8;
	v14 =	vld [tilespmem:s22+$0x30]  }
0x17e: {  	v15 =	vadd.f32 v24, v4;
	v5 =	vadd.f32 v18, v5;
	v4 =	vld [tilespmem:s22+$0x60]  }
.Ltmp4:
0x17f: {  	v11 =	vadd.f32 v11, v6;
	v8 =	vadd.f32 v13, v8;
	v6 =	vld [tilespmem:s22+$0x70];
	(pc) =	sbr.rel @p1 .LBB2_11-.Ltmp4, $4  }
0x180: {  	v13 =	vadd.f32 v19, v15;
	v15 =	vadd.f32 v16, v5;
	v5 =	vld [tilespmem:s22+$0xA0]  }
0x181: {  	v16 =	vadd.f32 v7, v11;
	v18 =	vadd.f32 v10, v8;
	v8 =	vld [tilespmem:s22+$0xB0]  }
0x182: {  	v11 =	vadd.f32 v17, v13;
	v10 =	vadd.f32 v14, v15;
	v7 =	vld [tilespmem:s22+$0xE0]  }
0x183: {  	v13 =	vadd.f32 v12, v16;
	v12 =	vadd.f32 v9, v18;
	v9 =	vld [tilespmem:s22+$0xF0];
	s22 =	sadd.s32 $0x200, s22  }
0x184: {  	_ = 	snop  }
0x185: {  	v4 =	vadd.f32 v4, v11;
	v2 =	vadd.f32 v2, v13  }
0x186: {  	v6 =	vadd.f32 v6, v10;
	v3 =	vadd.f32 v3, v12  }
0x187: {  	v4 =	vadd.f32 v5, v4;
	v0 =	vadd.f32 v0, v2  }
0x188: {  	v2 =	vadd.f32 v8, v6;
	v1 =	vadd.f32 v1, v3  }
0x189: {  	v3 =	vadd.f32 v7, v4;
	[tilespmem:s19+$0x19100] =	vst v0  }
0x18a: {  	v0 =	vadd.f32 v9, v2;
	[tilespmem:s19+$0x19110] =	vst v1  }
0x18b: {  	[tilespmem:s19+$0x19120] =	vst v3  }
0x18c: {  	s22 =	simm.s32 $0x15FF0;
	[tilespmem:s19+$0x19130] =	vst v0  }
0x18d: {  	v0 =	vld [tilespmem:s22+$0xFFFFFFD0]  }
0x18e: {  	v1 =	vld [tilespmem:s22+$0xFFFFFFE0]  }
0x18f: {  	v2 =	vld [tilespmem:s22+$0xFFFFFF90]  }
0x190: {  	v3 =	vld [tilespmem:s22+$0xFFFFFFA0]  }
0x191: {  	v9 =	vld [tilespmem:s22+$0xFFFFFF50]  }
0x192: {  	v12 =	vld [tilespmem:s22+$0xFFFFFF60]  }
0x193: {  	v7 =	vld [tilespmem:s22+$0xFFFFFF10]  }
0x194: {  	v8 =	vld [tilespmem:s22+$0xFFFFFF20]  }
0x195: {  	v5 =	vld [tilespmem:s22+$0xFFFFFED0]  }
0x196: {  	v6 =	vld [tilespmem:s22+$0xFFFFFEE0]  }
0x197: {  	v4 =	vld [tilespmem:s22+$0xFFFFFE90]  }
0x198: {  	v10 =	vld [tilespmem:s22+$0xFFFFFEA0]  }
0x199: {  	v11 =	vld [tilespmem:s22+$0xFFFFFE50]  }
0x19a: {  	v13 =	vld [tilespmem:s22+$0xFFFFFE60]  }
0x19b: {  	v14 =	vld [tilespmem:s22+$0xFFFFFE10]  }
0x19c: {  	v15 =	vld [tilespmem:s22+$0xFFFFFE20]  }
0x19d: {  	v16 =	vld [tilespmem:s22+$0xFFFFFE30]  }
0x19e: {  	v17 =	vld [tilespmem:s22+$0xFFFFFE40]  }
0x19f: {  	v18 =	vld [tilespmem:s22+$0xFFFFFE70]  }
0x1a0: {  	v19 =	vld [tilespmem:s22+$0xFFFFFE80]  }
0x1a1: {  	v20 =	vimm.f32 $0.0e+00;
	v21 =	vld [tilespmem:s22+$0xFFFFFEB0]  }
0x1a2: {  	v22 =	vld [tilespmem:s22+$0xFFFFFEC0];
	v14 =	vadd.f32 v14, v20;
	v15 =	vadd.f32 v15, v20  }
0x1a3: {  	v59 =	vld [tilespmem:s22+$0xFFFFFEF0];
	v16 =	vadd.f32 v16, v20;
	v17 =	vadd.f32 v17, v20  }
0x1a4: {  	v11 =	vadd.f32 v11, v14;
	v13 =	vadd.f32 v13, v15;
	v14 =	vld [tilespmem:s22+$0xFFFFFF00]  }
0x1a5: {  	v61 =	vld [tilespmem:s22+$0xFFFFFF30];
	v15 =	vadd.f32 v18, v16;
	v60 =	vadd.f32 v19, v17  }
0x1a6: {  	v11 =	vadd.f32 v4, v11;
	v10 =	vadd.f32 v10, v13;
	v13 =	vld [tilespmem:s22+$0xFFFFFF40]  }
0x1a7: {  	v15 =	vadd.f32 v21, v15;
	v16 =	vadd.f32 v22, v60;
	v4 =	vld [tilespmem:s22+$0xFFFFFF70]  }
0x1a8: {  	v11 =	vadd.f32 v5, v11;
	v10 =	vadd.f32 v6, v10;
	v6 =	vld [tilespmem:s22+$0xFFFFFF80]  }
0x1a9: {  	v15 =	vadd.f32 v59, v15;
	v5 =	vld [tilespmem:s22+$0xFFFFFFB0];
	v14 =	vadd.f32 v14, v16  }
0x1aa: {  	v62 =	vadd.f32 v7, v11;
	v63 =	vadd.f32 v8, v10;
	v8 =	vld [tilespmem:s22+$0xFFFFFFC0]  }
0x1ab: {  	v11 =	vadd.f32 v61, v15;
	v7 =	vld [tilespmem:s22+$0xFFFFFFF0];
	v10 =	vadd.f32 v13, v14  }
0x1ac: {  	s21 =	simm.s32 $0x0;
	v13 =	vadd.f32 v9, v62;
	v12 =	vadd.f32 v12, v63;
	v9 =	vld [tilespmem:s22+$0x0];
	s22 =	simm.s32 $0x161F0  }
.LBB2_13:
0x1ad: {  	v14 =	vld [tilespmem:s22+$0xFFFFFFD0];
	v4 =	vadd.f32 v4, v11;
	v6 =	vadd.f32 v6, v10  }
0x1ae: {  	v10 =	vld [tilespmem:s22+$0xFFFFFFE0];
	v11 =	vadd.f32 v2, v13;
	v12 =	vadd.f32 v3, v12  }
0x1af: {  	v2 =	vld [tilespmem:s22+$0xFFFFFF90];
	v4 =	vadd.f32 v5, v4;
	v5 =	vadd.f32 v8, v6  }
0x1b0: {  	v3 =	vld [tilespmem:s22+$0xFFFFFFA0];
	v6 =	vadd.f32 v0, v11;
	v8 =	vadd.f32 v1, v12  }
0x1b1: {  	v12 =	vld [tilespmem:s22+$0xFFFFFF50];
	v4 =	vadd.f32 v7, v4;
	v5 =	vadd.f32 v9, v5  }
0x1b2: {  	v9 =	vld [tilespmem:s22+$0xFFFFFF60];
	v0 =	vmov v14  }
0x1b3: {  	v7 =	vld [tilespmem:s22+$0xFFFFFF10];
	v1 =	vmov v10  }
0x1b4: {  	v10 =	vld [tilespmem:s22+$0xFFFFFF20]  }
0x1b5: {  	v11 =	vld [tilespmem:s22+$0xFFFFFED0]  }
0x1b6: {  	v13 =	vld [tilespmem:s22+$0xFFFFFEE0]  }
0x1b7: {  	v14 =	vld [tilespmem:s22+$0xFFFFFE90]  }
0x1b8: {  	v15 =	vld [tilespmem:s22+$0xFFFFFEA0]  }
0x1b9: {  	v16 =	vld [tilespmem:s22+$0xFFFFFE50]  }
0x1ba: {  	v17 =	vld [tilespmem:s22+$0xFFFFFE60]  }
0x1bb: {  	v18 =	vld [tilespmem:s22+$0xFFFFFE10]  }
0x1bc: {  	v19 =	vld [tilespmem:s22+$0xFFFFFE20]  }
0x1bd: {  	v20 =	vld [tilespmem:s22+$0xFFFFFE30]  }
0x1be: {  	s21 =	sadd.s32 $0x8, s21;
	v21 =	vld [tilespmem:s22+$0xFFFFFE40]  }
0x1bf: {  	p1 =	slt.u32 s21, $0xC0;
	v22 =	vld [tilespmem:s22+$0xFFFFFE70]  }
0x1c0: {  	v23 =	vld [tilespmem:s22+$0xFFFFFE80]  }
0x1c1: {  	v24 =	vld [tilespmem:s22+$0xFFFFFEB0]  }
0x1c2: {  	v6 =	vadd.f32 v18, v6;
	v8 =	vadd.f32 v19, v8;
	v18 =	vld [tilespmem:s22+$0xFFFFFEC0]  }
0x1c3: {  	v4 =	vadd.f32 v20, v4;
	v5 =	vadd.f32 v21, v5;
	v19 =	vld [tilespmem:s22+$0xFFFFFEF0]  }
0x1c4: {  	v6 =	vadd.f32 v16, v6;
	v8 =	vadd.f32 v17, v8;
	v16 =	vld [tilespmem:s22+$0xFFFFFF00]  }
0x1c5: {  	v4 =	vadd.f32 v22, v4;
	v5 =	vadd.f32 v23, v5;
	v17 =	vld [tilespmem:s22+$0xFFFFFF30]  }
0x1c6: {  	v6 =	vadd.f32 v14, v6;
	v8 =	vadd.f32 v15, v8;
	v14 =	vld [tilespmem:s22+$0xFFFFFF40]  }
0x1c7: {  	v15 =	vadd.f32 v24, v4;
	v5 =	vadd.f32 v18, v5;
	v4 =	vld [tilespmem:s22+$0xFFFFFF70]  }
.Ltmp5:
0x1c8: {  	v11 =	vadd.f32 v11, v6;
	v8 =	vadd.f32 v13, v8;
	v6 =	vld [tilespmem:s22+$0xFFFFFF80];
	(pc) =	sbr.rel @p1 .LBB2_13-.Ltmp5, $4  }
0x1c9: {  	v13 =	vadd.f32 v19, v15;
	v15 =	vadd.f32 v16, v5;
	v5 =	vld [tilespmem:s22+$0xFFFFFFB0]  }
0x1ca: {  	v16 =	vadd.f32 v7, v11;
	v18 =	vadd.f32 v10, v8;
	v8 =	vld [tilespmem:s22+$0xFFFFFFC0]  }
0x1cb: {  	v11 =	vadd.f32 v17, v13;
	v10 =	vadd.f32 v14, v15;
	v7 =	vld [tilespmem:s22+$0xFFFFFFF0]  }
0x1cc: {  	v13 =	vadd.f32 v12, v16;
	v12 =	vadd.f32 v9, v18;
	v9 =	vld [tilespmem:s22+$0x0];
	s22 =	sadd.s32 $0x200, s22  }
0x1cd: {  	_ = 	snop  }
0x1ce: {  	v4 =	vadd.f32 v4, v11;
	v2 =	vadd.f32 v2, v13  }
0x1cf: {  	v6 =	vadd.f32 v6, v10;
	v3 =	vadd.f32 v3, v12  }
0x1d0: {  	v4 =	vadd.f32 v5, v4;
	v0 =	vadd.f32 v0, v2  }
.Ltmp6:
0x1d1: {  	v61 =	vadd.f32 v8, v6;
	v1 =	vadd.f32 v1, v3;
	(pc) =	sbr.rel @p0 .LBB2_16-.Ltmp6, $4  }
0x1d2: {  	v62 =	vadd.f32 v7, v4;
	[tilespmem:s19+$0x19140] =	vst v0  }
0x1d3: {  	v63 =	vadd.f32 v9, v61;
	[tilespmem:s19+$0x19150] =	vst v1  }
0x1d4: {  	[tilespmem:s19+$0x19160] =	vst v62  }
0x1d5: {  	[tilespmem:s19+$0x19170] =	vst v63  }
.Ltmp7:
0x1d6: {  	(pc) =	sbr.rel .LBB2_2-.Ltmp7, $3  }
0x1d7: {  	_ =	sdelay $0x1  }
0x1d8: {  	s19 =	sadd.s32 $0x7D0, s20;
	s18 =	sadd.s32 $0x1, s18  }
0x1d9: {  	[tilespmem:s12], [sflag:$0x3] =	stream.indirect.gather [hbm4b:s3+s8], $0x40, s19, s8, $0xb8;
	[tilespmem:$0x1B000] =	vst v63  }
.LBB2_16:
0x1da: {  	_ =	swait.ge [sflag:s13], $0x6400  }
0x1db: {  	[sflag:s13] =	ssyncset.done $0x0  }
0x1dc: {  	s19 =	simm.s32 $0x6500;
	[sflag:s13] =	ssyncadd.s32 $0xFFFF9C00  }
0x1dd: {  	v0 =	vld [tilespmem:s19+$0xC0]  }
0x1de: {  	v1 =	vld [tilespmem:s19+$0xD0]  }
0x1df: {  	v2 =	vld [tilespmem:s19+$0x80]  }
0x1e0: {  	v3 =	vld [tilespmem:s19+$0x90]  }
0x1e1: {  	v9 =	vld [tilespmem:s19+$0x40]  }
0x1e2: {  	v12 =	vld [tilespmem:s19+$0x50]  }
0x1e3: {  	v7 =	vld [tilespmem:s19+$0x0]  }
0x1e4: {  	v8 =	vld [tilespmem:s19+$0x10]  }
0x1e5: {  	v5 =	vld [tilespmem:s19+$0xFFFFFFC0]  }
0x1e6: {  	v6 =	vld [tilespmem:s19+$0xFFFFFFD0]  }
0x1e7: {  	v4 =	vld [tilespmem:s19+$0xFFFFFF80]  }
0x1e8: {  	v10 =	vld [tilespmem:s19+$0xFFFFFF90]  }
0x1e9: {  	v11 =	vld [tilespmem:s19+$0xFFFFFF40]  }
0x1ea: {  	v13 =	vld [tilespmem:s19+$0xFFFFFF50]  }
0x1eb: {  	v14 =	vld [tilespmem:s19+$0xFFFFFF00]  }
0x1ec: {  	v15 =	vld [tilespmem:s19+$0xFFFFFF10]  }
0x1ed: {  	v16 =	vld [tilespmem:s19+$0xFFFFFF20]  }
0x1ee: {  	v17 =	vld [tilespmem:s19+$0xFFFFFF30]  }
0x1ef: {  	v18 =	vld [tilespmem:s19+$0xFFFFFF60]  }
0x1f0: {  	v19 =	vld [tilespmem:s19+$0xFFFFFF70]  }
0x1f1: {  	v20 =	vimm.f32 $0.0e+00;
	v21 =	vld [tilespmem:s19+$0xFFFFFFA0]  }
0x1f2: {  	v22 =	vld [tilespmem:s19+$0xFFFFFFB0];
	v14 =	vadd.f32 v14, v20;
	v15 =	vadd.f32 v15, v20  }
0x1f3: {  	v59 =	vld [tilespmem:s19+$0xFFFFFFE0];
	v16 =	vadd.f32 v16, v20;
	v17 =	vadd.f32 v17, v20  }
0x1f4: {  	v11 =	vadd.f32 v11, v14;
	v13 =	vadd.f32 v13, v15;
	v14 =	vld [tilespmem:s19+$0xFFFFFFF0]  }
0x1f5: {  	v61 =	vld [tilespmem:s19+$0x20];
	v15 =	vadd.f32 v18, v16;
	v60 =	vadd.f32 v19, v17  }
0x1f6: {  	v11 =	vadd.f32 v4, v11;
	v10 =	vadd.f32 v10, v13;
	v13 =	vld [tilespmem:s19+$0x30]  }
0x1f7: {  	v15 =	vadd.f32 v21, v15;
	v16 =	vadd.f32 v22, v60;
	v4 =	vld [tilespmem:s19+$0x60]  }
0x1f8: {  	v11 =	vadd.f32 v5, v11;
	v10 =	vadd.f32 v6, v10;
	v6 =	vld [tilespmem:s19+$0x70]  }
0x1f9: {  	v15 =	vadd.f32 v59, v15;
	v5 =	vld [tilespmem:s19+$0xA0];
	v14 =	vadd.f32 v14, v16  }
0x1fa: {  	v62 =	vadd.f32 v7, v11;
	v63 =	vadd.f32 v8, v10;
	v8 =	vld [tilespmem:s19+$0xB0]  }
0x1fb: {  	v11 =	vadd.f32 v61, v15;
	v7 =	vld [tilespmem:s19+$0xE0];
	v10 =	vadd.f32 v13, v14  }
0x1fc: {  	s18 =	simm.s32 $0x0;
	v13 =	vadd.f32 v9, v62;
	v12 =	vadd.f32 v12, v63;
	v9 =	vld [tilespmem:s19+$0xF0];
	s19 =	simm.s32 $0x6700  }
.LBB2_17:
0x1fd: {  	v14 =	vld [tilespmem:s19+$0xC0];
	v4 =	vadd.f32 v4, v11;
	v6 =	vadd.f32 v6, v10  }
0x1fe: {  	v10 =	vld [tilespmem:s19+$0xD0];
	v11 =	vadd.f32 v2, v13;
	v12 =	vadd.f32 v3, v12  }
0x1ff: {  	v2 =	vld [tilespmem:s19+$0x80];
	v4 =	vadd.f32 v5, v4;
	v5 =	vadd.f32 v8, v6  }
0x200: {  	v3 =	vld [tilespmem:s19+$0x90];
	v6 =	vadd.f32 v0, v11;
	v8 =	vadd.f32 v1, v12  }
0x201: {  	v12 =	vld [tilespmem:s19+$0x40];
	v4 =	vadd.f32 v7, v4;
	v5 =	vadd.f32 v9, v5  }
0x202: {  	v9 =	vld [tilespmem:s19+$0x50];
	v0 =	vmov v14  }
0x203: {  	v7 =	vld [tilespmem:s19+$0x0];
	v1 =	vmov v10  }
0x204: {  	v10 =	vld [tilespmem:s19+$0x10]  }
0x205: {  	v11 =	vld [tilespmem:s19+$0xFFFFFFC0]  }
0x206: {  	v13 =	vld [tilespmem:s19+$0xFFFFFFD0]  }
0x207: {  	v14 =	vld [tilespmem:s19+$0xFFFFFF80]  }
0x208: {  	v15 =	vld [tilespmem:s19+$0xFFFFFF90]  }
0x209: {  	v16 =	vld [tilespmem:s19+$0xFFFFFF40]  }
0x20a: {  	v17 =	vld [tilespmem:s19+$0xFFFFFF50]  }
0x20b: {  	v18 =	vld [tilespmem:s19+$0xFFFFFF00]  }
0x20c: {  	v19 =	vld [tilespmem:s19+$0xFFFFFF10]  }
0x20d: {  	v20 =	vld [tilespmem:s19+$0xFFFFFF20]  }
0x20e: {  	s18 =	sadd.s32 $0x8, s18;
	v21 =	vld [tilespmem:s19+$0xFFFFFF30]  }
0x20f: {  	p0 =	slt.u32 s18, $0xC0;
	v22 =	vld [tilespmem:s19+$0xFFFFFF60]  }
0x210: {  	v23 =	vld [tilespmem:s19+$0xFFFFFF70]  }
0x211: {  	v24 =	vld [tilespmem:s19+$0xFFFFFFA0]  }
0x212: {  	v6 =	vadd.f32 v18, v6;
	v8 =	vadd.f32 v19, v8;
	v18 =	vld [tilespmem:s19+$0xFFFFFFB0]  }
0x213: {  	v4 =	vadd.f32 v20, v4;
	v5 =	vadd.f32 v21, v5;
	v19 =	vld [tilespmem:s19+$0xFFFFFFE0]  }
0x214: {  	v6 =	vadd.f32 v16, v6;
	v8 =	vadd.f32 v17, v8;
	v16 =	vld [tilespmem:s19+$0xFFFFFFF0]  }
0x215: {  	v4 =	vadd.f32 v22, v4;
	v5 =	vadd.f32 v23, v5;
	v17 =	vld [tilespmem:s19+$0x20]  }
0x216: {  	v6 =	vadd.f32 v14, v6;
	v8 =	vadd.f32 v15, v8;
	v14 =	vld [tilespmem:s19+$0x30]  }
0x217: {  	v15 =	vadd.f32 v24, v4;
	v5 =	vadd.f32 v18, v5;
	v4 =	vld [tilespmem:s19+$0x60]  }
.Ltmp8:
0x218: {  	v11 =	vadd.f32 v11, v6;
	v8 =	vadd.f32 v13, v8;
	v6 =	vld [tilespmem:s19+$0x70];
	(pc) =	sbr.rel @p0 .LBB2_17-.Ltmp8, $4  }
0x219: {  	v13 =	vadd.f32 v19, v15;
	v15 =	vadd.f32 v16, v5;
	v5 =	vld [tilespmem:s19+$0xA0]  }
0x21a: {  	v16 =	vadd.f32 v7, v11;
	v18 =	vadd.f32 v10, v8;
	v8 =	vld [tilespmem:s19+$0xB0]  }
0x21b: {  	v11 =	vadd.f32 v17, v13;
	v10 =	vadd.f32 v14, v15;
	v7 =	vld [tilespmem:s19+$0xE0]  }
0x21c: {  	v13 =	vadd.f32 v12, v16;
	v12 =	vadd.f32 v9, v18;
	v9 =	vld [tilespmem:s19+$0xF0];
	s19 =	sadd.s32 $0x200, s19  }
0x21d: {  	_ = 	snop  }
0x21e: {  	v4 =	vadd.f32 v4, v11;
	v2 =	vadd.f32 v2, v13  }
0x21f: {  	v6 =	vadd.f32 v6, v10;
	v3 =	vadd.f32 v3, v12  }
0x220: {  	v4 =	vadd.f32 v5, v4;
	v0 =	vadd.f32 v0, v2  }
0x221: {  	v2 =	vadd.f32 v8, v6;
	v1 =	vadd.f32 v1, v3  }
0x222: {  	v3 =	vadd.f32 v7, v4;
	[tilespmem:$0x1AF80] =	vst v0  }
0x223: {  	v0 =	vadd.f32 v9, v2;
	[tilespmem:$0x1AF90] =	vst v1  }
0x224: {  	[tilespmem:$0x1AFA0] =	vst v3  }
0x225: {  	s19 =	simm.s32 $0x97F0;
	[tilespmem:$0x1AFB0] =	vst v0  }
0x226: {  	v0 =	vld [tilespmem:s19+$0xFFFFFFD0]  }
0x227: {  	v1 =	vld [tilespmem:s19+$0xFFFFFFE0]  }
0x228: {  	v2 =	vld [tilespmem:s19+$0xFFFFFF90]  }
0x229: {  	v3 =	vld [tilespmem:s19+$0xFFFFFFA0]  }
0x22a: {  	v9 =	vld [tilespmem:s19+$0xFFFFFF50]  }
0x22b: {  	v12 =	vld [tilespmem:s19+$0xFFFFFF60]  }
0x22c: {  	v7 =	vld [tilespmem:s19+$0xFFFFFF10]  }
0x22d: {  	v8 =	vld [tilespmem:s19+$0xFFFFFF20]  }
0x22e: {  	v5 =	vld [tilespmem:s19+$0xFFFFFED0]  }
0x22f: {  	v6 =	vld [tilespmem:s19+$0xFFFFFEE0]  }
0x230: {  	v4 =	vld [tilespmem:s19+$0xFFFFFE90]  }
0x231: {  	v10 =	vld [tilespmem:s19+$0xFFFFFEA0]  }
0x232: {  	v11 =	vld [tilespmem:s19+$0xFFFFFE50]  }
0x233: {  	v13 =	vld [tilespmem:s19+$0xFFFFFE60]  }
0x234: {  	v14 =	vld [tilespmem:s19+$0xFFFFFE10]  }
0x235: {  	v15 =	vld [tilespmem:s19+$0xFFFFFE20]  }
0x236: {  	v16 =	vld [tilespmem:s19+$0xFFFFFE30]  }
0x237: {  	v17 =	vld [tilespmem:s19+$0xFFFFFE40]  }
0x238: {  	v18 =	vld [tilespmem:s19+$0xFFFFFE70]  }
0x239: {  	v19 =	vld [tilespmem:s19+$0xFFFFFE80]  }
0x23a: {  	v20 =	vimm.f32 $0.0e+00;
	v21 =	vld [tilespmem:s19+$0xFFFFFEB0]  }
0x23b: {  	v22 =	vld [tilespmem:s19+$0xFFFFFEC0];
	v14 =	vadd.f32 v14, v20;
	v15 =	vadd.f32 v15, v20  }
0x23c: {  	v59 =	vld [tilespmem:s19+$0xFFFFFEF0];
	v16 =	vadd.f32 v16, v20;
	v17 =	vadd.f32 v17, v20  }
0x23d: {  	v11 =	vadd.f32 v11, v14;
	v13 =	vadd.f32 v13, v15;
	v14 =	vld [tilespmem:s19+$0xFFFFFF00]  }
0x23e: {  	v61 =	vld [tilespmem:s19+$0xFFFFFF30];
	v15 =	vadd.f32 v18, v16;
	v60 =	vadd.f32 v19, v17  }
0x23f: {  	v11 =	vadd.f32 v4, v11;
	v10 =	vadd.f32 v10, v13;
	v13 =	vld [tilespmem:s19+$0xFFFFFF40]  }
0x240: {  	v15 =	vadd.f32 v21, v15;
	v16 =	vadd.f32 v22, v60;
	v4 =	vld [tilespmem:s19+$0xFFFFFF70]  }
0x241: {  	v11 =	vadd.f32 v5, v11;
	v10 =	vadd.f32 v6, v10;
	v6 =	vld [tilespmem:s19+$0xFFFFFF80]  }
0x242: {  	v15 =	vadd.f32 v59, v15;
	v5 =	vld [tilespmem:s19+$0xFFFFFFB0];
	v14 =	vadd.f32 v14, v16  }
0x243: {  	v62 =	vadd.f32 v7, v11;
	v63 =	vadd.f32 v8, v10;
	v8 =	vld [tilespmem:s19+$0xFFFFFFC0]  }
0x244: {  	v11 =	vadd.f32 v61, v15;
	v7 =	vld [tilespmem:s19+$0xFFFFFFF0];
	v10 =	vadd.f32 v13, v14  }
0x245: {  	s18 =	simm.s32 $0x0;
	v13 =	vadd.f32 v9, v62;
	v12 =	vadd.f32 v12, v63;
	v9 =	vld [tilespmem:s19+$0x0];
	s19 =	simm.s32 $0x99F0  }
.LBB2_19:
0x246: {  	v14 =	vld [tilespmem:s19+$0xFFFFFFD0];
	v4 =	vadd.f32 v4, v11;
	v6 =	vadd.f32 v6, v10  }
0x247: {  	v10 =	vld [tilespmem:s19+$0xFFFFFFE0];
	v11 =	vadd.f32 v2, v13;
	v12 =	vadd.f32 v3, v12  }
0x248: {  	v2 =	vld [tilespmem:s19+$0xFFFFFF90];
	v4 =	vadd.f32 v5, v4;
	v5 =	vadd.f32 v8, v6  }
0x249: {  	v3 =	vld [tilespmem:s19+$0xFFFFFFA0];
	v6 =	vadd.f32 v0, v11;
	v8 =	vadd.f32 v1, v12  }
0x24a: {  	v12 =	vld [tilespmem:s19+$0xFFFFFF50];
	v4 =	vadd.f32 v7, v4;
	v5 =	vadd.f32 v9, v5  }
0x24b: {  	v9 =	vld [tilespmem:s19+$0xFFFFFF60];
	v0 =	vmov v14  }
0x24c: {  	v7 =	vld [tilespmem:s19+$0xFFFFFF10];
	v1 =	vmov v10  }
0x24d: {  	v10 =	vld [tilespmem:s19+$0xFFFFFF20]  }
0x24e: {  	v11 =	vld [tilespmem:s19+$0xFFFFFED0]  }
0x24f: {  	v13 =	vld [tilespmem:s19+$0xFFFFFEE0]  }
0x250: {  	v14 =	vld [tilespmem:s19+$0xFFFFFE90]  }
0x251: {  	v15 =	vld [tilespmem:s19+$0xFFFFFEA0]  }
0x252: {  	v16 =	vld [tilespmem:s19+$0xFFFFFE50]  }
0x253: {  	v17 =	vld [tilespmem:s19+$0xFFFFFE60]  }
0x254: {  	v18 =	vld [tilespmem:s19+$0xFFFFFE10]  }
0x255: {  	v19 =	vld [tilespmem:s19+$0xFFFFFE20]  }
0x256: {  	v20 =	vld [tilespmem:s19+$0xFFFFFE30]  }
0x257: {  	s18 =	sadd.s32 $0x8, s18;
	v21 =	vld [tilespmem:s19+$0xFFFFFE40]  }
0x258: {  	p0 =	slt.u32 s18, $0xC0;
	v22 =	vld [tilespmem:s19+$0xFFFFFE70]  }
0x259: {  	v23 =	vld [tilespmem:s19+$0xFFFFFE80]  }
0x25a: {  	v24 =	vld [tilespmem:s19+$0xFFFFFEB0]  }
0x25b: {  	v6 =	vadd.f32 v18, v6;
	v8 =	vadd.f32 v19, v8;
	v18 =	vld [tilespmem:s19+$0xFFFFFEC0]  }
0x25c: {  	v4 =	vadd.f32 v20, v4;
	v5 =	vadd.f32 v21, v5;
	v19 =	vld [tilespmem:s19+$0xFFFFFEF0]  }
0x25d: {  	v6 =	vadd.f32 v16, v6;
	v8 =	vadd.f32 v17, v8;
	v16 =	vld [tilespmem:s19+$0xFFFFFF00]  }
0x25e: {  	v4 =	vadd.f32 v22, v4;
	v5 =	vadd.f32 v23, v5;
	v17 =	vld [tilespmem:s19+$0xFFFFFF30]  }
0x25f: {  	v6 =	vadd.f32 v14, v6;
	v8 =	vadd.f32 v15, v8;
	v14 =	vld [tilespmem:s19+$0xFFFFFF40]  }
0x260: {  	v15 =	vadd.f32 v24, v4;
	v5 =	vadd.f32 v18, v5;
	v4 =	vld [tilespmem:s19+$0xFFFFFF70]  }
.Ltmp9:
0x261: {  	v11 =	vadd.f32 v11, v6;
	v8 =	vadd.f32 v13, v8;
	v6 =	vld [tilespmem:s19+$0xFFFFFF80];
	(pc) =	sbr.rel @p0 .LBB2_19-.Ltmp9, $4  }
0x262: {  	v13 =	vadd.f32 v19, v15;
	v15 =	vadd.f32 v16, v5;
	v5 =	vld [tilespmem:s19+$0xFFFFFFB0]  }
0x263: {  	v16 =	vadd.f32 v7, v11;
	v18 =	vadd.f32 v10, v8;
	v8 =	vld [tilespmem:s19+$0xFFFFFFC0]  }
0x264: {  	v11 =	vadd.f32 v17, v13;
	v10 =	vadd.f32 v14, v15;
	v7 =	vld [tilespmem:s19+$0xFFFFFFF0]  }
0x265: {  	v13 =	vadd.f32 v12, v16;
	v12 =	vadd.f32 v9, v18;
	v9 =	vld [tilespmem:s19+$0x0];
	s19 =	sadd.s32 $0x200, s19  }
0x266: {  	_ = 	snop  }
0x267: {  	v4 =	vadd.f32 v4, v11;
	v2 =	vadd.f32 v2, v13  }
0x268: {  	v6 =	vadd.f32 v6, v10;
	v3 =	vadd.f32 v3, v12  }
0x269: {  	v4 =	vadd.f32 v5, v4;
	v0 =	vadd.f32 v0, v2  }
0x26a: {  	v61 =	vadd.f32 v8, v6;
	v1 =	vadd.f32 v1, v3  }
0x26b: {  	v62 =	vadd.f32 v7, v4;
	[tilespmem:$0x1AFC0] =	vst v0  }
0x26c: {  	s17 =	sadd.s32 $0x1, s17;
	v63 =	vadd.f32 v9, v61;
	[tilespmem:$0x1AFD0] =	vst v1  }
0x26d: {  	p0 =	sne.s32 s17, s6;
	[tilespmem:$0x1AFE0] =	vst v62  }
.Ltmp10:
0x26e: {  	[tilespmem:$0x1AFF0] =	vst v63;
	(pc) =	sbr.rel @p0 .LBB2_1-.Ltmp10, $4  }
0x26f: {  	[hbm4b:s5+s2] =	stream.linear.scatter [tilespmem:s16], [sflag:$0x4], $0x2000, $0x38;
	[tilespmem:$0x1B000] =	vst v63  }
0x270: {  	_ =	swait.ge [sflag:s7], $0x2000  }
0x271: {  	[sflag:s7] =	ssyncset.done $0x0  }
0x272: {  	[sflag:s7] =	ssyncadd.s32 $0xFFFFE000  }
0x273: {  	_ =	sfence.sel $0x180000  }
0x274: {  	[bflag:$0x0] =	sbarrier.arrive $0xFFFF  }
0x275: {  	p0 =	sne.s32 s0, $0x0;
	_ =	strace $0x90000047  }
0x276: {  	s0 =	sadd.s32 @!p0 $0x100000, s1;
	[bflag:$0x2] =	sbarrier.arrive $0xFFFF  }
0x277: {  	[sflag:s0] =	ssyncadd.tile.s32 @!p0 $0x1;
	_ =	shalt  }
.Lfunc_end2:
_tile_overlayer_lowered:
.L_overlay_start_2:
0x278: {  	(tag) =	ssettag $0x2  }
0x279: {  	s0 =	rddreg [dreg:$0x0];
	s2 =	stileid.u32  }
0x27a: {  	s1 =	rddreg [dreg:$0x1];
	p0 =	sne.s32 s2, $0x0  }
0x27b: {  	s3 =	rddreg [dreg:$0x2];
	[bflag:$0x3] =	sbarrier.arrive $0xFFFF;
	s2 =	simm.s32 @!p0 $0x1C04  }
0x27c: {  	[timem:s3], [sflag:s2] =	dma.local @!p0 [hbm:s0], s1  }
0x27d: {  	s0 =	simm.s32 @!p0 $0x4  }
0x27e: {  	_ =	swait.ge @!p0 [sflag:s0], s1  }
0x27f: {  	s1 =	ssub.s32 @!p0 $0x0, s1;
	[sflag:s0] =	ssyncset.done @!p0 $0x0  }
0x280: {  	[sflag:s0] =	ssyncadd.s32 @!p0 s1  }
0x281: {  	[bflag:$0x3] =	sbarrier.arrive $0xFFFF  }
0x282: {  	_ =	shalt  }

</sc_bundles>
